<compile_context>
chip_gen: v7x
topology: tpu7x:2x2x1
jax: 0.10.2.dev20260603
libtpu: 0.0.44.dev20260713+nightly
codegen_flags: <defaults>
</compile_context>

<pallas_src>
import functools

import jax
import jax.numpy as jnp
from jax import lax
from jax.experimental import pallas as pl
from jax.experimental.pallas import tpu as pltpu
from jax.experimental.pallas import tpu_sc as plsc

EMB = 16
N_NODES = 100000
N_EDGES = 3200000
NC = 2
NS = 16
NW = NC * NS
CH = 128
N_CHUNKS = N_EDGES // CH
BASE_CHUNKS = N_CHUNKS // NW
EXTRA = N_CHUNKS - BASE_CHUNKS * NW

ZROW = 125
ZNCH = N_NODES // ZROW
ND = 4
CPROW = 1000
CPNCH = N_NODES // CPROW
CNT_N = 102400
CNT_CH = 1024
CNT_NCH = CNT_N // CNT_CH


def _sc_edge_kernel(T_hbm, ei_hbm, w_hbm, we_hbm, cv_hbm,
                    acc_out,
                    ei_v, sidx, wch_v, rows, mrows,
                    we_v, cv_v, zrows, acc_sh,
                    semI, semG, semS):
  cid = lax.axis_index("c")
  sid = lax.axis_index("s")
  wid = sid * NC + cid

  zero16 = jnp.zeros((16,), jnp.float32)

  def _z_zr(i, _):
    zrows[i] = zero16
    return 0
  lax.fori_loop(0, ZROW, _z_zr, 0)

  pltpu.sync_copy(we_hbm, we_v)
  pltpu.sync_copy(cv_hbm, cv_v)

  def _z_acc(k2, _):
    k = sid + k2 * NS

    @pl.when(k < ZNCH)
    def _():
      pltpu.sync_copy(zrows, acc_sh.at[pl.ds(k * ZROW, ZROW)])
    return 0
  lax.fori_loop(0, (ZNCH + NS - 1) // NS, _z_acc, 0)

  plsc.subcore_barrier()

  base = wid * BASE_CHUNKS + jnp.minimum(wid, EXTRA)
  count = BASE_CHUNKS + jnp.where(wid < EXTRA, 1, 0)

  def _issue_idx(k, b):
    off = (base + k) * CH
    pltpu.async_copy(ei_hbm.at[base + k], ei_v.at[b], semI)
    pltpu.async_copy(w_hbm.at[pl.ds(off, CH)], wch_v.at[b], semI)

  def _wait_idx(k, b):
    off = (base + k) * CH
    pltpu.make_async_copy(ei_hbm.at[base + k], ei_v.at[b],
                          semI).wait()
    pltpu.make_async_copy(w_hbm.at[pl.ds(off, CH)], wch_v.at[b],
                          semI).wait()

  def _issue_gather(b):
    pltpu.async_copy(T_hbm.at[ei_v.at[b]], rows.at[b], semG.at[b])

  def _wait_gather(b):
    pltpu.make_async_copy(T_hbm.at[ei_v.at[b]], rows.at[b],
                          semG.at[b]).wait()

  def _mk_sidx(b):
    for t in range(CH // 16):
      sidx[b, pl.ds(t * 16, 16)] = (
          ei_v[b, pl.ds(CH + t * 16, 16)] - N_NODES)

  def _issue_scatter(b4, b2):
    pltpu.async_copy(mrows.at[b2], acc_sh.at[sidx.at[b4]], semS,
                     add=True)

  def _wait_scatter(b4, b2):
    pltpu.make_async_copy(mrows.at[b2], acc_sh.at[sidx.at[b4]],
                          semS).wait()

  def _compute(b4, b2):
    we = we_v[...]
    cv = cv_v[...]

    def _group(g, _):
      wg = wch_v[b4, pl.ds(g * 16, 16)]
      base_i = g * 16
      for j in range(16):
        i = base_i + j
        wv = jnp.full((16,), wg[j])
        m = jnp.maximum(rows[b4, i] + rows[b4, CH + i] + wv * we, cv)
        mrows[b2, i] = m
      return 0
    lax.fori_loop(0, CH // 16, _group, 0)

  _issue_idx(0, 0)
  _wait_idx(0, 0)
  _issue_gather(0)
  _mk_sidx(0)
  _issue_idx(1, 1)
  _wait_idx(1, 1)
  _issue_gather(1)
  _mk_sidx(1)

  def _chunk(k, _):
    b4 = lax.rem(k, ND)
    b2 = lax.rem(k, 2)

    @pl.when(k > 0)
    def _():
      _wait_scatter(lax.rem(k - 1, ND), 1 - b2)

    @pl.when(k + 2 < count)
    def _():
      _issue_idx(k + 2, lax.rem(k + 2, ND))

    _wait_gather(b4)
    _compute(b4, b2)
    _issue_scatter(b4, b2)

    @pl.when(k + 2 < count)
    def _():
      _wait_idx(k + 2, lax.rem(k + 2, ND))
      _issue_gather(lax.rem(k + 2, ND))
      _mk_sidx(lax.rem(k + 2, ND))
    return 0
  lax.fori_loop(0, count, _chunk, 0)

  _wait_scatter(lax.rem(count - 1, ND), lax.rem(count - 1, 2))

  plsc.subcore_barrier()

  def _cp_acc(k2, _):
    k = sid + k2 * NS

    @pl.when(k < CPNCH)
    def _():
      r0 = k * CPROW
      pltpu.sync_copy(acc_sh.at[pl.ds(r0, CPROW)],
                      acc_out.at[cid, pl.ds(r0, CPROW)])
    return 0
  lax.fori_loop(0, (CPNCH + NS - 1) // NS, _cp_acc, 0)



def _sc_edge(T, ei, w, we, cv):
  mesh = plsc.VectorSubcoreMesh(core_axis_name="c", subcore_axis_name="s")
  f = pl.kernel(
      _sc_edge_kernel,
      out_type=jax.ShapeDtypeStruct((NC, N_NODES, EMB), jnp.float32),
      mesh=mesh,
      scratch_types=[
          pltpu.VMEM((ND, 2 * CH), jnp.int32),
          pltpu.VMEM((ND, CH), jnp.int32),
          pltpu.VMEM((ND, CH), jnp.float32),
          pltpu.VMEM((ND, 2 * CH, EMB), jnp.float32),
          pltpu.VMEM((2, CH, EMB), jnp.float32),
          pltpu.VMEM((EMB,), jnp.float32),
          pltpu.VMEM((EMB,), jnp.float32),
          pltpu.VMEM((ZROW, EMB), jnp.float32),
          pltpu.VMEM_SHARED((N_NODES, EMB), jnp.float32),
          pltpu.SemaphoreType.DMA,
          pltpu.SemaphoreType.DMA((ND,)),
          pltpu.SemaphoreType.DMA,
      ],
      compiler_params=pltpu.CompilerParams(use_tc_tiling_on_sc=False),
  )
  return f(T, ei, w, we, cv)



_BLK = 2000
_GRID = N_NODES // _BLK


def _pre_kernel(lf_ref, rf_ref, wl_ref, bl_ref, wr_ref, T_ref):
  T_ref[0] = jnp.dot(lf_ref[...], wl_ref[...],
                     preferred_element_type=jnp.float32) + bl_ref[...]
  T_ref[1] = jnp.dot(rf_ref[...], wr_ref[...],
                     preferred_element_type=jnp.float32)


def _tc_pre(lf, rf, W_l, b_l, W_r):
  in_row = pl.BlockSpec((_BLK, EMB), lambda i: (i, 0))
  w_spec = pl.BlockSpec((EMB, EMB), lambda i: (0, 0))
  b_spec = pl.BlockSpec((1, EMB), lambda i: (0, 0))
  out_spec = pl.BlockSpec((2, _BLK, EMB), lambda i: (0, i, 0))
  out = pl.pallas_call(
      _pre_kernel,
      grid=(_GRID,),
      in_specs=[in_row, in_row, w_spec, b_spec, w_spec],
      out_specs=out_spec,
      out_shape=jax.ShapeDtypeStruct((2, N_NODES, EMB), jnp.float32),
  )(lf, rf, W_l, b_l.reshape(1, EMB), W_r)
  return out.reshape(2 * N_NODES, EMB)


def _post_kernel(acc0_ref, acc1_ref, rf_ref, wf_ref,
                 wp_ref, bp_ref, wo1a_ref, wo1b_ref, bo1_ref, wo2_ref,
                 bo2_ref, out_ref):
  acc = acc0_ref[0] + acc1_ref[0]
  agg = jnp.dot(acc, wf_ref[...], preferred_element_type=jnp.float32,
                precision=jax.lax.Precision.HIGHEST)
  post = jnp.dot(jnp.maximum(agg, 0.0), wp_ref[...],
                 preferred_element_type=jnp.float32) + bp_ref[...]
  h = jnp.maximum(
      jnp.dot(post, wo1a_ref[...], preferred_element_type=jnp.float32)
      + jnp.dot(rf_ref[...], wo1b_ref[...],
                preferred_element_type=jnp.float32)
      + bo1_ref[...], 0.0)
  out_ref[...] = jnp.dot(h, wo2_ref[...],
                         preferred_element_type=jnp.float32) + bo2_ref[...]


def _tc_post(acc_parts, rf, W_f, W_p, b_p, W_o1a, W_o1b, b_o1,
             W_o2, b_o2):
  row_spec = pl.BlockSpec((_BLK, EMB), lambda i: (i, 0))
  acc0_spec = pl.BlockSpec((1, _BLK, EMB), lambda i: (0, i, 0))
  acc1_spec = pl.BlockSpec((1, _BLK, EMB), lambda i: (1, i, 0))
  w_spec = pl.BlockSpec((EMB, EMB), lambda i: (0, 0))
  b_spec = pl.BlockSpec((1, EMB), lambda i: (0, 0))
  return pl.pallas_call(
      _post_kernel,
      grid=(_GRID,),
      in_specs=[acc0_spec, acc1_spec, row_spec,
                w_spec, w_spec, b_spec,
                w_spec, w_spec, b_spec, w_spec, b_spec],
      out_specs=row_spec,
      out_shape=jax.ShapeDtypeStruct((N_NODES, EMB), jnp.float32),
  )(acc_parts, acc_parts, rf, W_f, W_p,
    b_p.reshape(1, EMB), W_o1a, W_o1b, b_o1.reshape(1, EMB), W_o2,
    b_o2.reshape(1, EMB))


@jax.jit
def kernel(left_features, edge_indices, edge_features, right_features,
           W_l, b_l, W_e, W_r, W_f, b_f, W_p, b_p, W_o1, b_o1, W_o2, b_o2):
  cv0 = jnp.linalg.solve(W_f.T, b_f)
  T = _tc_pre(left_features, right_features, W_l, b_l + cv0, W_r)
  w = edge_features[:, 0]
  we = W_e[0]
  ei3 = jnp.concatenate(
      [edge_indices[0].reshape(N_CHUNKS, CH),
       edge_indices[1].reshape(N_CHUNKS, CH) + N_NODES], axis=1)
  acc_parts = _sc_edge(T, ei3, w, we, cv0)
  out = _tc_post(acc_parts,
                 right_features, W_f, W_p, b_p,
                 W_o1[:EMB], W_o1[EMB:], b_o1, W_o2, b_o2)
  return out

# --- scband reference (transcript-rebuilt; emitter-appended) ---
"""Pipeline reference for scband-bipartite-graph-convolution-60610578481378 (READ-ONLY COPY).

The authoritative reference and input builder live on the scoring server;
editing this copy changes nothing except your own understanding.
"""

import jax, jax.numpy as jnp
import numpy as np

EMB = 16
N_LEFT = 100000
N_RIGHT = 100000
N_EDGES = 3200000


def setup_inputs(seed: int = 0) -> dict:
    key = jax.random.key(seed)
    ks = jax.random.split(key, 16)
    inp = {}
    inp['left_features'] = jax.random.normal(ks[0], (N_LEFT, EMB), dtype=jnp.float32)
    inp['edge_indices'] = jax.random.randint(ks[1], (2, N_EDGES), 0, N_RIGHT, dtype=jnp.int64 if jax.config.jax_enable_x64 else jnp.int32).astype(jnp.int32)
    inp['edge_features'] = jax.random.normal(ks[2], (N_EDGES, 1), dtype=jnp.float32)
    inp['right_features'] = jax.random.normal(ks[3], (N_RIGHT, EMB), dtype=jnp.float32)
    s = 0.1
    inp['W_l'] = jax.random.normal(ks[4], (EMB, EMB), dtype=jnp.float32) * s
    inp['b_l'] = jax.random.normal(ks[5], (EMB,), dtype=jnp.float32) * s
    inp['W_e'] = jax.random.normal(ks[6], (1, EMB), dtype=jnp.float32) * s
    inp['W_r'] = jax.random.normal(ks[7], (EMB, EMB), dtype=jnp.float32) * s
    inp['W_f'] = jax.random.normal(ks[8], (EMB, EMB), dtype=jnp.float32) * s
    inp['b_f'] = jax.random.normal(ks[9], (EMB,), dtype=jnp.float32) * s
    inp['W_p'] = jax.random.normal(ks[10], (EMB, EMB), dtype=jnp.float32) * s
    inp['b_p'] = jax.random.normal(ks[11], (EMB,), dtype=jnp.float32) * s
    inp['W_o1'] = jax.random.normal(ks[12], (2 * EMB, EMB), dtype=jnp.float32) * s
    inp['b_o1'] = jax.random.normal(ks[13], (EMB,), dtype=jnp.float32) * s
    inp['W_o2'] = jax.random.normal(ks[14], (EMB, EMB), dtype=jnp.float32) * s
    inp['b_o2'] = jax.random.normal(ks[15], (EMB,), dtype=jnp.float32) * s
    return inp


def reference(left_features, edge_indices, edge_features, right_features,
              W_l, b_l, W_e, W_r, W_f, b_f, W_p, b_p, W_o1, b_o1, W_o2, b_o2):
    n_right = right_features.shape[0]
    left_idx = edge_indices[0]
    right_idx = edge_indices[1]
    # per-edge messages
    msg_left = jnp.take(left_features, left_idx, axis=0) @ W_l + b_l
    msg_edge = edge_features @ W_e
    msg_right = jnp.take(right_features, right_idx, axis=0) @ W_r
    messages = jax.nn.relu(msg_left + msg_edge + msg_right) @ W_f + b_f
    # scatter-add aggregation onto right nodes
    aggregated = jax.ops.segment_sum(messages, right_idx, num_segments=n_right)
    post = jax.nn.relu(aggregated) @ W_p + b_p
    cat = jnp.concatenate([post, right_features], axis=-1)
    h = jax.nn.relu(cat @ W_o1 + b_o1)
    out = h @ W_o2 + b_o2
    return out

if __name__ == "__main__":
    import jax
    _d = setup_inputs()
    print(jax.jit(kernel)(*tuple(_d.values())))

</pallas_src>

<mosaic_0001>
#map = affine_map<(d0, d1) -> (0, 0)>
#map1 = affine_map<(d0, d1) -> (0)>
#map2 = affine_map<(d0, d1) -> (0, 0, 0)>
module attributes {stable_mosaic.version = 14 : i64} {
  func.func @_sc_edge_kernel(%arg0: i32, %arg1: i32, %arg2: memref<200000x16xf32, #tpu.memory_space<hbm>>, %arg3: memref<25000x256xi32, #tpu.memory_space<hbm>>, %arg4: memref<3200000xf32, #tpu.memory_space<hbm>>, %arg5: memref<16xf32, #tpu.memory_space<hbm>>, %arg6: memref<16xf32, #tpu.memory_space<hbm>>, %arg7: memref<2x100000x16xf32, #tpu.memory_space<hbm>>, %arg8: memref<4x256xi32, #tpu.memory_space<vmem>>, %arg9: memref<4x128xi32, #tpu.memory_space<vmem>>, %arg10: memref<4x128xf32, #tpu.memory_space<vmem>>, %arg11: memref<4x256x16xf32, #tpu.memory_space<vmem>>, %arg12: memref<2x128x16xf32, #tpu.memory_space<vmem>>, %arg13: memref<16xf32, #tpu.memory_space<vmem>>, %arg14: memref<16xf32, #tpu.memory_space<vmem>>, %arg15: memref<125x16xf32, #tpu.memory_space<vmem>>, %arg16: memref<100000x16xf32, #tpu.memory_space<vmem_shared>>, %arg17: memref<!tpu.dma_semaphore, #tpu.memory_space<semaphore_mem>>, %arg18: memref<4x!tpu.dma_semaphore, #tpu.memory_space<semaphore_mem>>, %arg19: memref<!tpu.dma_semaphore, #tpu.memory_space<semaphore_mem>>) attributes {dimension_semantics = [#tpu.dimension_semantics<core_parallel>, #tpu.dimension_semantics<subcore_parallel>], iteration_bounds = array<i64: 2, 16>, scalar_prefetch = 0 : i64, scratch_operands = 12 : i64, tpu.core_type = #tpu.core_type<sc_vector_subcore>, window_params = [{transform_indices = #map}, {transform_indices = #map}, {transform_indices = #map1}, {transform_indices = #map1}, {transform_indices = #map1}, {transform_indices = #map2}]} {
    %mul3A = arith.constant 2 : i32
    %mul3A_0 = arith.muli %arg1, %mul3A : i32
    %add3A = arith.addi %mul3A_0, %arg0 : i32
    %broadcast_in_dim3A = arith.constant 0.000000e+00 : f32
    %broadcast_in_dim3A_1 = vector.broadcast %broadcast_in_dim3A : f32 to vector<16xf32>
    %scan3A = arith.constant 0 : i32
    %scan3A_2 = arith.constant 0 : i32
    %scan3A_3 = arith.constant 125 : i32
    %scan3A_4 = arith.addi %scan3A_2, %scan3A_3 : i32
    %scan3A_5 = arith.constant 1 : i32
    %scan3A_6 = scf.for %scan3A_420 = %scan3A_2 to %scan3A_4 step %scan3A_5 iter_args(%scan3A_421 = %scan3A) -> (i32)  : i32 {
      %swap3A_422 = arith.index_cast %scan3A_420 : i32 to index
      %swap3A_423 = arith.constant 0 : index
      %swap3A_424 = tpu.vector_load %arg15[%swap3A_422, %swap3A_423] {strides = array<i32>} : memref<125x16xf32, #tpu.memory_space<vmem>>, vector<1x16xf32>,
      %swap3A_425 = vector.shape_cast %swap3A_424 : vector<1x16xf32> to vector<16xf32>
      %swap3A_426 = vector.shape_cast %broadcast_in_dim3A_1 : vector<16xf32> to vector<1x16xf32>
      tpu.vector_store %arg15[%swap3A_422, %swap3A_423], %swap3A_426 {strides = array<i32>} : memref<125x16xf32, #tpu.memory_space<vmem>>, vector<1x16xf32>,
      %scan3A_427 = arith.constant 0 : i32
      scf.yield %scan3A_427 : i32
    }
    %scan3A_7 = arith.constant 125 : i32
    "tpu.region"() ({
      %run_scoped3A = tpu.sem_alloc : memref<!tpu.dma_semaphore, #tpu.memory_space<semaphore_mem>>
      tpu.enqueue_dma source(%arg5 : memref<16xf32, #tpu.memory_space<hbm>>) target(%arg13 : memref<16xf32, #tpu.memory_space<vmem>>) target_semaphore(%run_scoped3A : memref<!tpu.dma_semaphore, #tpu.memory_space<semaphore_mem>>)
      tpu.wait_dma2 semaphore(%run_scoped3A : memref<!tpu.dma_semaphore, #tpu.memory_space<semaphore_mem>>) src(%arg5 : memref<16xf32, #tpu.memory_space<hbm>>) dst(%arg13 : memref<16xf32, #tpu.memory_space<vmem>>)
      tpu.yield
    }) : () -> ()
    "tpu.region"() ({
      %run_scoped3A = tpu.sem_alloc : memref<!tpu.dma_semaphore, #tpu.memory_space<semaphore_mem>>
      tpu.enqueue_dma source(%arg6 : memref<16xf32, #tpu.memory_space<hbm>>) target(%arg14 : memref<16xf32, #tpu.memory_space<vmem>>) target_semaphore(%run_scoped3A : memref<!tpu.dma_semaphore, #tpu.memory_space<semaphore_mem>>)
      tpu.wait_dma2 semaphore(%run_scoped3A : memref<!tpu.dma_semaphore, #tpu.memory_space<semaphore_mem>>) src(%arg6 : memref<16xf32, #tpu.memory_space<hbm>>) dst(%arg14 : memref<16xf32, #tpu.memory_space<vmem>>)
      tpu.yield
    }) : () -> ()
    %scan3A_8 = arith.constant 0 : i32
    %scan3A_9 = arith.constant 0 : i32
    %scan3A_10 = arith.constant 50 : i32
    %scan3A_11 = arith.addi %scan3A_9, %scan3A_10 : i32
    %scan3A_12 = arith.constant 1 : i32
    %scan3A_13 = scf.for %scan3A_420 = %scan3A_9 to %scan3A_11 step %scan3A_12 iter_args(%scan3A_421 = %scan3A_8) -> (i32)  : i32 {
      %mul3A_422 = arith.constant 16 : i32
      %mul3A_423 = arith.muli %scan3A_420, %mul3A_422 : i32
      %add3A_424 = arith.addi %arg1, %mul3A_423 : i32
      %lt3A_425 = arith.constant 800 : i32
      %lt3A_426 = arith.cmpi slt, %add3A_424, %lt3A_425 : i32
      %convert_element_type3A = arith.extui %lt3A_426 : i1 to i32
      %cond3A = arith.constant 0 : i32
      %cond3A_427 = arith.cmpi ne, %convert_element_type3A, %cond3A : i32
      scf.if %cond3A_427 {
        %mul3A_429 = arith.constant 125 : i32
        %mul3A_430 = arith.muli %add3A_424, %mul3A_429 : i32
        "tpu.region"() ({
          %run_scoped3A = tpu.sem_alloc : memref<!tpu.dma_semaphore, #tpu.memory_space<semaphore_mem>>
          %dma_start3A_431 = arith.constant 0 : i32
          %dma_start3A_432 = tpu.memref_slice %arg16[%mul3A_430, %dma_start3A_431] : memref<100000x16xf32, #tpu.memory_space<vmem_shared>> -> memref<125x16xf32, #tpu.memory_space<vmem_shared>>
          %dma_start3A_433 = arith.constant 0 : i32
          %dma_start3A_434 = tpu.memref_slice %arg16[%mul3A_430, %dma_start3A_433] : memref<100000x16xf32, #tpu.memory_space<vmem_shared>> -> memref<125x16xf32, #tpu.memory_space<vmem_shared>>
          tpu.enqueue_dma source(%arg15 : memref<125x16xf32, #tpu.memory_space<vmem>>) target(%dma_start3A_434 : memref<125x16xf32, #tpu.memory_space<vmem_shared>>) target_semaphore(%run_scoped3A : memref<!tpu.dma_semaphore, #tpu.memory_space<semaphore_mem>>)
          %dma_wait3A_435 = arith.constant 0 : i32
          %dma_wait3A_436 = tpu.memref_slice %arg16[%mul3A_430, %dma_wait3A_435] : memref<100000x16xf32, #tpu.memory_space<vmem_shared>> -> memref<125x16xf32, #tpu.memory_space<vmem_shared>>
          %dma_wait3A_437 = arith.constant 0 : i32
          %dma_wait3A_438 = tpu.memref_slice %arg16[%mul3A_430, %dma_wait3A_437] : memref<100000x16xf32, #tpu.memory_space<vmem_shared>> -> memref<125x16xf32, #tpu.memory_space<vmem_shared>>
          tpu.wait_dma2 semaphore(%run_scoped3A : memref<!tpu.dma_semaphore, #tpu.memory_space<semaphore_mem>>) src(%arg15 : memref<125x16xf32, #tpu.memory_space<vmem>>) dst(%dma_wait3A_438 : memref<125x16xf32, #tpu.memory_space<vmem_shared>>)
          tpu.yield
        }) : () -> ()
      } else {
      }
      %scan3A_428 = arith.constant 0 : i32
      scf.yield %scan3A_428 : i32
    }
    %scan3A_14 = arith.constant 50 : i32
    %barrier3A = arith.constant 0 : index
    tpu.barrier barrier_id(%barrier3A)
    %mul3A_15 = arith.constant 781 : i32
    %mul3A_16 = arith.muli %add3A, %mul3A_15 : i32
    %min3A = arith.constant 8 : i32
    %min3A_17 = arith.minsi %add3A, %min3A : i32
    %add3A_18 = arith.addi %mul3A_16, %min3A_17 : i32
    %lt3A = arith.constant 8 : i32
    %lt3A_19 = arith.cmpi slt, %add3A, %lt3A : i32
    %jit3A = arith.constant 1 : i32
    %jit3A_20 = arith.constant 0 : i32
    %select_n3A = arith.select %lt3A_19, %jit3A, %jit3A_20 : i32
    %add3A_21 = arith.constant 781 : i32
    %add3A_22 = arith.addi %add3A_21, %select_n3A : i32
    %add3A_23 = arith.constant 0 : i32
    %add3A_24 = arith.addi %add3A_18, %add3A_23 : i32
    %mul3A_25 = arith.constant 128 : i32
    %mul3A_26 = arith.muli %add3A_24, %mul3A_25 : i32
    %add3A_27 = arith.constant 0 : i32
    %add3A_28 = arith.addi %add3A_18, %add3A_27 : i32
    %dma_start3A = arith.constant 0 : i32
    %dma_start3A_29 = arith.constant 0 : i32
    %dma_start3A_30 = tpu.memref_slice %arg8[%dma_start3A, %dma_start3A_29] : memref<4x256xi32, #tpu.memory_space<vmem>> -> memref<1x256xi32, #tpu.memory_space<vmem>>
    %dma_start3A_31 = tpu.memref_squeeze %dma_start3A_30 : memref<1x256xi32, #tpu.memory_space<vmem>> -> memref<256xi32, #tpu.memory_space<vmem>>
    %dma_start3A_32 = arith.constant 0 : i32
    %dma_start3A_33 = tpu.memref_slice %arg3[%add3A_28, %dma_start3A_32] : memref<25000x256xi32, #tpu.memory_space<hbm>> -> memref<1x256xi32, #tpu.memory_space<hbm>>
    %dma_start3A_34 = tpu.memref_squeeze %dma_start3A_33 : memref<1x256xi32, #tpu.memory_space<hbm>> -> memref<256xi32, #tpu.memory_space<hbm>>
    %dma_start3A_35 = arith.constant 0 : i32
    %dma_start3A_36 = tpu.memref_slice %arg8[%dma_start3A, %dma_start3A_35] : memref<4x256xi32, #tpu.memory_space<vmem>> -> memref<1x256xi32, #tpu.memory_space<vmem>>
    %dma_start3A_37 = tpu.memref_squeeze %dma_start3A_36 : memref<1x256xi32, #tpu.memory_space<vmem>> -> memref<256xi32, #tpu.memory_space<vmem>>
    %dma_start3A_38 = arith.constant 0 : i32
    %dma_start3A_39 = tpu.memref_slice %arg3[%add3A_28, %dma_start3A_38] : memref<25000x256xi32, #tpu.memory_space<hbm>> -> memref<1x256xi32, #tpu.memory_space<hbm>>
    %dma_start3A_40 = tpu.memref_squeeze %dma_start3A_39 : memref<1x256xi32, #tpu.memory_space<hbm>> -> memref<256xi32, #tpu.memory_space<hbm>>
    tpu.enqueue_dma source(%dma_start3A_40 : memref<256xi32, #tpu.memory_space<hbm>>) target(%dma_start3A_37 : memref<256xi32, #tpu.memory_space<vmem>>) target_semaphore(%arg17 : memref<!tpu.dma_semaphore, #tpu.memory_space<semaphore_mem>>)
    %dma_start3A_41 = arith.constant 0 : i32
    %dma_start3A_42 = arith.constant 0 : i32
    %dma_start3A_43 = tpu.memref_slice %arg10[%dma_start3A_41, %dma_start3A_42] : memref<4x128xf32, #tpu.memory_space<vmem>> -> memref<1x128xf32, #tpu.memory_space<vmem>>
    %dma_start3A_44 = tpu.memref_squeeze %dma_start3A_43 : memref<1x128xf32, #tpu.memory_space<vmem>> -> memref<128xf32, #tpu.memory_space<vmem>>
    %dma_start3A_45 = tpu.memref_slice %arg4[%mul3A_26] : memref<3200000xf32, #tpu.memory_space<hbm>> -> memref<128xf32, #tpu.memory_space<hbm>>
    %dma_start3A_46 = arith.constant 0 : i32
    %dma_start3A_47 = tpu.memref_slice %arg10[%dma_start3A_41, %dma_start3A_46] : memref<4x128xf32, #tpu.memory_space<vmem>> -> memref<1x128xf32, #tpu.memory_space<vmem>>
    %dma_start3A_48 = tpu.memref_squeeze %dma_start3A_47 : memref<1x128xf32, #tpu.memory_space<vmem>> -> memref<128xf32, #tpu.memory_space<vmem>>
    %dma_start3A_49 = tpu.memref_slice %arg4[%mul3A_26] : memref<3200000xf32, #tpu.memory_space<hbm>> -> memref<128xf32, #tpu.memory_space<hbm>>
    tpu.enqueue_dma source(%dma_start3A_49 : memref<128xf32, #tpu.memory_space<hbm>>) target(%dma_start3A_48 : memref<128xf32, #tpu.memory_space<vmem>>) target_semaphore(%arg17 : memref<!tpu.dma_semaphore, #tpu.memory_space<semaphore_mem>>)
    %add3A_50 = arith.constant 0 : i32
    %add3A_51 = arith.addi %add3A_18, %add3A_50 : i32
    %mul3A_52 = arith.constant 128 : i32
    %mul3A_53 = arith.muli %add3A_51, %mul3A_52 : i32
    %add3A_54 = arith.constant 0 : i32
    %add3A_55 = arith.addi %add3A_18, %add3A_54 : i32
    %dma_wait3A = arith.constant 0 : i32
    %dma_wait3A_56 = arith.constant 0 : i32
    %dma_wait3A_57 = tpu.memref_slice %arg8[%dma_wait3A, %dma_wait3A_56] : memref<4x256xi32, #tpu.memory_space<vmem>> -> memref<1x256xi32, #tpu.memory_space<vmem>>
    %dma_wait3A_58 = tpu.memref_squeeze %dma_wait3A_57 : memref<1x256xi32, #tpu.memory_space<vmem>> -> memref<256xi32, #tpu.memory_space<vmem>>
    %dma_wait3A_59 = arith.constant 0 : i32
    %dma_wait3A_60 = tpu.memref_slice %arg3[%add3A_55, %dma_wait3A_59] : memref<25000x256xi32, #tpu.memory_space<hbm>> -> memref<1x256xi32, #tpu.memory_space<hbm>>
    %dma_wait3A_61 = tpu.memref_squeeze %dma_wait3A_60 : memref<1x256xi32, #tpu.memory_space<hbm>> -> memref<256xi32, #tpu.memory_space<hbm>>
    %dma_wait3A_62 = arith.constant 0 : i32
    %dma_wait3A_63 = tpu.memref_slice %arg8[%dma_wait3A, %dma_wait3A_62] : memref<4x256xi32, #tpu.memory_space<vmem>> -> memref<1x256xi32, #tpu.memory_space<vmem>>
    %dma_wait3A_64 = tpu.memref_squeeze %dma_wait3A_63 : memref<1x256xi32, #tpu.memory_space<vmem>> -> memref<256xi32, #tpu.memory_space<vmem>>
    %dma_wait3A_65 = arith.constant 0 : i32
    %dma_wait3A_66 = tpu.memref_slice %arg3[%add3A_55, %dma_wait3A_65] : memref<25000x256xi32, #tpu.memory_space<hbm>> -> memref<1x256xi32, #tpu.memory_space<hbm>>
    %dma_wait3A_67 = tpu.memref_squeeze %dma_wait3A_66 : memref<1x256xi32, #tpu.memory_space<hbm>> -> memref<256xi32, #tpu.memory_space<hbm>>
    tpu.wait_dma2 semaphore(%arg17 : memref<!tpu.dma_semaphore, #tpu.memory_space<semaphore_mem>>) src(%dma_wait3A_67 : memref<256xi32, #tpu.memory_space<hbm>>) dst(%dma_wait3A_64 : memref<256xi32, #tpu.memory_space<vmem>>)
    %dma_wait3A_68 = arith.constant 0 : i32
    %dma_wait3A_69 = arith.constant 0 : i32
    %dma_wait3A_70 = tpu.memref_slice %arg10[%dma_wait3A_68, %dma_wait3A_69] : memref<4x128xf32, #tpu.memory_space<vmem>> -> memref<1x128xf32, #tpu.memory_space<vmem>>
    %dma_wait3A_71 = tpu.memref_squeeze %dma_wait3A_70 : memref<1x128xf32, #tpu.memory_space<vmem>> -> memref<128xf32, #tpu.memory_space<vmem>>
    %dma_wait3A_72 = tpu.memref_slice %arg4[%mul3A_53] : memref<3200000xf32, #tpu.memory_space<hbm>> -> memref<128xf32, #tpu.memory_space<hbm>>
    %dma_wait3A_73 = arith.constant 0 : i32
    %dma_wait3A_74 = tpu.memref_slice %arg10[%dma_wait3A_68, %dma_wait3A_73] : memref<4x128xf32, #tpu.memory_space<vmem>> -> memref<1x128xf32, #tpu.memory_space<vmem>>
    %dma_wait3A_75 = tpu.memref_squeeze %dma_wait3A_74 : memref<1x128xf32, #tpu.memory_space<vmem>> -> memref<128xf32, #tpu.memory_space<vmem>>
    %dma_wait3A_76 = tpu.memref_slice %arg4[%mul3A_53] : memref<3200000xf32, #tpu.memory_space<hbm>> -> memref<128xf32, #tpu.memory_space<hbm>>
    tpu.wait_dma2 semaphore(%arg17 : memref<!tpu.dma_semaphore, #tpu.memory_space<semaphore_mem>>) src(%dma_wait3A_76 : memref<128xf32, #tpu.memory_space<hbm>>) dst(%dma_wait3A_75 : memref<128xf32, #tpu.memory_space<vmem>>)
    %dma_start3A_77 = arith.constant 0 : i32
    %dma_start3A_78 = arith.constant 0 : i32
    %dma_start3A_79 = arith.constant 0 : i32
    %dma_start3A_80 = arith.constant 0 : i32
    %dma_start3A_81 = arith.constant 0 : i32
    %dma_start3A_82 = tpu.memref_slice %arg11[%dma_start3A_78, %dma_start3A_80, %dma_start3A_81] : memref<4x256x16xf32, #tpu.memory_space<vmem>> -> memref<1x256x16xf32, #tpu.memory_space<vmem>>
    %dma_start3A_83 = tpu.memref_squeeze %dma_start3A_82 : memref<1x256x16xf32, #tpu.memory_space<vmem>> -> memref<256x16xf32, #tpu.memory_space<vmem>>
    %dma_start3A_84 = arith.constant 0 : i32
    %dma_start3A_85 = tpu.memref_slice %arg8[%dma_start3A_77, %dma_start3A_84] : memref<4x256xi32, #tpu.memory_space<vmem>> -> memref<1x256xi32, #tpu.memory_space<vmem>>
    %dma_start3A_86 = tpu.memref_squeeze %dma_start3A_85 : memref<1x256xi32, #tpu.memory_space<vmem>> -> memref<256xi32, #tpu.memory_space<vmem>>
    %dma_start3A_87 = arith.constant 0 : i32
    %dma_start3A_88 = arith.constant 0 : i32
    %dma_start3A_89 = tpu.memref_slice %arg2[%dma_start3A_87, %dma_start3A_88] : memref<200000x16xf32, #tpu.memory_space<hbm>> -> memref<200000x16xf32, #tpu.memory_space<hbm>>
    %dma_start3A_90 = tpu.memref_slice %arg18[%dma_start3A_79] : memref<4x!tpu.dma_semaphore, #tpu.memory_space<semaphore_mem>> -> memref<1x!tpu.dma_semaphore, #tpu.memory_space<semaphore_mem>>
    %dma_start3A_91 = tpu.memref_squeeze %dma_start3A_90 : memref<1x!tpu.dma_semaphore, #tpu.memory_space<semaphore_mem>> -> memref<!tpu.dma_semaphore, #tpu.memory_space<semaphore_mem>>
    tpu.enqueue_indirect_dma source(%dma_start3A_89 : memref<200000x16xf32, #tpu.memory_space<hbm>>) target(%dma_start3A_83 : memref<256x16xf32, #tpu.memory_space<vmem>>) offsets(%dma_start3A_86 : memref<256xi32, #tpu.memory_space<vmem>>) semaphore(%dma_start3A_91 : memref<!tpu.dma_semaphore, #tpu.memory_space<semaphore_mem>>)
    %get3A = arith.constant 0 : i32
    %get3A_92 = arith.index_cast %get3A : i32 to index
    %get3A_93 = arith.constant 128 : index
    %get3A_94 = tpu.vector_load %arg8[%get3A_92, %get3A_93] {strides = array<i32>} : memref<4x256xi32, #tpu.memory_space<vmem>>, vector<1x16xi32>,
    %get3A_95 = vector.shape_cast %get3A_94 : vector<1x16xi32> to vector<16xi32>
    %sub3A = arith.constant 100000 : i32
    %sub3A_96 = vector.broadcast %sub3A : i32 to vector<16xi32>
    %sub3A_97 = arith.subi %get3A_95, %sub3A_96 : vector<16xi32>
    %swap3A = arith.constant 0 : i32
    %swap3A_98 = arith.index_cast %swap3A : i32 to index
    %swap3A_99 = arith.constant 0 : index
    %swap3A_100 = tpu.vector_load %arg9[%swap3A_98, %swap3A_99] {strides = array<i32>} : memref<4x128xi32, #tpu.memory_space<vmem>>, vector<1x16xi32>,
    %swap3A_101 = vector.shape_cast %swap3A_100 : vector<1x16xi32> to vector<16xi32>
    %swap3A_102 = vector.shape_cast %sub3A_97 : vector<16xi32> to vector<1x16xi32>
    tpu.vector_store %arg9[%swap3A_98, %swap3A_99], %swap3A_102 {strides = array<i32>} : memref<4x128xi32, #tpu.memory_space<vmem>>, vector<1x16xi32>,
    %get3A_103 = arith.constant 0 : i32
    %get3A_104 = arith.index_cast %get3A_103 : i32 to index
    %get3A_105 = arith.constant 144 : index
    %get3A_106 = tpu.vector_load %arg8[%get3A_104, %get3A_105] {strides = array<i32>} : memref<4x256xi32, #tpu.memory_space<vmem>>, vector<1x16xi32>,
    %get3A_107 = vector.shape_cast %get3A_106 : vector<1x16xi32> to vector<16xi32>
    %sub3A_108 = arith.constant 100000 : i32
    %sub3A_109 = vector.broadcast %sub3A_108 : i32 to vector<16xi32>
    %sub3A_110 = arith.subi %get3A_107, %sub3A_109 : vector<16xi32>
    %swap3A_111 = arith.constant 0 : i32
    %swap3A_112 = arith.index_cast %swap3A_111 : i32 to index
    %swap3A_113 = arith.constant 16 : index
    %swap3A_114 = tpu.vector_load %arg9[%swap3A_112, %swap3A_113] {strides = array<i32>} : memref<4x128xi32, #tpu.memory_space<vmem>>, vector<1x16xi32>,
    %swap3A_115 = vector.shape_cast %swap3A_114 : vector<1x16xi32> to vector<16xi32>
    %swap3A_116 = vector.shape_cast %sub3A_110 : vector<16xi32> to vector<1x16xi32>
    tpu.vector_store %arg9[%swap3A_112, %swap3A_113], %swap3A_116 {strides = array<i32>} : memref<4x128xi32, #tpu.memory_space<vmem>>, vector<1x16xi32>,
    %get3A_117 = arith.constant 0 : i32
    %get3A_118 = arith.index_cast %get3A_117 : i32 to index
    %get3A_119 = arith.constant 160 : index
    %get3A_120 = tpu.vector_load %arg8[%get3A_118, %get3A_119] {strides = array<i32>} : memref<4x256xi32, #tpu.memory_space<vmem>>, vector<1x16xi32>,
    %get3A_121 = vector.shape_cast %get3A_120 : vector<1x16xi32> to vector<16xi32>
    %sub3A_122 = arith.constant 100000 : i32
    %sub3A_123 = vector.broadcast %sub3A_122 : i32 to vector<16xi32>
    %sub3A_124 = arith.subi %get3A_121, %sub3A_123 : vector<16xi32>
    %swap3A_125 = arith.constant 0 : i32
    %swap3A_126 = arith.index_cast %swap3A_125 : i32 to index
    %swap3A_127 = arith.constant 32 : index
    %swap3A_128 = tpu.vector_load %arg9[%swap3A_126, %swap3A_127] {strides = array<i32>} : memref<4x128xi32, #tpu.memory_space<vmem>>, vector<1x16xi32>,
    %swap3A_129 = vector.shape_cast %swap3A_128 : vector<1x16xi32> to vector<16xi32>
    %swap3A_130 = vector.shape_cast %sub3A_124 : vector<16xi32> to vector<1x16xi32>
    tpu.vector_store %arg9[%swap3A_126, %swap3A_127], %swap3A_130 {strides = array<i32>} : memref<4x128xi32, #tpu.memory_space<vmem>>, vector<1x16xi32>,
    %get3A_131 = arith.constant 0 : i32
    %get3A_132 = arith.index_cast %get3A_131 : i32 to index
    %get3A_133 = arith.constant 176 : index
    %get3A_134 = tpu.vector_load %arg8[%get3A_132, %get3A_133] {strides = array<i32>} : memref<4x256xi32, #tpu.memory_space<vmem>>, vector<1x16xi32>,
    %get3A_135 = vector.shape_cast %get3A_134 : vector<1x16xi32> to vector<16xi32>
    %sub3A_136 = arith.constant 100000 : i32
    %sub3A_137 = vector.broadcast %sub3A_136 : i32 to vector<16xi32>
    %sub3A_138 = arith.subi %get3A_135, %sub3A_137 : vector<16xi32>
    %swap3A_139 = arith.constant 0 : i32
    %swap3A_140 = arith.index_cast %swap3A_139 : i32 to index
    %swap3A_141 = arith.constant 48 : index
    %swap3A_142 = tpu.vector_load %arg9[%swap3A_140, %swap3A_141] {strides = array<i32>} : memref<4x128xi32, #tpu.memory_space<vmem>>, vector<1x16xi32>,
    %swap3A_143 = vector.shape_cast %swap3A_142 : vector<1x16xi32> to vector<16xi32>
    %swap3A_144 = vector.shape_cast %sub3A_138 : vector<16xi32> to vector<1x16xi32>
    tpu.vector_store %arg9[%swap3A_140, %swap3A_141], %swap3A_144 {strides = array<i32>} : memref<4x128xi32, #tpu.memory_space<vmem>>, vector<1x16xi32>,
    %get3A_145 = arith.constant 0 : i32
    %get3A_146 = arith.index_cast %get3A_145 : i32 to index
    %get3A_147 = arith.constant 192 : index
    %get3A_148 = tpu.vector_load %arg8[%get3A_146, %get3A_147] {strides = array<i32>} : memref<4x256xi32, #tpu.memory_space<vmem>>, vector<1x16xi32>,
    %get3A_149 = vector.shape_cast %get3A_148 : vector<1x16xi32> to vector<16xi32>
    %sub3A_150 = arith.constant 100000 : i32
    %sub3A_151 = vector.broadcast %sub3A_150 : i32 to vector<16xi32>
    %sub3A_152 = arith.subi %get3A_149, %sub3A_151 : vector<16xi32>
    %swap3A_153 = arith.constant 0 : i32
    %swap3A_154 = arith.index_cast %swap3A_153 : i32 to index
    %swap3A_155 = arith.constant 64 : index
    %swap3A_156 = tpu.vector_load %arg9[%swap3A_154, %swap3A_155] {strides = array<i32>} : memref<4x128xi32, #tpu.memory_space<vmem>>, vector<1x16xi32>,
    %swap3A_157 = vector.shape_cast %swap3A_156 : vector<1x16xi32> to vector<16xi32>
    %swap3A_158 = vector.shape_cast %sub3A_152 : vector<16xi32> to vector<1x16xi32>
    tpu.vector_store %arg9[%swap3A_154, %swap3A_155], %swap3A_158 {strides = array<i32>} : memref<4x128xi32, #tpu.memory_space<vmem>>, vector<1x16xi32>,
    %get3A_159 = arith.constant 0 : i32
    %get3A_160 = arith.index_cast %get3A_159 : i32 to index
    %get3A_161 = arith.constant 208 : index
    %get3A_162 = tpu.vector_load %arg8[%get3A_160, %get3A_161] {strides = array<i32>} : memref<4x256xi32, #tpu.memory_space<vmem>>, vector<1x16xi32>,
    %get3A_163 = vector.shape_cast %get3A_162 : vector<1x16xi32> to vector<16xi32>
    %sub3A_164 = arith.constant 100000 : i32
    %sub3A_165 = vector.broadcast %sub3A_164 : i32 to vector<16xi32>
    %sub3A_166 = arith.subi %get3A_163, %sub3A_165 : vector<16xi32>
    %swap3A_167 = arith.constant 0 : i32
    %swap3A_168 = arith.index_cast %swap3A_167 : i32 to index
    %swap3A_169 = arith.constant 80 : index
    %swap3A_170 = tpu.vector_load %arg9[%swap3A_168, %swap3A_169] {strides = array<i32>} : memref<4x128xi32, #tpu.memory_space<vmem>>, vector<1x16xi32>,
    %swap3A_171 = vector.shape_cast %swap3A_170 : vector<1x16xi32> to vector<16xi32>
    %swap3A_172 = vector.shape_cast %sub3A_166 : vector<16xi32> to vector<1x16xi32>
    tpu.vector_store %arg9[%swap3A_168, %swap3A_169], %swap3A_172 {strides = array<i32>} : memref<4x128xi32, #tpu.memory_space<vmem>>, vector<1x16xi32>,
    %get3A_173 = arith.constant 0 : i32
    %get3A_174 = arith.index_cast %get3A_173 : i32 to index
    %get3A_175 = arith.constant 224 : index
    %get3A_176 = tpu.vector_load %arg8[%get3A_174, %get3A_175] {strides = array<i32>} : memref<4x256xi32, #tpu.memory_space<vmem>>, vector<1x16xi32>,
    %get3A_177 = vector.shape_cast %get3A_176 : vector<1x16xi32> to vector<16xi32>
    %sub3A_178 = arith.constant 100000 : i32
    %sub3A_179 = vector.broadcast %sub3A_178 : i32 to vector<16xi32>
    %sub3A_180 = arith.subi %get3A_177, %sub3A_179 : vector<16xi32>
    %swap3A_181 = arith.constant 0 : i32
    %swap3A_182 = arith.index_cast %swap3A_181 : i32 to index
    %swap3A_183 = arith.constant 96 : index
    %swap3A_184 = tpu.vector_load %arg9[%swap3A_182, %swap3A_183] {strides = array<i32>} : memref<4x128xi32, #tpu.memory_space<vmem>>, vector<1x16xi32>,
    %swap3A_185 = vector.shape_cast %swap3A_184 : vector<1x16xi32> to vector<16xi32>
    %swap3A_186 = vector.shape_cast %sub3A_180 : vector<16xi32> to vector<1x16xi32>
    tpu.vector_store %arg9[%swap3A_182, %swap3A_183], %swap3A_186 {strides = array<i32>} : memref<4x128xi32, #tpu.memory_space<vmem>>, vector<1x16xi32>,
    %get3A_187 = arith.constant 0 : i32
    %get3A_188 = arith.index_cast %get3A_187 : i32 to index
    %get3A_189 = arith.constant 240 : index
    %get3A_190 = tpu.vector_load %arg8[%get3A_188, %get3A_189] {strides = array<i32>} : memref<4x256xi32, #tpu.memory_space<vmem>>, vector<1x16xi32>,
    %get3A_191 = vector.shape_cast %get3A_190 : vector<1x16xi32> to vector<16xi32>
    %sub3A_192 = arith.constant 100000 : i32
    %sub3A_193 = vector.broadcast %sub3A_192 : i32 to vector<16xi32>
    %sub3A_194 = arith.subi %get3A_191, %sub3A_193 : vector<16xi32>
    %swap3A_195 = arith.constant 0 : i32
    %swap3A_196 = arith.index_cast %swap3A_195 : i32 to index
    %swap3A_197 = arith.constant 112 : index
    %swap3A_198 = tpu.vector_load %arg9[%swap3A_196, %swap3A_197] {strides = array<i32>} : memref<4x128xi32, #tpu.memory_space<vmem>>, vector<1x16xi32>,
    %swap3A_199 = vector.shape_cast %swap3A_198 : vector<1x16xi32> to vector<16xi32>
    %swap3A_200 = vector.shape_cast %sub3A_194 : vector<16xi32> to vector<1x16xi32>
    tpu.vector_store %arg9[%swap3A_196, %swap3A_197], %swap3A_200 {strides = array<i32>} : memref<4x128xi32, #tpu.memory_space<vmem>>, vector<1x16xi32>,
    %add3A_201 = arith.constant 1 : i32
    %add3A_202 = arith.addi %add3A_18, %add3A_201 : i32
    %mul3A_203 = arith.constant 128 : i32
    %mul3A_204 = arith.muli %add3A_202, %mul3A_203 : i32
    %add3A_205 = arith.constant 1 : i32
    %add3A_206 = arith.addi %add3A_18, %add3A_205 : i32
    %dma_start3A_207 = arith.constant 1 : i32
    %dma_start3A_208 = arith.constant 0 : i32
    %dma_start3A_209 = tpu.memref_slice %arg8[%dma_start3A_207, %dma_start3A_208] : memref<4x256xi32, #tpu.memory_space<vmem>> -> memref<1x256xi32, #tpu.memory_space<vmem>>
    %dma_start3A_210 = tpu.memref_squeeze %dma_start3A_209 : memref<1x256xi32, #tpu.memory_space<vmem>> -> memref<256xi32, #tpu.memory_space<vmem>>
    %dma_start3A_211 = arith.constant 0 : i32
    %dma_start3A_212 = tpu.memref_slice %arg3[%add3A_206, %dma_start3A_211] : memref<25000x256xi32, #tpu.memory_space<hbm>> -> memref<1x256xi32, #tpu.memory_space<hbm>>
    %dma_start3A_213 = tpu.memref_squeeze %dma_start3A_212 : memref<1x256xi32, #tpu.memory_space<hbm>> -> memref<256xi32, #tpu.memory_space<hbm>>
    %dma_start3A_214 = arith.constant 0 : i32
    %dma_start3A_215 = tpu.memref_slice %arg8[%dma_start3A_207, %dma_start3A_214] : memref<4x256xi32, #tpu.memory_space<vmem>> -> memref<1x256xi32, #tpu.memory_space<vmem>>
    %dma_start3A_216 = tpu.memref_squeeze %dma_start3A_215 : memref<1x256xi32, #tpu.memory_space<vmem>> -> memref<256xi32, #tpu.memory_space<vmem>>
    %dma_start3A_217 = arith.constant 0 : i32
    %dma_start3A_218 = tpu.memref_slice %arg3[%add3A_206, %dma_start3A_217] : memref<25000x256xi32, #tpu.memory_space<hbm>> -> memref<1x256xi32, #tpu.memory_space<hbm>>
    %dma_start3A_219 = tpu.memref_squeeze %dma_start3A_218 : memref<1x256xi32, #tpu.memory_space<hbm>> -> memref<256xi32, #tpu.memory_space<hbm>>
    tpu.enqueue_dma source(%dma_start3A_219 : memref<256xi32, #tpu.memory_space<hbm>>) target(%dma_start3A_216 : memref<256xi32, #tpu.memory_space<vmem>>) target_semaphore(%arg17 : memref<!tpu.dma_semaphore, #tpu.memory_space<semaphore_mem>>)
    %dma_start3A_220 = arith.constant 1 : i32
    %dma_start3A_221 = arith.constant 0 : i32
    %dma_start3A_222 = tpu.memref_slice %arg10[%dma_start3A_220, %dma_start3A_221] : memref<4x128xf32, #tpu.memory_space<vmem>> -> memref<1x128xf32, #tpu.memory_space<vmem>>
    %dma_start3A_223 = tpu.memref_squeeze %dma_start3A_222 : memref<1x128xf32, #tpu.memory_space<vmem>> -> memref<128xf32, #tpu.memory_space<vmem>>
    %dma_start3A_224 = tpu.memref_slice %arg4[%mul3A_204] : memref<3200000xf32, #tpu.memory_space<hbm>> -> memref<128xf32, #tpu.memory_space<hbm>>
    %dma_start3A_225 = arith.constant 0 : i32
    %dma_start3A_226 = tpu.memref_slice %arg10[%dma_start3A_220, %dma_start3A_225] : memref<4x128xf32, #tpu.memory_space<vmem>> -> memref<1x128xf32, #tpu.memory_space<vmem>>
    %dma_start3A_227 = tpu.memref_squeeze %dma_start3A_226 : memref<1x128xf32, #tpu.memory_space<vmem>> -> memref<128xf32, #tpu.memory_space<vmem>>
    %dma_start3A_228 = tpu.memref_slice %arg4[%mul3A_204] : memref<3200000xf32, #tpu.memory_space<hbm>> -> memref<128xf32, #tpu.memory_space<hbm>>
    tpu.enqueue_dma source(%dma_start3A_228 : memref<128xf32, #tpu.memory_space<hbm>>) target(%dma_start3A_227 : memref<128xf32, #tpu.memory_space<vmem>>) target_semaphore(%arg17 : memref<!tpu.dma_semaphore, #tpu.memory_space<semaphore_mem>>)
    %add3A_229 = arith.constant 1 : i32
    %add3A_230 = arith.addi %add3A_18, %add3A_229 : i32
    %mul3A_231 = arith.constant 128 : i32
    %mul3A_232 = arith.muli %add3A_230, %mul3A_231 : i32
    %add3A_233 = arith.constant 1 : i32
    %add3A_234 = arith.addi %add3A_18, %add3A_233 : i32
    %dma_wait3A_235 = arith.constant 1 : i32
    %dma_wait3A_236 = arith.constant 0 : i32
    %dma_wait3A_237 = tpu.memref_slice %arg8[%dma_wait3A_235, %dma_wait3A_236] : memref<4x256xi32, #tpu.memory_space<vmem>> -> memref<1x256xi32, #tpu.memory_space<vmem>>
    %dma_wait3A_238 = tpu.memref_squeeze %dma_wait3A_237 : memref<1x256xi32, #tpu.memory_space<vmem>> -> memref<256xi32, #tpu.memory_space<vmem>>
    %dma_wait3A_239 = arith.constant 0 : i32
    %dma_wait3A_240 = tpu.memref_slice %arg3[%add3A_234, %dma_wait3A_239] : memref<25000x256xi32, #tpu.memory_space<hbm>> -> memref<1x256xi32, #tpu.memory_space<hbm>>
    %dma_wait3A_241 = tpu.memref_squeeze %dma_wait3A_240 : memref<1x256xi32, #tpu.memory_space<hbm>> -> memref<256xi32, #tpu.memory_space<hbm>>
    %dma_wait3A_242 = arith.constant 0 : i32
    %dma_wait3A_243 = tpu.memref_slice %arg8[%dma_wait3A_235, %dma_wait3A_242] : memref<4x256xi32, #tpu.memory_space<vmem>> -> memref<1x256xi32, #tpu.memory_space<vmem>>
    %dma_wait3A_244 = tpu.memref_squeeze %dma_wait3A_243 : memref<1x256xi32, #tpu.memory_space<vmem>> -> memref<256xi32, #tpu.memory_space<vmem>>
    %dma_wait3A_245 = arith.constant 0 : i32
    %dma_wait3A_246 = tpu.memref_slice %arg3[%add3A_234, %dma_wait3A_245] : memref<25000x256xi32, #tpu.memory_space<hbm>> -> memref<1x256xi32, #tpu.memory_space<hbm>>
    %dma_wait3A_247 = tpu.memref_squeeze %dma_wait3A_246 : memref<1x256xi32, #tpu.memory_space<hbm>> -> memref<256xi32, #tpu.memory_space<hbm>>
    tpu.wait_dma2 semaphore(%arg17 : memref<!tpu.dma_semaphore, #tpu.memory_space<semaphore_mem>>) src(%dma_wait3A_247 : memref<256xi32, #tpu.memory_space<hbm>>) dst(%dma_wait3A_244 : memref<256xi32, #tpu.memory_space<vmem>>)
    %dma_wait3A_248 = arith.constant 1 : i32
    %dma_wait3A_249 = arith.constant 0 : i32
    %dma_wait3A_250 = tpu.memref_slice %arg10[%dma_wait3A_248, %dma_wait3A_249] : memref<4x128xf32, #tpu.memory_space<vmem>> -> memref<1x128xf32, #tpu.memory_space<vmem>>
    %dma_wait3A_251 = tpu.memref_squeeze %dma_wait3A_250 : memref<1x128xf32, #tpu.memory_space<vmem>> -> memref<128xf32, #tpu.memory_space<vmem>>
    %dma_wait3A_252 = tpu.memref_slice %arg4[%mul3A_232] : memref<3200000xf32, #tpu.memory_space<hbm>> -> memref<128xf32, #tpu.memory_space<hbm>>
    %dma_wait3A_253 = arith.constant 0 : i32
    %dma_wait3A_254 = tpu.memref_slice %arg10[%dma_wait3A_248, %dma_wait3A_253] : memref<4x128xf32, #tpu.memory_space<vmem>> -> memref<1x128xf32, #tpu.memory_space<vmem>>
    %dma_wait3A_255 = tpu.memref_squeeze %dma_wait3A_254 : memref<1x128xf32, #tpu.memory_space<vmem>> -> memref<128xf32, #tpu.memory_space<vmem>>
    %dma_wait3A_256 = tpu.memref_slice %arg4[%mul3A_232] : memref<3200000xf32, #tpu.memory_space<hbm>> -> memref<128xf32, #tpu.memory_space<hbm>>
    tpu.wait_dma2 semaphore(%arg17 : memref<!tpu.dma_semaphore, #tpu.memory_space<semaphore_mem>>) src(%dma_wait3A_256 : memref<128xf32, #tpu.memory_space<hbm>>) dst(%dma_wait3A_255 : memref<128xf32, #tpu.memory_space<vmem>>)
    %dma_start3A_257 = arith.constant 1 : i32
    %dma_start3A_258 = arith.constant 1 : i32
    %dma_start3A_259 = arith.constant 1 : i32
    %dma_start3A_260 = arith.constant 0 : i32
    %dma_start3A_261 = arith.constant 0 : i32
    %dma_start3A_262 = tpu.memref_slice %arg11[%dma_start3A_258, %dma_start3A_260, %dma_start3A_261] : memref<4x256x16xf32, #tpu.memory_space<vmem>> -> memref<1x256x16xf32, #tpu.memory_space<vmem>>
    %dma_start3A_263 = tpu.memref_squeeze %dma_start3A_262 : memref<1x256x16xf32, #tpu.memory_space<vmem>> -> memref<256x16xf32, #tpu.memory_space<vmem>>
    %dma_start3A_264 = arith.constant 0 : i32
    %dma_start3A_265 = tpu.memref_slice %arg8[%dma_start3A_257, %dma_start3A_264] : memref<4x256xi32, #tpu.memory_space<vmem>> -> memref<1x256xi32, #tpu.memory_space<vmem>>
    %dma_start3A_266 = tpu.memref_squeeze %dma_start3A_265 : memref<1x256xi32, #tpu.memory_space<vmem>> -> memref<256xi32, #tpu.memory_space<vmem>>
    %dma_start3A_267 = arith.constant 0 : i32
    %dma_start3A_268 = arith.constant 0 : i32
    %dma_start3A_269 = tpu.memref_slice %arg2[%dma_start3A_267, %dma_start3A_268] : memref<200000x16xf32, #tpu.memory_space<hbm>> -> memref<200000x16xf32, #tpu.memory_space<hbm>>
    %dma_start3A_270 = tpu.memref_slice %arg18[%dma_start3A_259] : memref<4x!tpu.dma_semaphore, #tpu.memory_space<semaphore_mem>> -> memref<1x!tpu.dma_semaphore, #tpu.memory_space<semaphore_mem>>
    %dma_start3A_271 = tpu.memref_squeeze %dma_start3A_270 : memref<1x!tpu.dma_semaphore, #tpu.memory_space<semaphore_mem>> -> memref<!tpu.dma_semaphore, #tpu.memory_space<semaphore_mem>>
    tpu.enqueue_indirect_dma source(%dma_start3A_269 : memref<200000x16xf32, #tpu.memory_space<hbm>>) target(%dma_start3A_263 : memref<256x16xf32, #tpu.memory_space<vmem>>) offsets(%dma_start3A_266 : memref<256xi32, #tpu.memory_space<vmem>>) semaphore(%dma_start3A_271 : memref<!tpu.dma_semaphore, #tpu.memory_space<semaphore_mem>>)
    %get3A_272 = arith.constant 1 : i32
    %get3A_273 = arith.index_cast %get3A_272 : i32 to index
    %get3A_274 = arith.constant 128 : index
    %get3A_275 = tpu.vector_load %arg8[%get3A_273, %get3A_274] {strides = array<i32>} : memref<4x256xi32, #tpu.memory_space<vmem>>, vector<1x16xi32>,
    %get3A_276 = vector.shape_cast %get3A_275 : vector<1x16xi32> to vector<16xi32>
    %sub3A_277 = arith.constant 100000 : i32
    %sub3A_278 = vector.broadcast %sub3A_277 : i32 to vector<16xi32>
    %sub3A_279 = arith.subi %get3A_276, %sub3A_278 : vector<16xi32>
    %swap3A_280 = arith.constant 1 : i32
    %swap3A_281 = arith.index_cast %swap3A_280 : i32 to index
    %swap3A_282 = arith.constant 0 : index
    %swap3A_283 = tpu.vector_load %arg9[%swap3A_281, %swap3A_282] {strides = array<i32>} : memref<4x128xi32, #tpu.memory_space<vmem>>, vector<1x16xi32>,
    %swap3A_284 = vector.shape_cast %swap3A_283 : vector<1x16xi32> to vector<16xi32>
    %swap3A_285 = vector.shape_cast %sub3A_279 : vector<16xi32> to vector<1x16xi32>
    tpu.vector_store %arg9[%swap3A_281, %swap3A_282], %swap3A_285 {strides = array<i32>} : memref<4x128xi32, #tpu.memory_space<vmem>>, vector<1x16xi32>,
    %get3A_286 = arith.constant 1 : i32
    %get3A_287 = arith.index_cast %get3A_286 : i32 to index
    %get3A_288 = arith.constant 144 : index
    %get3A_289 = tpu.vector_load %arg8[%get3A_287, %get3A_288] {strides = array<i32>} : memref<4x256xi32, #tpu.memory_space<vmem>>, vector<1x16xi32>,
    %get3A_290 = vector.shape_cast %get3A_289 : vector<1x16xi32> to vector<16xi32>
    %sub3A_291 = arith.constant 100000 : i32
    %sub3A_292 = vector.broadcast %sub3A_291 : i32 to vector<16xi32>
    %sub3A_293 = arith.subi %get3A_290, %sub3A_292 : vector<16xi32>
    %swap3A_294 = arith.constant 1 : i32
    %swap3A_295 = arith.index_cast %swap3A_294 : i32 to index
    %swap3A_296 = arith.constant 16 : index
    %swap3A_297 = tpu.vector_load %arg9[%swap3A_295, %swap3A_296] {strides = array<i32>} : memref<4x128xi32, #tpu.memory_space<vmem>>, vector<1x16xi32>,
    %swap3A_298 = vector.shape_cast %swap3A_297 : vector<1x16xi32> to vector<16xi32>
    %swap3A_299 = vector.shape_cast %sub3A_293 : vector<16xi32> to vector<1x16xi32>
    tpu.vector_store %arg9[%swap3A_295, %swap3A_296], %swap3A_299 {strides = array<i32>} : memref<4x128xi32, #tpu.memory_space<vmem>>, vector<1x16xi32>,
    %get3A_300 = arith.constant 1 : i32
    %get3A_301 = arith.index_cast %get3A_300 : i32 to index
    %get3A_302 = arith.constant 160 : index
    %get3A_303 = tpu.vector_load %arg8[%get3A_301, %get3A_302] {strides = array<i32>} : memref<4x256xi32, #tpu.memory_space<vmem>>, vector<1x16xi32>,
    %get3A_304 = vector.shape_cast %get3A_303 : vector<1x16xi32> to vector<16xi32>
    %sub3A_305 = arith.constant 100000 : i32
    %sub3A_306 = vector.broadcast %sub3A_305 : i32 to vector<16xi32>
    %sub3A_307 = arith.subi %get3A_304, %sub3A_306 : vector<16xi32>
    %swap3A_308 = arith.constant 1 : i32
    %swap3A_309 = arith.index_cast %swap3A_308 : i32 to index
    %swap3A_310 = arith.constant 32 : index
    %swap3A_311 = tpu.vector_load %arg9[%swap3A_309, %swap3A_310] {strides = array<i32>} : memref<4x128xi32, #tpu.memory_space<vmem>>, vector<1x16xi32>,
    %swap3A_312 = vector.shape_cast %swap3A_311 : vector<1x16xi32> to vector<16xi32>
    %swap3A_313 = vector.shape_cast %sub3A_307 : vector<16xi32> to vector<1x16xi32>
    tpu.vector_store %arg9[%swap3A_309, %swap3A_310], %swap3A_313 {strides = array<i32>} : memref<4x128xi32, #tpu.memory_space<vmem>>, vector<1x16xi32>,
    %get3A_314 = arith.constant 1 : i32
    %get3A_315 = arith.index_cast %get3A_314 : i32 to index
    %get3A_316 = arith.constant 176 : index
    %get3A_317 = tpu.vector_load %arg8[%get3A_315, %get3A_316] {strides = array<i32>} : memref<4x256xi32, #tpu.memory_space<vmem>>, vector<1x16xi32>,
    %get3A_318 = vector.shape_cast %get3A_317 : vector<1x16xi32> to vector<16xi32>
    %sub3A_319 = arith.constant 100000 : i32
    %sub3A_320 = vector.broadcast %sub3A_319 : i32 to vector<16xi32>
    %sub3A_321 = arith.subi %get3A_318, %sub3A_320 : vector<16xi32>
    %swap3A_322 = arith.constant 1 : i32
    %swap3A_323 = arith.index_cast %swap3A_322 : i32 to index
    %swap3A_324 = arith.constant 48 : index
    %swap3A_325 = tpu.vector_load %arg9[%swap3A_323, %swap3A_324] {strides = array<i32>} : memref<4x128xi32, #tpu.memory_space<vmem>>, vector<1x16xi32>,
    %swap3A_326 = vector.shape_cast %swap3A_325 : vector<1x16xi32> to vector<16xi32>
    %swap3A_327 = vector.shape_cast %sub3A_321 : vector<16xi32> to vector<1x16xi32>
    tpu.vector_store %arg9[%swap3A_323, %swap3A_324], %swap3A_327 {strides = array<i32>} : memref<4x128xi32, #tpu.memory_space<vmem>>, vector<1x16xi32>,
    %get3A_328 = arith.constant 1 : i32
    %get3A_329 = arith.index_cast %get3A_328 : i32 to index
    %get3A_330 = arith.constant 192 : index
    %get3A_331 = tpu.vector_load %arg8[%get3A_329, %get3A_330] {strides = array<i32>} : memref<4x256xi32, #tpu.memory_space<vmem>>, vector<1x16xi32>,
    %get3A_332 = vector.shape_cast %get3A_331 : vector<1x16xi32> to vector<16xi32>
    %sub3A_333 = arith.constant 100000 : i32
    %sub3A_334 = vector.broadcast %sub3A_333 : i32 to vector<16xi32>
    %sub3A_335 = arith.subi %get3A_332, %sub3A_334 : vector<16xi32>
    %swap3A_336 = arith.constant 1 : i32
    %swap3A_337 = arith.index_cast %swap3A_336 : i32 to index
    %swap3A_338 = arith.constant 64 : index
    %swap3A_339 = tpu.vector_load %arg9[%swap3A_337, %swap3A_338] {strides = array<i32>} : memref<4x128xi32, #tpu.memory_space<vmem>>, vector<1x16xi32>,
    %swap3A_340 = vector.shape_cast %swap3A_339 : vector<1x16xi32> to vector<16xi32>
    %swap3A_341 = vector.shape_cast %sub3A_335 : vector<16xi32> to vector<1x16xi32>
    tpu.vector_store %arg9[%swap3A_337, %swap3A_338], %swap3A_341 {strides = array<i32>} : memref<4x128xi32, #tpu.memory_space<vmem>>, vector<1x16xi32>,
    %get3A_342 = arith.constant 1 : i32
    %get3A_343 = arith.index_cast %get3A_342 : i32 to index
    %get3A_344 = arith.constant 208 : index
    %get3A_345 = tpu.vector_load %arg8[%get3A_343, %get3A_344] {strides = array<i32>} : memref<4x256xi32, #tpu.memory_space<vmem>>, vector<1x16xi32>,
    %get3A_346 = vector.shape_cast %get3A_345 : vector<1x16xi32> to vector<16xi32>
    %sub3A_347 = arith.constant 100000 : i32
    %sub3A_348 = vector.broadcast %sub3A_347 : i32 to vector<16xi32>
    %sub3A_349 = arith.subi %get3A_346, %sub3A_348 : vector<16xi32>
    %swap3A_350 = arith.constant 1 : i32
    %swap3A_351 = arith.index_cast %swap3A_350 : i32 to index
    %swap3A_352 = arith.constant 80 : index
    %swap3A_353 = tpu.vector_load %arg9[%swap3A_351, %swap3A_352] {strides = array<i32>} : memref<4x128xi32, #tpu.memory_space<vmem>>, vector<1x16xi32>,
    %swap3A_354 = vector.shape_cast %swap3A_353 : vector<1x16xi32> to vector<16xi32>
    %swap3A_355 = vector.shape_cast %sub3A_349 : vector<16xi32> to vector<1x16xi32>
    tpu.vector_store %arg9[%swap3A_351, %swap3A_352], %swap3A_355 {strides = array<i32>} : memref<4x128xi32, #tpu.memory_space<vmem>>, vector<1x16xi32>,
    %get3A_356 = arith.constant 1 : i32
    %get3A_357 = arith.index_cast %get3A_356 : i32 to index
    %get3A_358 = arith.constant 224 : index
    %get3A_359 = tpu.vector_load %arg8[%get3A_357, %get3A_358] {strides = array<i32>} : memref<4x256xi32, #tpu.memory_space<vmem>>, vector<1x16xi32>,
    %get3A_360 = vector.shape_cast %get3A_359 : vector<1x16xi32> to vector<16xi32>
    %sub3A_361 = arith.constant 100000 : i32
    %sub3A_362 = vector.broadcast %sub3A_361 : i32 to vector<16xi32>
    %sub3A_363 = arith.subi %get3A_360, %sub3A_362 : vector<16xi32>
    %swap3A_364 = arith.constant 1 : i32
    %swap3A_365 = arith.index_cast %swap3A_364 : i32 to index
    %swap3A_366 = arith.constant 96 : index
    %swap3A_367 = tpu.vector_load %arg9[%swap3A_365, %swap3A_366] {strides = array<i32>} : memref<4x128xi32, #tpu.memory_space<vmem>>, vector<1x16xi32>,
    %swap3A_368 = vector.shape_cast %swap3A_367 : vector<1x16xi32> to vector<16xi32>
    %swap3A_369 = vector.shape_cast %sub3A_363 : vector<16xi32> to vector<1x16xi32>
    tpu.vector_store %arg9[%swap3A_365, %swap3A_366], %swap3A_369 {strides = array<i32>} : memref<4x128xi32, #tpu.memory_space<vmem>>, vector<1x16xi32>,
    %get3A_370 = arith.constant 1 : i32
    %get3A_371 = arith.index_cast %get3A_370 : i32 to index
    %get3A_372 = arith.constant 240 : index
    %get3A_373 = tpu.vector_load %arg8[%get3A_371, %get3A_372] {strides = array<i32>} : memref<4x256xi32, #tpu.memory_space<vmem>>, vector<1x16xi32>,
    %get3A_374 = vector.shape_cast %get3A_373 : vector<1x16xi32> to vector<16xi32>
    %sub3A_375 = arith.constant 100000 : i32
    %sub3A_376 = vector.broadcast %sub3A_375 : i32 to vector<16xi32>
    %sub3A_377 = arith.subi %get3A_374, %sub3A_376 : vector<16xi32>
    %swap3A_378 = arith.constant 1 : i32
    %swap3A_379 = arith.index_cast %swap3A_378 : i32 to index
    %swap3A_380 = arith.constant 112 : index
    %swap3A_381 = tpu.vector_load %arg9[%swap3A_379, %swap3A_380] {strides = array<i32>} : memref<4x128xi32, #tpu.memory_space<vmem>>, vector<1x16xi32>,
    %swap3A_382 = vector.shape_cast %swap3A_381 : vector<1x16xi32> to vector<16xi32>
    %swap3A_383 = vector.shape_cast %sub3A_377 : vector<16xi32> to vector<1x16xi32>
    tpu.vector_store %arg9[%swap3A_379, %swap3A_380], %swap3A_383 {strides = array<i32>} : memref<4x128xi32, #tpu.memory_space<vmem>>, vector<1x16xi32>,
    %while3A = arith.constant 0 : i32
    %while3A_384 = arith.constant 0 : i32
    %while3A_385 = arith.subi %add3A_22, %while3A : i32
    %while3A_386 = arith.addi %while3A, %while3A_385 : i32
    %while3A_387 = arith.constant 1 : i32
    %while3A_388 = arith.divsi %while3A_385, %while3A_387 : i32
    %while3A_389 = arith.muli %while3A_388, %while3A_387 : i32
    %while3A_390 = arith.addi %while3A, %while3A_389 : i32
    %while3A_391 = arith.constant 1 : i32
    %while3A_392 = scf.for %while3A_420 = %while3A to %while3A_390 step %while3A_391 iter_args(%while3A_421 = %while3A_384) -> (i32)  : i32 {
      %rem3A_422 = arith.constant 4 : i32
      %rem3A_423 = arith.remsi %while3A_420, %rem3A_422 : i32
      %rem3A_424 = arith.constant 2 : i32
      %rem3A_425 = arith.remsi %while3A_420, %rem3A_424 : i32
      %gt3A = arith.constant 0 : i32
      %gt3A_426 = arith.cmpi sgt, %while3A_420, %gt3A : i32
      %convert_element_type3A = arith.extui %gt3A_426 : i1 to i32
      %cond3A = arith.constant 0 : i32
      %cond3A_427 = arith.cmpi ne, %convert_element_type3A, %cond3A : i32
      scf.if %cond3A_427 {
        %sub3A_476 = arith.constant 1 : i32
        %sub3A_477 = arith.subi %while3A_420, %sub3A_476 : i32
        %rem3A_478 = arith.constant 4 : i32
        %rem3A_479 = arith.remsi %sub3A_477, %rem3A_478 : i32
        %sub3A_480 = arith.constant 1 : i32
        %sub3A_481 = arith.subi %sub3A_480, %rem3A_425 : i32
        %dma_wait3A_482 = arith.constant 0 : i32
        %dma_wait3A_483 = arith.constant 0 : i32
        %dma_wait3A_484 = tpu.memref_slice %arg12[%sub3A_481, %dma_wait3A_482, %dma_wait3A_483] : memref<2x128x16xf32, #tpu.memory_space<vmem>> -> memref<1x128x16xf32, #tpu.memory_space<vmem>>
        %dma_wait3A_485 = tpu.memref_squeeze %dma_wait3A_484 : memref<1x128x16xf32, #tpu.memory_space<vmem>> -> memref<128x16xf32, #tpu.memory_space<vmem>>
        %dma_wait3A_486 = arith.constant 0 : i32
        %dma_wait3A_487 = tpu.memref_slice %arg9[%rem3A_479, %dma_wait3A_486] : memref<4x128xi32, #tpu.memory_space<vmem>> -> memref<1x128xi32, #tpu.memory_space<vmem>>
        %dma_wait3A_488 = tpu.memref_squeeze %dma_wait3A_487 : memref<1x128xi32, #tpu.memory_space<vmem>> -> memref<128xi32, #tpu.memory_space<vmem>>
        %dma_wait3A_489 = arith.constant 0 : i32
        %dma_wait3A_490 = arith.constant 0 : i32
        %dma_wait3A_491 = tpu.memref_slice %arg16[%dma_wait3A_489, %dma_wait3A_490] : memref<100000x16xf32, #tpu.memory_space<vmem_shared>> -> memref<100000x16xf32, #tpu.memory_space<vmem_shared>>
        tpu.wait_indirect_dma semaphore(%arg19 : memref<!tpu.dma_semaphore, #tpu.memory_space<semaphore_mem>>) src(%dma_wait3A_485 : memref<128x16xf32, #tpu.memory_space<vmem>>) dst(%dma_wait3A_491 : memref<100000x16xf32, #tpu.memory_space<vmem_shared>>)
      } else {
      }
      %add3A_428 = arith.constant 2 : i32
      %add3A_429 = arith.addi %while3A_420, %add3A_428 : i32
      %lt3A_430 = arith.cmpi slt, %add3A_429, %add3A_22 : i32
      %convert_element_type3A_431 = arith.extui %lt3A_430 : i1 to i32
      %cond3A_432 = arith.constant 0 : i32
      %cond3A_433 = arith.cmpi ne, %convert_element_type3A_431, %cond3A_432 : i32
      scf.if %cond3A_433 {
        %add3A_476 = arith.constant 2 : i32
        %add3A_477 = arith.addi %while3A_420, %add3A_476 : i32
        %add3A_478 = arith.constant 2 : i32
        %add3A_479 = arith.addi %while3A_420, %add3A_478 : i32
        %rem3A_480 = arith.constant 4 : i32
        %rem3A_481 = arith.remsi %add3A_479, %rem3A_480 : i32
        %add3A_482 = arith.addi %add3A_18, %add3A_477 : i32
        %mul3A_483 = arith.constant 128 : i32
        %mul3A_484 = arith.muli %add3A_482, %mul3A_483 : i32
        %add3A_485 = arith.addi %add3A_18, %add3A_477 : i32
        %dma_start3A_486 = arith.constant 0 : i32
        %dma_start3A_487 = tpu.memref_slice %arg8[%rem3A_481, %dma_start3A_486] : memref<4x256xi32, #tpu.memory_space<vmem>> -> memref<1x256xi32, #tpu.memory_space<vmem>>
        %dma_start3A_488 = tpu.memref_squeeze %dma_start3A_487 : memref<1x256xi32, #tpu.memory_space<vmem>> -> memref<256xi32, #tpu.memory_space<vmem>>
        %dma_start3A_489 = arith.constant 0 : i32
        %dma_start3A_490 = tpu.memref_slice %arg3[%add3A_485, %dma_start3A_489] : memref<25000x256xi32, #tpu.memory_space<hbm>> -> memref<1x256xi32, #tpu.memory_space<hbm>>
        %dma_start3A_491 = tpu.memref_squeeze %dma_start3A_490 : memref<1x256xi32, #tpu.memory_space<hbm>> -> memref<256xi32, #tpu.memory_space<hbm>>
        %dma_start3A_492 = arith.constant 0 : i32
        %dma_start3A_493 = tpu.memref_slice %arg8[%rem3A_481, %dma_start3A_492] : memref<4x256xi32, #tpu.memory_space<vmem>> -> memref<1x256xi32, #tpu.memory_space<vmem>>
        %dma_start3A_494 = tpu.memref_squeeze %dma_start3A_493 : memref<1x256xi32, #tpu.memory_space<vmem>> -> memref<256xi32, #tpu.memory_space<vmem>>
        %dma_start3A_495 = arith.constant 0 : i32
        %dma_start3A_496 = tpu.memref_slice %arg3[%add3A_485, %dma_start3A_495] : memref<25000x256xi32, #tpu.memory_space<hbm>> -> memref<1x256xi32, #tpu.memory_space<hbm>>
        %dma_start3A_497 = tpu.memref_squeeze %dma_start3A_496 : memref<1x256xi32, #tpu.memory_space<hbm>> -> memref<256xi32, #tpu.memory_space<hbm>>
        tpu.enqueue_dma source(%dma_start3A_497 : memref<256xi32, #tpu.memory_space<hbm>>) target(%dma_start3A_494 : memref<256xi32, #tpu.memory_space<vmem>>) target_semaphore(%arg17 : memref<!tpu.dma_semaphore, #tpu.memory_space<semaphore_mem>>)
        %dma_start3A_498 = arith.constant 0 : i32
        %dma_start3A_499 = tpu.memref_slice %arg10[%rem3A_481, %dma_start3A_498] : memref<4x128xf32, #tpu.memory_space<vmem>> -> memref<1x128xf32, #tpu.memory_space<vmem>>
        %dma_start3A_500 = tpu.memref_squeeze %dma_start3A_499 : memref<1x128xf32, #tpu.memory_space<vmem>> -> memref<128xf32, #tpu.memory_space<vmem>>
        %dma_start3A_501 = tpu.memref_slice %arg4[%mul3A_484] : memref<3200000xf32, #tpu.memory_space<hbm>> -> memref<128xf32, #tpu.memory_space<hbm>>
        %dma_start3A_502 = arith.constant 0 : i32
        %dma_start3A_503 = tpu.memref_slice %arg10[%rem3A_481, %dma_start3A_502] : memref<4x128xf32, #tpu.memory_space<vmem>> -> memref<1x128xf32, #tpu.memory_space<vmem>>
        %dma_start3A_504 = tpu.memref_squeeze %dma_start3A_503 : memref<1x128xf32, #tpu.memory_space<vmem>> -> memref<128xf32, #tpu.memory_space<vmem>>
        %dma_start3A_505 = tpu.memref_slice %arg4[%mul3A_484] : memref<3200000xf32, #tpu.memory_space<hbm>> -> memref<128xf32, #tpu.memory_space<hbm>>
        tpu.enqueue_dma source(%dma_start3A_505 : memref<128xf32, #tpu.memory_space<hbm>>) target(%dma_start3A_504 : memref<128xf32, #tpu.memory_space<vmem>>) target_semaphore(%arg17 : memref<!tpu.dma_semaphore, #tpu.memory_space<semaphore_mem>>)
      } else {
      }
      %dma_wait3A_434 = arith.constant 0 : i32
      %dma_wait3A_435 = arith.constant 0 : i32
      %dma_wait3A_436 = tpu.memref_slice %arg11[%rem3A_423, %dma_wait3A_434, %dma_wait3A_435] : memref<4x256x16xf32, #tpu.memory_space<vmem>> -> memref<1x256x16xf32, #tpu.memory_space<vmem>>
      %dma_wait3A_437 = tpu.memref_squeeze %dma_wait3A_436 : memref<1x256x16xf32, #tpu.memory_space<vmem>> -> memref<256x16xf32, #tpu.memory_space<vmem>>
      %dma_wait3A_438 = arith.constant 0 : i32
      %dma_wait3A_439 = tpu.memref_slice %arg8[%rem3A_423, %dma_wait3A_438] : memref<4x256xi32, #tpu.memory_space<vmem>> -> memref<1x256xi32, #tpu.memory_space<vmem>>
      %dma_wait3A_440 = tpu.memref_squeeze %dma_wait3A_439 : memref<1x256xi32, #tpu.memory_space<vmem>> -> memref<256xi32, #tpu.memory_space<vmem>>
      %dma_wait3A_441 = arith.constant 0 : i32
      %dma_wait3A_442 = arith.constant 0 : i32
      %dma_wait3A_443 = tpu.memref_slice %arg2[%dma_wait3A_441, %dma_wait3A_442] : memref<200000x16xf32, #tpu.memory_space<hbm>> -> memref<200000x16xf32, #tpu.memory_space<hbm>>
      %dma_wait3A_444 = tpu.memref_slice %arg18[%rem3A_423] : memref<4x!tpu.dma_semaphore, #tpu.memory_space<semaphore_mem>> -> memref<1x!tpu.dma_semaphore, #tpu.memory_space<semaphore_mem>>
      %dma_wait3A_445 = tpu.memref_squeeze %dma_wait3A_444 : memref<1x!tpu.dma_semaphore, #tpu.memory_space<semaphore_mem>> -> memref<!tpu.dma_semaphore, #tpu.memory_space<semaphore_mem>>
      tpu.wait_indirect_dma semaphore(%dma_wait3A_445 : memref<!tpu.dma_semaphore, #tpu.memory_space<semaphore_mem>>) src(%dma_wait3A_443 : memref<200000x16xf32, #tpu.memory_space<hbm>>) dst(%dma_wait3A_437 : memref<256x16xf32, #tpu.memory_space<vmem>>)
      %get3A_446 = arith.constant 0 : index
      %get3A_447 = tpu.vector_load %arg13[%get3A_446] {strides = array<i32>} : memref<16xf32, #tpu.memory_space<vmem>>, vector<16xf32>,
      %get3A_448 = vector.shape_cast %get3A_447 : vector<16xf32> to vector<16xf32>
      %get3A_449 = arith.constant 0 : index
      %get3A_450 = tpu.vector_load %arg14[%get3A_449] {strides = array<i32>} : memref<16xf32, #tpu.memory_space<vmem>>, vector<16xf32>,
      %get3A_451 = vector.shape_cast %get3A_450 : vector<16xf32> to vector<16xf32>
      %scan3A_452 = arith.constant 0 : i32
      %scan3A_453 = arith.constant 0 : i32
      %scan3A_454 = arith.constant 8 : i32
      %scan3A_455 = arith.addi %scan3A_453, %scan3A_454 : i32
      %scan3A_456 = arith.constant 1 : i32
      %scan3A_457 = scf.for %scan3A_476 = %scan3A_453 to %scan3A_455 step %scan3A_456 iter_args(%scan3A_477 = %scan3A_452) -> (i32)  : i32 {
        %mul3A_478 = arith.constant 16 : i32
        %mul3A_479 = arith.muli %scan3A_476, %mul3A_478 : i32
        %get3A_480 = arith.index_cast %rem3A_423 : i32 to index
        %get3A_481 = arith.index_cast %mul3A_479 : i32 to index
        %get3A_482 = tpu.vector_load %arg10[%get3A_480, %get3A_481] {strides = array<i32>} : memref<4x128xf32, #tpu.memory_space<vmem>>, vector<1x16xf32>,
        %get3A_483 = vector.shape_cast %get3A_482 : vector<1x16xf32> to vector<16xf32>
        %mul3A_484 = arith.constant 16 : i32
        %mul3A_485 = arith.muli %scan3A_476, %mul3A_484 : i32
        %add3A_486 = arith.constant 0 : i32
        %add3A_487 = arith.addi %mul3A_485, %add3A_486 : i32
        %slice3A = vector.extract_strided_slice %get3A_483 {offsets = [0], sizes = [1], strides = [1]} : vector<16xf32> to vector<1xf32>
        %squeeze3A = vector.extract %slice3A[0] : f32 from vector<1xf32>
        %broadcast_in_dim3A_488 = vector.broadcast %squeeze3A : f32 to vector<16xf32>
        %get3A_489 = arith.index_cast %rem3A_423 : i32 to index
        %get3A_490 = arith.index_cast %add3A_487 : i32 to index
        %get3A_491 = arith.constant 0 : index
        %get3A_492 = tpu.vector_load %arg11[%get3A_489, %get3A_490, %get3A_491] {strides = array<i32>} : memref<4x256x16xf32, #tpu.memory_space<vmem>>, vector<1x1x16xf32>,
        %get3A_493 = vector.shape_cast %get3A_492 : vector<1x1x16xf32> to vector<16xf32>
        %add3A_494 = arith.constant 128 : i32
        %add3A_495 = arith.addi %add3A_494, %add3A_487 : i32
        %get3A_496 = arith.index_cast %rem3A_423 : i32 to index
        %get3A_497 = arith.index_cast %add3A_495 : i32 to index
        %get3A_498 = arith.constant 0 : index
        %get3A_499 = tpu.vector_load %arg11[%get3A_496, %get3A_497, %get3A_498] {strides = array<i32>} : memref<4x256x16xf32, #tpu.memory_space<vmem>>, vector<1x1x16xf32>,
        %get3A_500 = vector.shape_cast %get3A_499 : vector<1x1x16xf32> to vector<16xf32>
        %add3A_501 = arith.addf %get3A_493, %get3A_500 : vector<16xf32>
        %mul3A_502 = arith.mulf %broadcast_in_dim3A_488, %get3A_448 : vector<16xf32>
        %add3A_503 = arith.addf %add3A_501, %mul3A_502 : vector<16xf32>
        %max3A = arith.maximumf %add3A_503, %get3A_451 : vector<16xf32>
        %swap3A_504 = arith.index_cast %rem3A_425 : i32 to index
        %swap3A_505 = arith.index_cast %add3A_487 : i32 to index
        %swap3A_506 = arith.constant 0 : index
        %swap3A_507 = tpu.vector_load %arg12[%swap3A_504, %swap3A_505, %swap3A_506] {strides = array<i32>} : memref<2x128x16xf32, #tpu.memory_space<vmem>>, vector<1x1x16xf32>,
        %swap3A_508 = vector.shape_cast %swap3A_507 : vector<1x1x16xf32> to vector<16xf32>
        %swap3A_509 = vector.shape_cast %max3A : vector<16xf32> to vector<1x1x16xf32>
        tpu.vector_store %arg12[%swap3A_504, %swap3A_505, %swap3A_506], %swap3A_509 {strides = array<i32>} : memref<2x128x16xf32, #tpu.memory_space<vmem>>, vector<1x1x16xf32>,
        %add3A_510 = arith.constant 1 : i32
        %add3A_511 = arith.addi %mul3A_485, %add3A_510 : i32
        %slice3A_512 = vector.extract_strided_slice %get3A_483 {offsets = [1], sizes = [1], strides = [1]} : vector<16xf32> to vector<1xf32>
        %squeeze3A_513 = vector.extract %slice3A_512[0] : f32 from vector<1xf32>
        %broadcast_in_dim3A_514 = vector.broadcast %squeeze3A_513 : f32 to vector<16xf32>
        %get3A_515 = arith.index_cast %rem3A_423 : i32 to index
        %get3A_516 = arith.index_cast %add3A_511 : i32 to index
        %get3A_517 = arith.constant 0 : index
        %get3A_518 = tpu.vector_load %arg11[%get3A_515, %get3A_516, %get3A_517] {strides = array<i32>} : memref<4x256x16xf32, #tpu.memory_space<vmem>>, vector<1x1x16xf32>,
        %get3A_519 = vector.shape_cast %get3A_518 : vector<1x1x16xf32> to vector<16xf32>
        %add3A_520 = arith.constant 128 : i32
        %add3A_521 = arith.addi %add3A_520, %add3A_511 : i32
        %get3A_522 = arith.index_cast %rem3A_423 : i32 to index
        %get3A_523 = arith.index_cast %add3A_521 : i32 to index
        %get3A_524 = arith.constant 0 : index
        %get3A_525 = tpu.vector_load %arg11[%get3A_522, %get3A_523, %get3A_524] {strides = array<i32>} : memref<4x256x16xf32, #tpu.memory_space<vmem>>, vector<1x1x16xf32>,
        %get3A_526 = vector.shape_cast %get3A_525 : vector<1x1x16xf32> to vector<16xf32>
        %add3A_527 = arith.addf %get3A_519, %get3A_526 : vector<16xf32>
        %mul3A_528 = arith.mulf %broadcast_in_dim3A_514, %get3A_448 : vector<16xf32>
        %add3A_529 = arith.addf %add3A_527, %mul3A_528 : vector<16xf32>
        %max3A_530 = arith.maximumf %add3A_529, %get3A_451 : vector<16xf32>
        %swap3A_531 = arith.index_cast %rem3A_425 : i32 to index
        %swap3A_532 = arith.index_cast %add3A_511 : i32 to index
        %swap3A_533 = arith.constant 0 : index
        %swap3A_534 = tpu.vector_load %arg12[%swap3A_531, %swap3A_532, %swap3A_533] {strides = array<i32>} : memref<2x128x16xf32, #tpu.memory_space<vmem>>, vector<1x1x16xf32>,
        %swap3A_535 = vector.shape_cast %swap3A_534 : vector<1x1x16xf32> to vector<16xf32>
        %swap3A_536 = vector.shape_cast %max3A_530 : vector<16xf32> to vector<1x1x16xf32>
        tpu.vector_store %arg12[%swap3A_531, %swap3A_532, %swap3A_533], %swap3A_536 {strides = array<i32>} : memref<2x128x16xf32, #tpu.memory_space<vmem>>, vector<1x1x16xf32>,
        %add3A_537 = arith.constant 2 : i32
        %add3A_538 = arith.addi %mul3A_485, %add3A_537 : i32
        %slice3A_539 = vector.extract_strided_slice %get3A_483 {offsets = [2], sizes = [1], strides = [1]} : vector<16xf32> to vector<1xf32>
        %squeeze3A_540 = vector.extract %slice3A_539[0] : f32 from vector<1xf32>
        %broadcast_in_dim3A_541 = vector.broadcast %squeeze3A_540 : f32 to vector<16xf32>
        %get3A_542 = arith.index_cast %rem3A_423 : i32 to index
        %get3A_543 = arith.index_cast %add3A_538 : i32 to index
        %get3A_544 = arith.constant 0 : index
        %get3A_545 = tpu.vector_load %arg11[%get3A_542, %get3A_543, %get3A_544] {strides = array<i32>} : memref<4x256x16xf32, #tpu.memory_space<vmem>>, vector<1x1x16xf32>,
        %get3A_546 = vector.shape_cast %get3A_545 : vector<1x1x16xf32> to vector<16xf32>
        %add3A_547 = arith.constant 128 : i32
        %add3A_548 = arith.addi %add3A_547, %add3A_538 : i32
        %get3A_549 = arith.index_cast %rem3A_423 : i32 to index
        %get3A_550 = arith.index_cast %add3A_548 : i32 to index
        %get3A_551 = arith.constant 0 : index
        %get3A_552 = tpu.vector_load %arg11[%get3A_549, %get3A_550, %get3A_551] {strides = array<i32>} : memref<4x256x16xf32, #tpu.memory_space<vmem>>, vector<1x1x16xf32>,
        %get3A_553 = vector.shape_cast %get3A_552 : vector<1x1x16xf32> to vector<16xf32>
        %add3A_554 = arith.addf %get3A_546, %get3A_553 : vector<16xf32>
        %mul3A_555 = arith.mulf %broadcast_in_dim3A_541, %get3A_448 : vector<16xf32>
        %add3A_556 = arith.addf %add3A_554, %mul3A_555 : vector<16xf32>
        %max3A_557 = arith.maximumf %add3A_556, %get3A_451 : vector<16xf32>
        %swap3A_558 = arith.index_cast %rem3A_425 : i32 to index
        %swap3A_559 = arith.index_cast %add3A_538 : i32 to index
        %swap3A_560 = arith.constant 0 : index
        %swap3A_561 = tpu.vector_load %arg12[%swap3A_558, %swap3A_559, %swap3A_560] {strides = array<i32>} : memref<2x128x16xf32, #tpu.memory_space<vmem>>, vector<1x1x16xf32>,
        %swap3A_562 = vector.shape_cast %swap3A_561 : vector<1x1x16xf32> to vector<16xf32>
        %swap3A_563 = vector.shape_cast %max3A_557 : vector<16xf32> to vector<1x1x16xf32>
        tpu.vector_store %arg12[%swap3A_558, %swap3A_559, %swap3A_560], %swap3A_563 {strides = array<i32>} : memref<2x128x16xf32, #tpu.memory_space<vmem>>, vector<1x1x16xf32>,
        %add3A_564 = arith.constant 3 : i32
        %add3A_565 = arith.addi %mul3A_485, %add3A_564 : i32
        %slice3A_566 = vector.extract_strided_slice %get3A_483 {offsets = [3], sizes = [1], strides = [1]} : vector<16xf32> to vector<1xf32>
        %squeeze3A_567 = vector.extract %slice3A_566[0] : f32 from vector<1xf32>
        %broadcast_in_dim3A_568 = vector.broadcast %squeeze3A_567 : f32 to vector<16xf32>
        %get3A_569 = arith.index_cast %rem3A_423 : i32 to index
        %get3A_570 = arith.index_cast %add3A_565 : i32 to index
        %get3A_571 = arith.constant 0 : index
        %get3A_572 = tpu.vector_load %arg11[%get3A_569, %get3A_570, %get3A_571] {strides = array<i32>} : memref<4x256x16xf32, #tpu.memory_space<vmem>>, vector<1x1x16xf32>,
        %get3A_573 = vector.shape_cast %get3A_572 : vector<1x1x16xf32> to vector<16xf32>
        %add3A_574 = arith.constant 128 : i32
        %add3A_575 = arith.addi %add3A_574, %add3A_565 : i32
        %get3A_576 = arith.index_cast %rem3A_423 : i32 to index
        %get3A_577 = arith.index_cast %add3A_575 : i32 to index
        %get3A_578 = arith.constant 0 : index
        %get3A_579 = tpu.vector_load %arg11[%get3A_576, %get3A_577, %get3A_578] {strides = array<i32>} : memref<4x256x16xf32, #tpu.memory_space<vmem>>, vector<1x1x16xf32>,
        %get3A_580 = vector.shape_cast %get3A_579 : vector<1x1x16xf32> to vector<16xf32>
        %add3A_581 = arith.addf %get3A_573, %get3A_580 : vector<16xf32>
        %mul3A_582 = arith.mulf %broadcast_in_dim3A_568, %get3A_448 : vector<16xf32>
        %add3A_583 = arith.addf %add3A_581, %mul3A_582 : vector<16xf32>
        %max3A_584 = arith.maximumf %add3A_583, %get3A_451 : vector<16xf32>
        %swap3A_585 = arith.index_cast %rem3A_425 : i32 to index
        %swap3A_586 = arith.index_cast %add3A_565 : i32 to index
        %swap3A_587 = arith.constant 0 : index
        %swap3A_588 = tpu.vector_load %arg12[%swap3A_585, %swap3A_586, %swap3A_587] {strides = array<i32>} : memref<2x128x16xf32, #tpu.memory_space<vmem>>, vector<1x1x16xf32>,
        %swap3A_589 = vector.shape_cast %swap3A_588 : vector<1x1x16xf32> to vector<16xf32>
        %swap3A_590 = vector.shape_cast %max3A_584 : vector<16xf32> to vector<1x1x16xf32>
        tpu.vector_store %arg12[%swap3A_585, %swap3A_586, %swap3A_587], %swap3A_590 {strides = array<i32>} : memref<2x128x16xf32, #tpu.memory_space<vmem>>, vector<1x1x16xf32>,
        %add3A_591 = arith.constant 4 : i32
        %add3A_592 = arith.addi %mul3A_485, %add3A_591 : i32
        %slice3A_593 = vector.extract_strided_slice %get3A_483 {offsets = [4], sizes = [1], strides = [1]} : vector<16xf32> to vector<1xf32>
        %squeeze3A_594 = vector.extract %slice3A_593[0] : f32 from vector<1xf32>
        %broadcast_in_dim3A_595 = vector.broadcast %squeeze3A_594 : f32 to vector<16xf32>
        %get3A_596 = arith.index_cast %rem3A_423 : i32 to index
        %get3A_597 = arith.index_cast %add3A_592 : i32 to index
        %get3A_598 = arith.constant 0 : index
        %get3A_599 = tpu.vector_load %arg11[%get3A_596, %get3A_597, %get3A_598] {strides = array<i32>} : memref<4x256x16xf32, #tpu.memory_space<vmem>>, vector<1x1x16xf32>,
        %get3A_600 = vector.shape_cast %get3A_599 : vector<1x1x16xf32> to vector<16xf32>
        %add3A_601 = arith.constant 128 : i32
        %add3A_602 = arith.addi %add3A_601, %add3A_592 : i32
        %get3A_603 = arith.index_cast %rem3A_423 : i32 to index
        %get3A_604 = arith.index_cast %add3A_602 : i32 to index
        %get3A_605 = arith.constant 0 : index
        %get3A_606 = tpu.vector_load %arg11[%get3A_603, %get3A_604, %get3A_605] {strides = array<i32>} : memref<4x256x16xf32, #tpu.memory_space<vmem>>, vector<1x1x16xf32>,
        %get3A_607 = vector.shape_cast %get3A_606 : vector<1x1x16xf32> to vector<16xf32>
        %add3A_608 = arith.addf %get3A_600, %get3A_607 : vector<16xf32>
        %mul3A_609 = arith.mulf %broadcast_in_dim3A_595, %get3A_448 : vector<16xf32>
        %add3A_610 = arith.addf %add3A_608, %mul3A_609 : vector<16xf32>
        %max3A_611 = arith.maximumf %add3A_610, %get3A_451 : vector<16xf32>
        %swap3A_612 = arith.index_cast %rem3A_425 : i32 to index
        %swap3A_613 = arith.index_cast %add3A_592 : i32 to index
        %swap3A_614 = arith.constant 0 : index
        %swap3A_615 = tpu.vector_load %arg12[%swap3A_612, %swap3A_613, %swap3A_614] {strides = array<i32>} : memref<2x128x16xf32, #tpu.memory_space<vmem>>, vector<1x1x16xf32>,
        %swap3A_616 = vector.shape_cast %swap3A_615 : vector<1x1x16xf32> to vector<16xf32>
        %swap3A_617 = vector.shape_cast %max3A_611 : vector<16xf32> to vector<1x1x16xf32>
        tpu.vector_store %arg12[%swap3A_612, %swap3A_613, %swap3A_614], %swap3A_617 {strides = array<i32>} : memref<2x128x16xf32, #tpu.memory_space<vmem>>, vector<1x1x16xf32>,
        %add3A_618 = arith.constant 5 : i32
        %add3A_619 = arith.addi %mul3A_485, %add3A_618 : i32
        %slice3A_620 = vector.extract_strided_slice %get3A_483 {offsets = [5], sizes = [1], strides = [1]} : vector<16xf32> to vector<1xf32>
        %squeeze3A_621 = vector.extract %slice3A_620[0] : f32 from vector<1xf32>
        %broadcast_in_dim3A_622 = vector.broadcast %squeeze3A_621 : f32 to vector<16xf32>
        %get3A_623 = arith.index_cast %rem3A_423 : i32 to index
        %get3A_624 = arith.index_cast %add3A_619 : i32 to index
        %get3A_625 = arith.constant 0 : index
        %get3A_626 = tpu.vector_load %arg11[%get3A_623, %get3A_624, %get3A_625] {strides = array<i32>} : memref<4x256x16xf32, #tpu.memory_space<vmem>>, vector<1x1x16xf32>,
        %get3A_627 = vector.shape_cast %get3A_626 : vector<1x1x16xf32> to vector<16xf32>
        %add3A_628 = arith.constant 128 : i32
        %add3A_629 = arith.addi %add3A_628, %add3A_619 : i32
        %get3A_630 = arith.index_cast %rem3A_423 : i32 to index
        %get3A_631 = arith.index_cast %add3A_629 : i32 to index
        %get3A_632 = arith.constant 0 : index
        %get3A_633 = tpu.vector_load %arg11[%get3A_630, %get3A_631, %get3A_632] {strides = array<i32>} : memref<4x256x16xf32, #tpu.memory_space<vmem>>, vector<1x1x16xf32>,
        %get3A_634 = vector.shape_cast %get3A_633 : vector<1x1x16xf32> to vector<16xf32>
        %add3A_635 = arith.addf %get3A_627, %get3A_634 : vector<16xf32>
        %mul3A_636 = arith.mulf %broadcast_in_dim3A_622, %get3A_448 : vector<16xf32>
        %add3A_637 = arith.addf %add3A_635, %mul3A_636 : vector<16xf32>
        %max3A_638 = arith.maximumf %add3A_637, %get3A_451 : vector<16xf32>
        %swap3A_639 = arith.index_cast %rem3A_425 : i32 to index
        %swap3A_640 = arith.index_cast %add3A_619 : i32 to index
        %swap3A_641 = arith.constant 0 : index
        %swap3A_642 = tpu.vector_load %arg12[%swap3A_639, %swap3A_640, %swap3A_641] {strides = array<i32>} : memref<2x128x16xf32, #tpu.memory_space<vmem>>, vector<1x1x16xf32>,
        %swap3A_643 = vector.shape_cast %swap3A_642 : vector<1x1x16xf32> to vector<16xf32>
        %swap3A_644 = vector.shape_cast %max3A_638 : vector<16xf32> to vector<1x1x16xf32>
        tpu.vector_store %arg12[%swap3A_639, %swap3A_640, %swap3A_641], %swap3A_644 {strides = array<i32>} : memref<2x128x16xf32, #tpu.memory_space<vmem>>, vector<1x1x16xf32>,
        %add3A_645 = arith.constant 6 : i32
        %add3A_646 = arith.addi %mul3A_485, %add3A_645 : i32
        %slice3A_647 = vector.extract_strided_slice %get3A_483 {offsets = [6], sizes = [1], strides = [1]} : vector<16xf32> to vector<1xf32>
        %squeeze3A_648 = vector.extract %slice3A_647[0] : f32 from vector<1xf32>
        %broadcast_in_dim3A_649 = vector.broadcast %squeeze3A_648 : f32 to vector<16xf32>
        %get3A_650 = arith.index_cast %rem3A_423 : i32 to index
        %get3A_651 = arith.index_cast %add3A_646 : i32 to index
        %get3A_652 = arith.constant 0 : index
        %get3A_653 = tpu.vector_load %arg11[%get3A_650, %get3A_651, %get3A_652] {strides = array<i32>} : memref<4x256x16xf32, #tpu.memory_space<vmem>>, vector<1x1x16xf32>,
        %get3A_654 = vector.shape_cast %get3A_653 : vector<1x1x16xf32> to vector<16xf32>
        %add3A_655 = arith.constant 128 : i32
        %add3A_656 = arith.addi %add3A_655, %add3A_646 : i32
        %get3A_657 = arith.index_cast %rem3A_423 : i32 to index
        %get3A_658 = arith.index_cast %add3A_656 : i32 to index
        %get3A_659 = arith.constant 0 : index
        %get3A_660 = tpu.vector_load %arg11[%get3A_657, %get3A_658, %get3A_659] {strides = array<i32>} : memref<4x256x16xf32, #tpu.memory_space<vmem>>, vector<1x1x16xf32>,
        %get3A_661 = vector.shape_cast %get3A_660 : vector<1x1x16xf32> to vector<16xf32>
        %add3A_662 = arith.addf %get3A_654, %get3A_661 : vector<16xf32>
        %mul3A_663 = arith.mulf %broadcast_in_dim3A_649, %get3A_448 : vector<16xf32>
        %add3A_664 = arith.addf %add3A_662, %mul3A_663 : vector<16xf32>
        %max3A_665 = arith.maximumf %add3A_664, %get3A_451 : vector<16xf32>
        %swap3A_666 = arith.index_cast %rem3A_425 : i32 to index
        %swap3A_667 = arith.index_cast %add3A_646 : i32 to index
        %swap3A_668 = arith.constant 0 : index
        %swap3A_669 = tpu.vector_load %arg12[%swap3A_666, %swap3A_667, %swap3A_668] {strides = array<i32>} : memref<2x128x16xf32, #tpu.memory_space<vmem>>, vector<1x1x16xf32>,
        %swap3A_670 = vector.shape_cast %swap3A_669 : vector<1x1x16xf32> to vector<16xf32>
        %swap3A_671 = vector.shape_cast %max3A_665 : vector<16xf32> to vector<1x1x16xf32>
        tpu.vector_store %arg12[%swap3A_666, %swap3A_667, %swap3A_668], %swap3A_671 {strides = array<i32>} : memref<2x128x16xf32, #tpu.memory_space<vmem>>, vector<1x1x16xf32>,
        %add3A_672 = arith.constant 7 : i32
        %add3A_673 = arith.addi %mul3A_485, %add3A_672 : i32
        %slice3A_674 = vector.extract_strided_slice %get3A_483 {offsets = [7], sizes = [1], strides = [1]} : vector<16xf32> to vector<1xf32>
        %squeeze3A_675 = vector.extract %slice3A_674[0] : f32 from vector<1xf32>
        %broadcast_in_dim3A_676 = vector.broadcast %squeeze3A_675 : f32 to vector<16xf32>
        %get3A_677 = arith.index_cast %rem3A_423 : i32 to index
        %get3A_678 = arith.index_cast %add3A_673 : i32 to index
        %get3A_679 = arith.constant 0 : index
        %get3A_680 = tpu.vector_load %arg11[%get3A_677, %get3A_678, %get3A_679] {strides = array<i32>} : memref<4x256x16xf32, #tpu.memory_space<vmem>>, vector<1x1x16xf32>,
        %get3A_681 = vector.shape_cast %get3A_680 : vector<1x1x16xf32> to vector<16xf32>
        %add3A_682 = arith.constant 128 : i32
        %add3A_683 = arith.addi %add3A_682, %add3A_673 : i32
        %get3A_684 = arith.index_cast %rem3A_423 : i32 to index
        %get3A_685 = arith.index_cast %add3A_683 : i32 to index
        %get3A_686 = arith.constant 0 : index
        %get3A_687 = tpu.vector_load %arg11[%get3A_684, %get3A_685, %get3A_686] {strides = array<i32>} : memref<4x256x16xf32, #tpu.memory_space<vmem>>, vector<1x1x16xf32>,
        %get3A_688 = vector.shape_cast %get3A_687 : vector<1x1x16xf32> to vector<16xf32>
        %add3A_689 = arith.addf %get3A_681, %get3A_688 : vector<16xf32>
        %mul3A_690 = arith.mulf %broadcast_in_dim3A_676, %get3A_448 : vector<16xf32>
        %add3A_691 = arith.addf %add3A_689, %mul3A_690 : vector<16xf32>
        %max3A_692 = arith.maximumf %add3A_691, %get3A_451 : vector<16xf32>
        %swap3A_693 = arith.index_cast %rem3A_425 : i32 to index
        %swap3A_694 = arith.index_cast %add3A_673 : i32 to index
        %swap3A_695 = arith.constant 0 : index
        %swap3A_696 = tpu.vector_load %arg12[%swap3A_693, %swap3A_694, %swap3A_695] {strides = array<i32>} : memref<2x128x16xf32, #tpu.memory_space<vmem>>, vector<1x1x16xf32>,
        %swap3A_697 = vector.shape_cast %swap3A_696 : vector<1x1x16xf32> to vector<16xf32>
        %swap3A_698 = vector.shape_cast %max3A_692 : vector<16xf32> to vector<1x1x16xf32>
        tpu.vector_store %arg12[%swap3A_693, %swap3A_694, %swap3A_695], %swap3A_698 {strides = array<i32>} : memref<2x128x16xf32, #tpu.memory_space<vmem>>, vector<1x1x16xf32>,
        %add3A_699 = arith.constant 8 : i32
        %add3A_700 = arith.addi %mul3A_485, %add3A_699 : i32
        %slice3A_701 = vector.extract_strided_slice %get3A_483 {offsets = [8], sizes = [1], strides = [1]} : vector<16xf32> to vector<1xf32>
        %squeeze3A_702 = vector.extract %slice3A_701[0] : f32 from vector<1xf32>
        %broadcast_in_dim3A_703 = vector.broadcast %squeeze3A_702 : f32 to vector<16xf32>
        %get3A_704 = arith.index_cast %rem3A_423 : i32 to index
        %get3A_705 = arith.index_cast %add3A_700 : i32 to index
        %get3A_706 = arith.constant 0 : index
        %get3A_707 = tpu.vector_load %arg11[%get3A_704, %get3A_705, %get3A_706] {strides = array<i32>} : memref<4x256x16xf32, #tpu.memory_space<vmem>>, vector<1x1x16xf32>,
        %get3A_708 = vector.shape_cast %get3A_707 : vector<1x1x16xf32> to vector<16xf32>
        %add3A_709 = arith.constant 128 : i32
        %add3A_710 = arith.addi %add3A_709, %add3A_700 : i32
        %get3A_711 = arith.index_cast %rem3A_423 : i32 to index
        %get3A_712 = arith.index_cast %add3A_710 : i32 to index
        %get3A_713 = arith.constant 0 : index
        %get3A_714 = tpu.vector_load %arg11[%get3A_711, %get3A_712, %get3A_713] {strides = array<i32>} : memref<4x256x16xf32, #tpu.memory_space<vmem>>, vector<1x1x16xf32>,
        %get3A_715 = vector.shape_cast %get3A_714 : vector<1x1x16xf32> to vector<16xf32>
        %add3A_716 = arith.addf %get3A_708, %get3A_715 : vector<16xf32>
        %mul3A_717 = arith.mulf %broadcast_in_dim3A_703, %get3A_448 : vector<16xf32>
        %add3A_718 = arith.addf %add3A_716, %mul3A_717 : vector<16xf32>
        %max3A_719 = arith.maximumf %add3A_718, %get3A_451 : vector<16xf32>
        %swap3A_720 = arith.index_cast %rem3A_425 : i32 to index
        %swap3A_721 = arith.index_cast %add3A_700 : i32 to index
        %swap3A_722 = arith.constant 0 : index
        %swap3A_723 = tpu.vector_load %arg12[%swap3A_720, %swap3A_721, %swap3A_722] {strides = array<i32>} : memref<2x128x16xf32, #tpu.memory_space<vmem>>, vector<1x1x16xf32>,
        %swap3A_724 = vector.shape_cast %swap3A_723 : vector<1x1x16xf32> to vector<16xf32>
        %swap3A_725 = vector.shape_cast %max3A_719 : vector<16xf32> to vector<1x1x16xf32>
        tpu.vector_store %arg12[%swap3A_720, %swap3A_721, %swap3A_722], %swap3A_725 {strides = array<i32>} : memref<2x128x16xf32, #tpu.memory_space<vmem>>, vector<1x1x16xf32>,
        %add3A_726 = arith.constant 9 : i32
        %add3A_727 = arith.addi %mul3A_485, %add3A_726 : i32
        %slice3A_728 = vector.extract_strided_slice %get3A_483 {offsets = [9], sizes = [1], strides = [1]} : vector<16xf32> to vector<1xf32>
        %squeeze3A_729 = vector.extract %slice3A_728[0] : f32 from vector<1xf32>
        %broadcast_in_dim3A_730 = vector.broadcast %squeeze3A_729 : f32 to vector<16xf32>
        %get3A_731 = arith.index_cast %rem3A_423 : i32 to index
        %get3A_732 = arith.index_cast %add3A_727 : i32 to index
        %get3A_733 = arith.constant 0 : index
        %get3A_734 = tpu.vector_load %arg11[%get3A_731, %get3A_732, %get3A_733] {strides = array<i32>} : memref<4x256x16xf32, #tpu.memory_space<vmem>>, vector<1x1x16xf32>,
        %get3A_735 = vector.shape_cast %get3A_734 : vector<1x1x16xf32> to vector<16xf32>
        %add3A_736 = arith.constant 128 : i32
        %add3A_737 = arith.addi %add3A_736, %add3A_727 : i32
        %get3A_738 = arith.index_cast %rem3A_423 : i32 to index
        %get3A_739 = arith.index_cast %add3A_737 : i32 to index
        %get3A_740 = arith.constant 0 : index
        %get3A_741 = tpu.vector_load %arg11[%get3A_738, %get3A_739, %get3A_740] {strides = array<i32>} : memref<4x256x16xf32, #tpu.memory_space<vmem>>, vector<1x1x16xf32>,
        %get3A_742 = vector.shape_cast %get3A_741 : vector<1x1x16xf32> to vector<16xf32>
        %add3A_743 = arith.addf %get3A_735, %get3A_742 : vector<16xf32>
        %mul3A_744 = arith.mulf %broadcast_in_dim3A_730, %get3A_448 : vector<16xf32>
        %add3A_745 = arith.addf %add3A_743, %mul3A_744 : vector<16xf32>
        %max3A_746 = arith.maximumf %add3A_745, %get3A_451 : vector<16xf32>
        %swap3A_747 = arith.index_cast %rem3A_425 : i32 to index
        %swap3A_748 = arith.index_cast %add3A_727 : i32 to index
        %swap3A_749 = arith.constant 0 : index
        %swap3A_750 = tpu.vector_load %arg12[%swap3A_747, %swap3A_748, %swap3A_749] {strides = array<i32>} : memref<2x128x16xf32, #tpu.memory_space<vmem>>, vector<1x1x16xf32>,
        %swap3A_751 = vector.shape_cast %swap3A_750 : vector<1x1x16xf32> to vector<16xf32>
        %swap3A_752 = vector.shape_cast %max3A_746 : vector<16xf32> to vector<1x1x16xf32>
        tpu.vector_store %arg12[%swap3A_747, %swap3A_748, %swap3A_749], %swap3A_752 {strides = array<i32>} : memref<2x128x16xf32, #tpu.memory_space<vmem>>, vector<1x1x16xf32>,
        %add3A_753 = arith.constant 10 : i32
        %add3A_754 = arith.addi %mul3A_485, %add3A_753 : i32
        %slice3A_755 = vector.extract_strided_slice %get3A_483 {offsets = [10], sizes = [1], strides = [1]} : vector<16xf32> to vector<1xf32>
        %squeeze3A_756 = vector.extract %slice3A_755[0] : f32 from vector<1xf32>
        %broadcast_in_dim3A_757 = vector.broadcast %squeeze3A_756 : f32 to vector<16xf32>
        %get3A_758 = arith.index_cast %rem3A_423 : i32 to index
        %get3A_759 = arith.index_cast %add3A_754 : i32 to index
        %get3A_760 = arith.constant 0 : index
        %get3A_761 = tpu.vector_load %arg11[%get3A_758, %get3A_759, %get3A_760] {strides = array<i32>} : memref<4x256x16xf32, #tpu.memory_space<vmem>>, vector<1x1x16xf32>,
        %get3A_762 = vector.shape_cast %get3A_761 : vector<1x1x16xf32> to vector<16xf32>
        %add3A_763 = arith.constant 128 : i32
        %add3A_764 = arith.addi %add3A_763, %add3A_754 : i32
        %get3A_765 = arith.index_cast %rem3A_423 : i32 to index
        %get3A_766 = arith.index_cast %add3A_764 : i32 to index
        %get3A_767 = arith.constant 0 : index
        %get3A_768 = tpu.vector_load %arg11[%get3A_765, %get3A_766, %get3A_767] {strides = array<i32>} : memref<4x256x16xf32, #tpu.memory_space<vmem>>, vector<1x1x16xf32>,
        %get3A_769 = vector.shape_cast %get3A_768 : vector<1x1x16xf32> to vector<16xf32>
        %add3A_770 = arith.addf %get3A_762, %get3A_769 : vector<16xf32>
        %mul3A_771 = arith.mulf %broadcast_in_dim3A_757, %get3A_448 : vector<16xf32>
        %add3A_772 = arith.addf %add3A_770, %mul3A_771 : vector<16xf32>
        %max3A_773 = arith.maximumf %add3A_772, %get3A_451 : vector<16xf32>
        %swap3A_774 = arith.index_cast %rem3A_425 : i32 to index
        %swap3A_775 = arith.index_cast %add3A_754 : i32 to index
        %swap3A_776 = arith.constant 0 : index
        %swap3A_777 = tpu.vector_load %arg12[%swap3A_774, %swap3A_775, %swap3A_776] {strides = array<i32>} : memref<2x128x16xf32, #tpu.memory_space<vmem>>, vector<1x1x16xf32>,
        %swap3A_778 = vector.shape_cast %swap3A_777 : vector<1x1x16xf32> to vector<16xf32>
        %swap3A_779 = vector.shape_cast %max3A_773 : vector<16xf32> to vector<1x1x16xf32>
        tpu.vector_store %arg12[%swap3A_774, %swap3A_775, %swap3A_776], %swap3A_779 {strides = array<i32>} : memref<2x128x16xf32, #tpu.memory_space<vmem>>, vector<1x1x16xf32>,
        %add3A_780 = arith.constant 11 : i32
        %add3A_781 = arith.addi %mul3A_485, %add3A_780 : i32
        %slice3A_782 = vector.extract_strided_slice %get3A_483 {offsets = [11], sizes = [1], strides = [1]} : vector<16xf32> to vector<1xf32>
        %squeeze3A_783 = vector.extract %slice3A_782[0] : f32 from vector<1xf32>
        %broadcast_in_dim3A_784 = vector.broadcast %squeeze3A_783 : f32 to vector<16xf32>
        %get3A_785 = arith.index_cast %rem3A_423 : i32 to index
        %get3A_786 = arith.index_cast %add3A_781 : i32 to index
        %get3A_787 = arith.constant 0 : index
        %get3A_788 = tpu.vector_load %arg11[%get3A_785, %get3A_786, %get3A_787] {strides = array<i32>} : memref<4x256x16xf32, #tpu.memory_space<vmem>>, vector<1x1x16xf32>,
        %get3A_789 = vector.shape_cast %get3A_788 : vector<1x1x16xf32> to vector<16xf32>
        %add3A_790 = arith.constant 128 : i32
        %add3A_791 = arith.addi %add3A_790, %add3A_781 : i32
        %get3A_792 = arith.index_cast %rem3A_423 : i32 to index
        %get3A_793 = arith.index_cast %add3A_791 : i32 to index
        %get3A_794 = arith.constant 0 : index
        %get3A_795 = tpu.vector_load %arg11[%get3A_792, %get3A_793, %get3A_794] {strides = array<i32>} : memref<4x256x16xf32, #tpu.memory_space<vmem>>, vector<1x1x16xf32>,
        %get3A_796 = vector.shape_cast %get3A_795 : vector<1x1x16xf32> to vector<16xf32>
        %add3A_797 = arith.addf %get3A_789, %get3A_796 : vector<16xf32>
        %mul3A_798 = arith.mulf %broadcast_in_dim3A_784, %get3A_448 : vector<16xf32>
        %add3A_799 = arith.addf %add3A_797, %mul3A_798 : vector<16xf32>
        %max3A_800 = arith.maximumf %add3A_799, %get3A_451 : vector<16xf32>
        %swap3A_801 = arith.index_cast %rem3A_425 : i32 to index
        %swap3A_802 = arith.index_cast %add3A_781 : i32 to index
        %swap3A_803 = arith.constant 0 : index
        %swap3A_804 = tpu.vector_load %arg12[%swap3A_801, %swap3A_802, %swap3A_803] {strides = array<i32>} : memref<2x128x16xf32, #tpu.memory_space<vmem>>, vector<1x1x16xf32>,
        %swap3A_805 = vector.shape_cast %swap3A_804 : vector<1x1x16xf32> to vector<16xf32>
        %swap3A_806 = vector.shape_cast %max3A_800 : vector<16xf32> to vector<1x1x16xf32>
        tpu.vector_store %arg12[%swap3A_801, %swap3A_802, %swap3A_803], %swap3A_806 {strides = array<i32>} : memref<2x128x16xf32, #tpu.memory_space<vmem>>, vector<1x1x16xf32>,
        %add3A_807 = arith.constant 12 : i32
        %add3A_808 = arith.addi %mul3A_485, %add3A_807 : i32
        %slice3A_809 = vector.extract_strided_slice %get3A_483 {offsets = [12], sizes = [1], strides = [1]} : vector<16xf32> to vector<1xf32>
        %squeeze3A_810 = vector.extract %slice3A_809[0] : f32 from vector<1xf32>
        %broadcast_in_dim3A_811 = vector.broadcast %squeeze3A_810 : f32 to vector<16xf32>
        %get3A_812 = arith.index_cast %rem3A_423 : i32 to index
        %get3A_813 = arith.index_cast %add3A_808 : i32 to index
        %get3A_814 = arith.constant 0 : index
        %get3A_815 = tpu.vector_load %arg11[%get3A_812, %get3A_813, %get3A_814] {strides = array<i32>} : memref<4x256x16xf32, #tpu.memory_space<vmem>>, vector<1x1x16xf32>,
        %get3A_816 = vector.shape_cast %get3A_815 : vector<1x1x16xf32> to vector<16xf32>
        %add3A_817 = arith.constant 128 : i32
        %add3A_818 = arith.addi %add3A_817, %add3A_808 : i32
        %get3A_819 = arith.index_cast %rem3A_423 : i32 to index
        %get3A_820 = arith.index_cast %add3A_818 : i32 to index
        %get3A_821 = arith.constant 0 : index
        %get3A_822 = tpu.vector_load %arg11[%get3A_819, %get3A_820, %get3A_821] {strides = array<i32>} : memref<4x256x16xf32, #tpu.memory_space<vmem>>, vector<1x1x16xf32>,
        %get3A_823 = vector.shape_cast %get3A_822 : vector<1x1x16xf32> to vector<16xf32>
        %add3A_824 = arith.addf %get3A_816, %get3A_823 : vector<16xf32>
        %mul3A_825 = arith.mulf %broadcast_in_dim3A_811, %get3A_448 : vector<16xf32>
        %add3A_826 = arith.addf %add3A_824, %mul3A_825 : vector<16xf32>
        %max3A_827 = arith.maximumf %add3A_826, %get3A_451 : vector<16xf32>
        %swap3A_828 = arith.index_cast %rem3A_425 : i32 to index
        %swap3A_829 = arith.index_cast %add3A_808 : i32 to index
        %swap3A_830 = arith.constant 0 : index
        %swap3A_831 = tpu.vector_load %arg12[%swap3A_828, %swap3A_829, %swap3A_830] {strides = array<i32>} : memref<2x128x16xf32, #tpu.memory_space<vmem>>, vector<1x1x16xf32>,
        %swap3A_832 = vector.shape_cast %swap3A_831 : vector<1x1x16xf32> to vector<16xf32>
        %swap3A_833 = vector.shape_cast %max3A_827 : vector<16xf32> to vector<1x1x16xf32>
        tpu.vector_store %arg12[%swap3A_828, %swap3A_829, %swap3A_830], %swap3A_833 {strides = array<i32>} : memref<2x128x16xf32, #tpu.memory_space<vmem>>, vector<1x1x16xf32>,
        %add3A_834 = arith.constant 13 : i32
        %add3A_835 = arith.addi %mul3A_485, %add3A_834 : i32
        %slice3A_836 = vector.extract_strided_slice %get3A_483 {offsets = [13], sizes = [1], strides = [1]} : vector<16xf32> to vector<1xf32>
        %squeeze3A_837 = vector.extract %slice3A_836[0] : f32 from vector<1xf32>
        %broadcast_in_dim3A_838 = vector.broadcast %squeeze3A_837 : f32 to vector<16xf32>
        %get3A_839 = arith.index_cast %rem3A_423 : i32 to index
        %get3A_840 = arith.index_cast %add3A_835 : i32 to index
        %get3A_841 = arith.constant 0 : index
        %get3A_842 = tpu.vector_load %arg11[%get3A_839, %get3A_840, %get3A_841] {strides = array<i32>} : memref<4x256x16xf32, #tpu.memory_space<vmem>>, vector<1x1x16xf32>,
        %get3A_843 = vector.shape_cast %get3A_842 : vector<1x1x16xf32> to vector<16xf32>
        %add3A_844 = arith.constant 128 : i32
        %add3A_845 = arith.addi %add3A_844, %add3A_835 : i32
        %get3A_846 = arith.index_cast %rem3A_423 : i32 to index
        %get3A_847 = arith.index_cast %add3A_845 : i32 to index
        %get3A_848 = arith.constant 0 : index
        %get3A_849 = tpu.vector_load %arg11[%get3A_846, %get3A_847, %get3A_848] {strides = array<i32>} : memref<4x256x16xf32, #tpu.memory_space<vmem>>, vector<1x1x16xf32>,
        %get3A_850 = vector.shape_cast %get3A_849 : vector<1x1x16xf32> to vector<16xf32>
        %add3A_851 = arith.addf %get3A_843, %get3A_850 : vector<16xf32>
        %mul3A_852 = arith.mulf %broadcast_in_dim3A_838, %get3A_448 : vector<16xf32>
        %add3A_853 = arith.addf %add3A_851, %mul3A_852 : vector<16xf32>
        %max3A_854 = arith.maximumf %add3A_853, %get3A_451 : vector<16xf32>
        %swap3A_855 = arith.index_cast %rem3A_425 : i32 to index
        %swap3A_856 = arith.index_cast %add3A_835 : i32 to index
        %swap3A_857 = arith.constant 0 : index
        %swap3A_858 = tpu.vector_load %arg12[%swap3A_855, %swap3A_856, %swap3A_857] {strides = array<i32>} : memref<2x128x16xf32, #tpu.memory_space<vmem>>, vector<1x1x16xf32>,
        %swap3A_859 = vector.shape_cast %swap3A_858 : vector<1x1x16xf32> to vector<16xf32>
        %swap3A_860 = vector.shape_cast %max3A_854 : vector<16xf32> to vector<1x1x16xf32>
        tpu.vector_store %arg12[%swap3A_855, %swap3A_856, %swap3A_857], %swap3A_860 {strides = array<i32>} : memref<2x128x16xf32, #tpu.memory_space<vmem>>, vector<1x1x16xf32>,
        %add3A_861 = arith.constant 14 : i32
        %add3A_862 = arith.addi %mul3A_485, %add3A_861 : i32
        %slice3A_863 = vector.extract_strided_slice %get3A_483 {offsets = [14], sizes = [1], strides = [1]} : vector<16xf32> to vector<1xf32>
        %squeeze3A_864 = vector.extract %slice3A_863[0] : f32 from vector<1xf32>
        %broadcast_in_dim3A_865 = vector.broadcast %squeeze3A_864 : f32 to vector<16xf32>
        %get3A_866 = arith.index_cast %rem3A_423 : i32 to index
        %get3A_867 = arith.index_cast %add3A_862 : i32 to index
        %get3A_868 = arith.constant 0 : index
        %get3A_869 = tpu.vector_load %arg11[%get3A_866, %get3A_867, %get3A_868] {strides = array<i32>} : memref<4x256x16xf32, #tpu.memory_space<vmem>>, vector<1x1x16xf32>,
        %get3A_870 = vector.shape_cast %get3A_869 : vector<1x1x16xf32> to vector<16xf32>
        %add3A_871 = arith.constant 128 : i32
        %add3A_872 = arith.addi %add3A_871, %add3A_862 : i32
        %get3A_873 = arith.index_cast %rem3A_423 : i32 to index
        %get3A_874 = arith.index_cast %add3A_872 : i32 to index
        %get3A_875 = arith.constant 0 : index
        %get3A_876 = tpu.vector_load %arg11[%get3A_873, %get3A_874, %get3A_875] {strides = array<i32>} : memref<4x256x16xf32, #tpu.memory_space<vmem>>, vector<1x1x16xf32>,
        %get3A_877 = vector.shape_cast %get3A_876 : vector<1x1x16xf32> to vector<16xf32>
        %add3A_878 = arith.addf %get3A_870, %get3A_877 : vector<16xf32>
        %mul3A_879 = arith.mulf %broadcast_in_dim3A_865, %get3A_448 : vector<16xf32>
        %add3A_880 = arith.addf %add3A_878, %mul3A_879 : vector<16xf32>
        %max3A_881 = arith.maximumf %add3A_880, %get3A_451 : vector<16xf32>
        %swap3A_882 = arith.index_cast %rem3A_425 : i32 to index
        %swap3A_883 = arith.index_cast %add3A_862 : i32 to index
        %swap3A_884 = arith.constant 0 : index
        %swap3A_885 = tpu.vector_load %arg12[%swap3A_882, %swap3A_883, %swap3A_884] {strides = array<i32>} : memref<2x128x16xf32, #tpu.memory_space<vmem>>, vector<1x1x16xf32>,
        %swap3A_886 = vector.shape_cast %swap3A_885 : vector<1x1x16xf32> to vector<16xf32>
        %swap3A_887 = vector.shape_cast %max3A_881 : vector<16xf32> to vector<1x1x16xf32>
        tpu.vector_store %arg12[%swap3A_882, %swap3A_883, %swap3A_884], %swap3A_887 {strides = array<i32>} : memref<2x128x16xf32, #tpu.memory_space<vmem>>, vector<1x1x16xf32>,
        %add3A_888 = arith.constant 15 : i32
        %add3A_889 = arith.addi %mul3A_485, %add3A_888 : i32
        %slice3A_890 = vector.extract_strided_slice %get3A_483 {offsets = [15], sizes = [1], strides = [1]} : vector<16xf32> to vector<1xf32>
        %squeeze3A_891 = vector.extract %slice3A_890[0] : f32 from vector<1xf32>
        %broadcast_in_dim3A_892 = vector.broadcast %squeeze3A_891 : f32 to vector<16xf32>
        %get3A_893 = arith.index_cast %rem3A_423 : i32 to index
        %get3A_894 = arith.index_cast %add3A_889 : i32 to index
        %get3A_895 = arith.constant 0 : index
        %get3A_896 = tpu.vector_load %arg11[%get3A_893, %get3A_894, %get3A_895] {strides = array<i32>} : memref<4x256x16xf32, #tpu.memory_space<vmem>>, vector<1x1x16xf32>,
        %get3A_897 = vector.shape_cast %get3A_896 : vector<1x1x16xf32> to vector<16xf32>
        %add3A_898 = arith.constant 128 : i32
        %add3A_899 = arith.addi %add3A_898, %add3A_889 : i32
        %get3A_900 = arith.index_cast %rem3A_423 : i32 to index
        %get3A_901 = arith.index_cast %add3A_899 : i32 to index
        %get3A_902 = arith.constant 0 : index
        %get3A_903 = tpu.vector_load %arg11[%get3A_900, %get3A_901, %get3A_902] {strides = array<i32>} : memref<4x256x16xf32, #tpu.memory_space<vmem>>, vector<1x1x16xf32>,
        %get3A_904 = vector.shape_cast %get3A_903 : vector<1x1x16xf32> to vector<16xf32>
        %add3A_905 = arith.addf %get3A_897, %get3A_904 : vector<16xf32>
        %mul3A_906 = arith.mulf %broadcast_in_dim3A_892, %get3A_448 : vector<16xf32>
        %add3A_907 = arith.addf %add3A_905, %mul3A_906 : vector<16xf32>
        %max3A_908 = arith.maximumf %add3A_907, %get3A_451 : vector<16xf32>
        %swap3A_909 = arith.index_cast %rem3A_425 : i32 to index
        %swap3A_910 = arith.index_cast %add3A_889 : i32 to index
        %swap3A_911 = arith.constant 0 : index
        %swap3A_912 = tpu.vector_load %arg12[%swap3A_909, %swap3A_910, %swap3A_911] {strides = array<i32>} : memref<2x128x16xf32, #tpu.memory_space<vmem>>, vector<1x1x16xf32>,
        %swap3A_913 = vector.shape_cast %swap3A_912 : vector<1x1x16xf32> to vector<16xf32>
        %swap3A_914 = vector.shape_cast %max3A_908 : vector<16xf32> to vector<1x1x16xf32>
        tpu.vector_store %arg12[%swap3A_909, %swap3A_910, %swap3A_911], %swap3A_914 {strides = array<i32>} : memref<2x128x16xf32, #tpu.memory_space<vmem>>, vector<1x1x16xf32>,
        %scan3A_915 = arith.constant 0 : i32
        scf.yield %scan3A_915 : i32
      }
      %scan3A_458 = arith.constant 8 : i32
      %dma_start3A_459 = arith.constant 0 : i32
      %dma_start3A_460 = arith.constant 0 : i32
      %dma_start3A_461 = tpu.memref_slice %arg12[%rem3A_425, %dma_start3A_459, %dma_start3A_460] : memref<2x128x16xf32, #tpu.memory_space<vmem>> -> memref<1x128x16xf32, #tpu.memory_space<vmem>>
      %dma_start3A_462 = tpu.memref_squeeze %dma_start3A_461 : memref<1x128x16xf32, #tpu.memory_space<vmem>> -> memref<128x16xf32, #tpu.memory_space<vmem>>
      %dma_start3A_463 = arith.constant 0 : i32
      %dma_start3A_464 = tpu.memref_slice %arg9[%rem3A_423, %dma_start3A_463] : memref<4x128xi32, #tpu.memory_space<vmem>> -> memref<1x128xi32, #tpu.memory_space<vmem>>
      %dma_start3A_465 = tpu.memref_squeeze %dma_start3A_464 : memref<1x128xi32, #tpu.memory_space<vmem>> -> memref<128xi32, #tpu.memory_space<vmem>>
      %dma_start3A_466 = arith.constant 0 : i32
      %dma_start3A_467 = arith.constant 0 : i32
      %dma_start3A_468 = tpu.memref_slice %arg16[%dma_start3A_466, %dma_start3A_467] : memref<100000x16xf32, #tpu.memory_space<vmem_shared>> -> memref<100000x16xf32, #tpu.memory_space<vmem_shared>>
      tpu.enqueue_indirect_dma source(%dma_start3A_462 : memref<128x16xf32, #tpu.memory_space<vmem>>) target(%dma_start3A_468 : memref<100000x16xf32, #tpu.memory_space<vmem_shared>>) offsets(%dma_start3A_465 : memref<128xi32, #tpu.memory_space<vmem>>) semaphore(%arg19 : memref<!tpu.dma_semaphore, #tpu.memory_space<semaphore_mem>>) {add = true}
      %add3A_469 = arith.constant 2 : i32
      %add3A_470 = arith.addi %while3A_420, %add3A_469 : i32
      %lt3A_471 = arith.cmpi slt, %add3A_470, %add3A_22 : i32
      %convert_element_type3A_472 = arith.extui %lt3A_471 : i1 to i32
      %cond3A_473 = arith.constant 0 : i32
      %cond3A_474 = arith.cmpi ne, %convert_element_type3A_472, %cond3A_473 : i32
      scf.if %cond3A_474 {
        %add3A_476 = arith.constant 2 : i32
        %add3A_477 = arith.addi %while3A_420, %add3A_476 : i32
        %add3A_478 = arith.constant 2 : i32
        %add3A_479 = arith.addi %while3A_420, %add3A_478 : i32
        %rem3A_480 = arith.constant 4 : i32
        %rem3A_481 = arith.remsi %add3A_479, %rem3A_480 : i32
        %add3A_482 = arith.addi %add3A_18, %add3A_477 : i32
        %mul3A_483 = arith.constant 128 : i32
        %mul3A_484 = arith.muli %add3A_482, %mul3A_483 : i32
        %add3A_485 = arith.addi %add3A_18, %add3A_477 : i32
        %dma_wait3A_486 = arith.constant 0 : i32
        %dma_wait3A_487 = tpu.memref_slice %arg8[%rem3A_481, %dma_wait3A_486] : memref<4x256xi32, #tpu.memory_space<vmem>> -> memref<1x256xi32, #tpu.memory_space<vmem>>
        %dma_wait3A_488 = tpu.memref_squeeze %dma_wait3A_487 : memref<1x256xi32, #tpu.memory_space<vmem>> -> memref<256xi32, #tpu.memory_space<vmem>>
        %dma_wait3A_489 = arith.constant 0 : i32
        %dma_wait3A_490 = tpu.memref_slice %arg3[%add3A_485, %dma_wait3A_489] : memref<25000x256xi32, #tpu.memory_space<hbm>> -> memref<1x256xi32, #tpu.memory_space<hbm>>
        %dma_wait3A_491 = tpu.memref_squeeze %dma_wait3A_490 : memref<1x256xi32, #tpu.memory_space<hbm>> -> memref<256xi32, #tpu.memory_space<hbm>>
        %dma_wait3A_492 = arith.constant 0 : i32
        %dma_wait3A_493 = tpu.memref_slice %arg8[%rem3A_481, %dma_wait3A_492] : memref<4x256xi32, #tpu.memory_space<vmem>> -> memref<1x256xi32, #tpu.memory_space<vmem>>
        %dma_wait3A_494 = tpu.memref_squeeze %dma_wait3A_493 : memref<1x256xi32, #tpu.memory_space<vmem>> -> memref<256xi32, #tpu.memory_space<vmem>>
        %dma_wait3A_495 = arith.constant 0 : i32
        %dma_wait3A_496 = tpu.memref_slice %arg3[%add3A_485, %dma_wait3A_495] : memref<25000x256xi32, #tpu.memory_space<hbm>> -> memref<1x256xi32, #tpu.memory_space<hbm>>
        %dma_wait3A_497 = tpu.memref_squeeze %dma_wait3A_496 : memref<1x256xi32, #tpu.memory_space<hbm>> -> memref<256xi32, #tpu.memory_space<hbm>>
        tpu.wait_dma2 semaphore(%arg17 : memref<!tpu.dma_semaphore, #tpu.memory_space<semaphore_mem>>) src(%dma_wait3A_497 : memref<256xi32, #tpu.memory_space<hbm>>) dst(%dma_wait3A_494 : memref<256xi32, #tpu.memory_space<vmem>>)
        %dma_wait3A_498 = arith.constant 0 : i32
        %dma_wait3A_499 = tpu.memref_slice %arg10[%rem3A_481, %dma_wait3A_498] : memref<4x128xf32, #tpu.memory_space<vmem>> -> memref<1x128xf32, #tpu.memory_space<vmem>>
        %dma_wait3A_500 = tpu.memref_squeeze %dma_wait3A_499 : memref<1x128xf32, #tpu.memory_space<vmem>> -> memref<128xf32, #tpu.memory_space<vmem>>
        %dma_wait3A_501 = tpu.memref_slice %arg4[%mul3A_484] : memref<3200000xf32, #tpu.memory_space<hbm>> -> memref<128xf32, #tpu.memory_space<hbm>>
        %dma_wait3A_502 = arith.constant 0 : i32
        %dma_wait3A_503 = tpu.memref_slice %arg10[%rem3A_481, %dma_wait3A_502] : memref<4x128xf32, #tpu.memory_space<vmem>> -> memref<1x128xf32, #tpu.memory_space<vmem>>
        %dma_wait3A_504 = tpu.memref_squeeze %dma_wait3A_503 : memref<1x128xf32, #tpu.memory_space<vmem>> -> memref<128xf32, #tpu.memory_space<vmem>>
        %dma_wait3A_505 = tpu.memref_slice %arg4[%mul3A_484] : memref<3200000xf32, #tpu.memory_space<hbm>> -> memref<128xf32, #tpu.memory_space<hbm>>
        tpu.wait_dma2 semaphore(%arg17 : memref<!tpu.dma_semaphore, #tpu.memory_space<semaphore_mem>>) src(%dma_wait3A_505 : memref<128xf32, #tpu.memory_space<hbm>>) dst(%dma_wait3A_504 : memref<128xf32, #tpu.memory_space<vmem>>)
        %add3A_506 = arith.constant 2 : i32
        %add3A_507 = arith.addi %while3A_420, %add3A_506 : i32
        %rem3A_508 = arith.constant 4 : i32
        %rem3A_509 = arith.remsi %add3A_507, %rem3A_508 : i32
        %dma_start3A_510 = arith.constant 0 : i32
        %dma_start3A_511 = arith.constant 0 : i32
        %dma_start3A_512 = tpu.memref_slice %arg11[%rem3A_509, %dma_start3A_510, %dma_start3A_511] : memref<4x256x16xf32, #tpu.memory_space<vmem>> -> memref<1x256x16xf32, #tpu.memory_space<vmem>>
        %dma_start3A_513 = tpu.memref_squeeze %dma_start3A_512 : memref<1x256x16xf32, #tpu.memory_space<vmem>> -> memref<256x16xf32, #tpu.memory_space<vmem>>
        %dma_start3A_514 = arith.constant 0 : i32
        %dma_start3A_515 = tpu.memref_slice %arg8[%rem3A_509, %dma_start3A_514] : memref<4x256xi32, #tpu.memory_space<vmem>> -> memref<1x256xi32, #tpu.memory_space<vmem>>
        %dma_start3A_516 = tpu.memref_squeeze %dma_start3A_515 : memref<1x256xi32, #tpu.memory_space<vmem>> -> memref<256xi32, #tpu.memory_space<vmem>>
        %dma_start3A_517 = arith.constant 0 : i32
        %dma_start3A_518 = arith.constant 0 : i32
        %dma_start3A_519 = tpu.memref_slice %arg2[%dma_start3A_517, %dma_start3A_518] : memref<200000x16xf32, #tpu.memory_space<hbm>> -> memref<200000x16xf32, #tpu.memory_space<hbm>>
        %dma_start3A_520 = tpu.memref_slice %arg18[%rem3A_509] : memref<4x!tpu.dma_semaphore, #tpu.memory_space<semaphore_mem>> -> memref<1x!tpu.dma_semaphore, #tpu.memory_space<semaphore_mem>>
        %dma_start3A_521 = tpu.memref_squeeze %dma_start3A_520 : memref<1x!tpu.dma_semaphore, #tpu.memory_space<semaphore_mem>> -> memref<!tpu.dma_semaphore, #tpu.memory_space<semaphore_mem>>
        tpu.enqueue_indirect_dma source(%dma_start3A_519 : memref<200000x16xf32, #tpu.memory_space<hbm>>) target(%dma_start3A_513 : memref<256x16xf32, #tpu.memory_space<vmem>>) offsets(%dma_start3A_516 : memref<256xi32, #tpu.memory_space<vmem>>) semaphore(%dma_start3A_521 : memref<!tpu.dma_semaphore, #tpu.memory_space<semaphore_mem>>)
        %add3A_522 = arith.constant 2 : i32
        %add3A_523 = arith.addi %while3A_420, %add3A_522 : i32
        %rem3A_524 = arith.constant 4 : i32
        %rem3A_525 = arith.remsi %add3A_523, %rem3A_524 : i32
        %get3A_526 = arith.index_cast %rem3A_525 : i32 to index
        %get3A_527 = arith.constant 128 : index
        %get3A_528 = tpu.vector_load %arg8[%get3A_526, %get3A_527] {strides = array<i32>} : memref<4x256xi32, #tpu.memory_space<vmem>>, vector<1x16xi32>,
        %get3A_529 = vector.shape_cast %get3A_528 : vector<1x16xi32> to vector<16xi32>
        %sub3A_530 = arith.constant 100000 : i32
        %sub3A_531 = vector.broadcast %sub3A_530 : i32 to vector<16xi32>
        %sub3A_532 = arith.subi %get3A_529, %sub3A_531 : vector<16xi32>
        %swap3A_533 = arith.index_cast %rem3A_525 : i32 to index
        %swap3A_534 = arith.constant 0 : index
        %swap3A_535 = tpu.vector_load %arg9[%swap3A_533, %swap3A_534] {strides = array<i32>} : memref<4x128xi32, #tpu.memory_space<vmem>>, vector<1x16xi32>,
        %swap3A_536 = vector.shape_cast %swap3A_535 : vector<1x16xi32> to vector<16xi32>
        %swap3A_537 = vector.shape_cast %sub3A_532 : vector<16xi32> to vector<1x16xi32>
        tpu.vector_store %arg9[%swap3A_533, %swap3A_534], %swap3A_537 {strides = array<i32>} : memref<4x128xi32, #tpu.memory_space<vmem>>, vector<1x16xi32>,
        %get3A_538 = arith.index_cast %rem3A_525 : i32 to index
        %get3A_539 = arith.constant 144 : index
        %get3A_540 = tpu.vector_load %arg8[%get3A_538, %get3A_539] {strides = array<i32>} : memref<4x256xi32, #tpu.memory_space<vmem>>, vector<1x16xi32>,
        %get3A_541 = vector.shape_cast %get3A_540 : vector<1x16xi32> to vector<16xi32>
        %sub3A_542 = arith.constant 100000 : i32
        %sub3A_543 = vector.broadcast %sub3A_542 : i32 to vector<16xi32>
        %sub3A_544 = arith.subi %get3A_541, %sub3A_543 : vector<16xi32>
        %swap3A_545 = arith.index_cast %rem3A_525 : i32 to index
        %swap3A_546 = arith.constant 16 : index
        %swap3A_547 = tpu.vector_load %arg9[%swap3A_545, %swap3A_546] {strides = array<i32>} : memref<4x128xi32, #tpu.memory_space<vmem>>, vector<1x16xi32>,
        %swap3A_548 = vector.shape_cast %swap3A_547 : vector<1x16xi32> to vector<16xi32>
        %swap3A_549 = vector.shape_cast %sub3A_544 : vector<16xi32> to vector<1x16xi32>
        tpu.vector_store %arg9[%swap3A_545, %swap3A_546], %swap3A_549 {strides = array<i32>} : memref<4x128xi32, #tpu.memory_space<vmem>>, vector<1x16xi32>,
        %get3A_550 = arith.index_cast %rem3A_525 : i32 to index
        %get3A_551 = arith.constant 160 : index
        %get3A_552 = tpu.vector_load %arg8[%get3A_550, %get3A_551] {strides = array<i32>} : memref<4x256xi32, #tpu.memory_space<vmem>>, vector<1x16xi32>,
        %get3A_553 = vector.shape_cast %get3A_552 : vector<1x16xi32> to vector<16xi32>
        %sub3A_554 = arith.constant 100000 : i32
        %sub3A_555 = vector.broadcast %sub3A_554 : i32 to vector<16xi32>
        %sub3A_556 = arith.subi %get3A_553, %sub3A_555 : vector<16xi32>
        %swap3A_557 = arith.index_cast %rem3A_525 : i32 to index
        %swap3A_558 = arith.constant 32 : index
        %swap3A_559 = tpu.vector_load %arg9[%swap3A_557, %swap3A_558] {strides = array<i32>} : memref<4x128xi32, #tpu.memory_space<vmem>>, vector<1x16xi32>,
        %swap3A_560 = vector.shape_cast %swap3A_559 : vector<1x16xi32> to vector<16xi32>
        %swap3A_561 = vector.shape_cast %sub3A_556 : vector<16xi32> to vector<1x16xi32>
        tpu.vector_store %arg9[%swap3A_557, %swap3A_558], %swap3A_561 {strides = array<i32>} : memref<4x128xi32, #tpu.memory_space<vmem>>, vector<1x16xi32>,
        %get3A_562 = arith.index_cast %rem3A_525 : i32 to index
        %get3A_563 = arith.constant 176 : index
        %get3A_564 = tpu.vector_load %arg8[%get3A_562, %get3A_563] {strides = array<i32>} : memref<4x256xi32, #tpu.memory_space<vmem>>, vector<1x16xi32>,
        %get3A_565 = vector.shape_cast %get3A_564 : vector<1x16xi32> to vector<16xi32>
        %sub3A_566 = arith.constant 100000 : i32
        %sub3A_567 = vector.broadcast %sub3A_566 : i32 to vector<16xi32>
        %sub3A_568 = arith.subi %get3A_565, %sub3A_567 : vector<16xi32>
        %swap3A_569 = arith.index_cast %rem3A_525 : i32 to index
        %swap3A_570 = arith.constant 48 : index
        %swap3A_571 = tpu.vector_load %arg9[%swap3A_569, %swap3A_570] {strides = array<i32>} : memref<4x128xi32, #tpu.memory_space<vmem>>, vector<1x16xi32>,
        %swap3A_572 = vector.shape_cast %swap3A_571 : vector<1x16xi32> to vector<16xi32>
        %swap3A_573 = vector.shape_cast %sub3A_568 : vector<16xi32> to vector<1x16xi32>
        tpu.vector_store %arg9[%swap3A_569, %swap3A_570], %swap3A_573 {strides = array<i32>} : memref<4x128xi32, #tpu.memory_space<vmem>>, vector<1x16xi32>,
        %get3A_574 = arith.index_cast %rem3A_525 : i32 to index
        %get3A_575 = arith.constant 192 : index
        %get3A_576 = tpu.vector_load %arg8[%get3A_574, %get3A_575] {strides = array<i32>} : memref<4x256xi32, #tpu.memory_space<vmem>>, vector<1x16xi32>,
        %get3A_577 = vector.shape_cast %get3A_576 : vector<1x16xi32> to vector<16xi32>
        %sub3A_578 = arith.constant 100000 : i32
        %sub3A_579 = vector.broadcast %sub3A_578 : i32 to vector<16xi32>
        %sub3A_580 = arith.subi %get3A_577, %sub3A_579 : vector<16xi32>
        %swap3A_581 = arith.index_cast %rem3A_525 : i32 to index
        %swap3A_582 = arith.constant 64 : index
        %swap3A_583 = tpu.vector_load %arg9[%swap3A_581, %swap3A_582] {strides = array<i32>} : memref<4x128xi32, #tpu.memory_space<vmem>>, vector<1x16xi32>,
        %swap3A_584 = vector.shape_cast %swap3A_583 : vector<1x16xi32> to vector<16xi32>
        %swap3A_585 = vector.shape_cast %sub3A_580 : vector<16xi32> to vector<1x16xi32>
        tpu.vector_store %arg9[%swap3A_581, %swap3A_582], %swap3A_585 {strides = array<i32>} : memref<4x128xi32, #tpu.memory_space<vmem>>, vector<1x16xi32>,
        %get3A_586 = arith.index_cast %rem3A_525 : i32 to index
        %get3A_587 = arith.constant 208 : index
        %get3A_588 = tpu.vector_load %arg8[%get3A_586, %get3A_587] {strides = array<i32>} : memref<4x256xi32, #tpu.memory_space<vmem>>, vector<1x16xi32>,
        %get3A_589 = vector.shape_cast %get3A_588 : vector<1x16xi32> to vector<16xi32>
        %sub3A_590 = arith.constant 100000 : i32
        %sub3A_591 = vector.broadcast %sub3A_590 : i32 to vector<16xi32>
        %sub3A_592 = arith.subi %get3A_589, %sub3A_591 : vector<16xi32>
        %swap3A_593 = arith.index_cast %rem3A_525 : i32 to index
        %swap3A_594 = arith.constant 80 : index
        %swap3A_595 = tpu.vector_load %arg9[%swap3A_593, %swap3A_594] {strides = array<i32>} : memref<4x128xi32, #tpu.memory_space<vmem>>, vector<1x16xi32>,
        %swap3A_596 = vector.shape_cast %swap3A_595 : vector<1x16xi32> to vector<16xi32>
        %swap3A_597 = vector.shape_cast %sub3A_592 : vector<16xi32> to vector<1x16xi32>
        tpu.vector_store %arg9[%swap3A_593, %swap3A_594], %swap3A_597 {strides = array<i32>} : memref<4x128xi32, #tpu.memory_space<vmem>>, vector<1x16xi32>,
        %get3A_598 = arith.index_cast %rem3A_525 : i32 to index
        %get3A_599 = arith.constant 224 : index
        %get3A_600 = tpu.vector_load %arg8[%get3A_598, %get3A_599] {strides = array<i32>} : memref<4x256xi32, #tpu.memory_space<vmem>>, vector<1x16xi32>,
        %get3A_601 = vector.shape_cast %get3A_600 : vector<1x16xi32> to vector<16xi32>
        %sub3A_602 = arith.constant 100000 : i32
        %sub3A_603 = vector.broadcast %sub3A_602 : i32 to vector<16xi32>
        %sub3A_604 = arith.subi %get3A_601, %sub3A_603 : vector<16xi32>
        %swap3A_605 = arith.index_cast %rem3A_525 : i32 to index
        %swap3A_606 = arith.constant 96 : index
        %swap3A_607 = tpu.vector_load %arg9[%swap3A_605, %swap3A_606] {strides = array<i32>} : memref<4x128xi32, #tpu.memory_space<vmem>>, vector<1x16xi32>,
        %swap3A_608 = vector.shape_cast %swap3A_607 : vector<1x16xi32> to vector<16xi32>
        %swap3A_609 = vector.shape_cast %sub3A_604 : vector<16xi32> to vector<1x16xi32>
        tpu.vector_store %arg9[%swap3A_605, %swap3A_606], %swap3A_609 {strides = array<i32>} : memref<4x128xi32, #tpu.memory_space<vmem>>, vector<1x16xi32>,
        %get3A_610 = arith.index_cast %rem3A_525 : i32 to index
        %get3A_611 = arith.constant 240 : index
        %get3A_612 = tpu.vector_load %arg8[%get3A_610, %get3A_611] {strides = array<i32>} : memref<4x256xi32, #tpu.memory_space<vmem>>, vector<1x16xi32>,
        %get3A_613 = vector.shape_cast %get3A_612 : vector<1x16xi32> to vector<16xi32>
        %sub3A_614 = arith.constant 100000 : i32
        %sub3A_615 = vector.broadcast %sub3A_614 : i32 to vector<16xi32>
        %sub3A_616 = arith.subi %get3A_613, %sub3A_615 : vector<16xi32>
        %swap3A_617 = arith.index_cast %rem3A_525 : i32 to index
        %swap3A_618 = arith.constant 112 : index
        %swap3A_619 = tpu.vector_load %arg9[%swap3A_617, %swap3A_618] {strides = array<i32>} : memref<4x128xi32, #tpu.memory_space<vmem>>, vector<1x16xi32>,
        %swap3A_620 = vector.shape_cast %swap3A_619 : vector<1x16xi32> to vector<16xi32>
        %swap3A_621 = vector.shape_cast %sub3A_616 : vector<16xi32> to vector<1x16xi32>
        tpu.vector_store %arg9[%swap3A_617, %swap3A_618], %swap3A_621 {strides = array<i32>} : memref<4x128xi32, #tpu.memory_space<vmem>>, vector<1x16xi32>,
      } else {
      }
      %while3A_475 = arith.constant 0 : i32
      scf.yield %while3A_475 : i32
    }
    %while3A_393 = arith.constant 1 : i32
    %while3A_394 = scf.for %while3A_420 = %while3A_390 to %while3A_386 step %while3A_393 iter_args(%while3A_421 = %while3A_392) -> (i32)  : i32 {
      %rem3A_422 = arith.constant 4 : i32
      %rem3A_423 = arith.remsi %while3A_420, %rem3A_422 : i32
      %rem3A_424 = arith.constant 2 : i32
      %rem3A_425 = arith.remsi %while3A_420, %rem3A_424 : i32
      %gt3A = arith.constant 0 : i32
      %gt3A_426 = arith.cmpi sgt, %while3A_420, %gt3A : i32
      %convert_element_type3A = arith.extui %gt3A_426 : i1 to i32
      %cond3A = arith.constant 0 : i32
      %cond3A_427 = arith.cmpi ne, %convert_element_type3A, %cond3A : i32
      scf.if %cond3A_427 {
        %sub3A_476 = arith.constant 1 : i32
        %sub3A_477 = arith.subi %while3A_420, %sub3A_476 : i32
        %rem3A_478 = arith.constant 4 : i32
        %rem3A_479 = arith.remsi %sub3A_477, %rem3A_478 : i32
        %sub3A_480 = arith.constant 1 : i32
        %sub3A_481 = arith.subi %sub3A_480, %rem3A_425 : i32
        %dma_wait3A_482 = arith.constant 0 : i32
        %dma_wait3A_483 = arith.constant 0 : i32
        %dma_wait3A_484 = tpu.memref_slice %arg12[%sub3A_481, %dma_wait3A_482, %dma_wait3A_483] : memref<2x128x16xf32, #tpu.memory_space<vmem>> -> memref<1x128x16xf32, #tpu.memory_space<vmem>>
        %dma_wait3A_485 = tpu.memref_squeeze %dma_wait3A_484 : memref<1x128x16xf32, #tpu.memory_space<vmem>> -> memref<128x16xf32, #tpu.memory_space<vmem>>
        %dma_wait3A_486 = arith.constant 0 : i32
        %dma_wait3A_487 = tpu.memref_slice %arg9[%rem3A_479, %dma_wait3A_486] : memref<4x128xi32, #tpu.memory_space<vmem>> -> memref<1x128xi32, #tpu.memory_space<vmem>>
        %dma_wait3A_488 = tpu.memref_squeeze %dma_wait3A_487 : memref<1x128xi32, #tpu.memory_space<vmem>> -> memref<128xi32, #tpu.memory_space<vmem>>
        %dma_wait3A_489 = arith.constant 0 : i32
        %dma_wait3A_490 = arith.constant 0 : i32
        %dma_wait3A_491 = tpu.memref_slice %arg16[%dma_wait3A_489, %dma_wait3A_490] : memref<100000x16xf32, #tpu.memory_space<vmem_shared>> -> memref<100000x16xf32, #tpu.memory_space<vmem_shared>>
        tpu.wait_indirect_dma semaphore(%arg19 : memref<!tpu.dma_semaphore, #tpu.memory_space<semaphore_mem>>) src(%dma_wait3A_485 : memref<128x16xf32, #tpu.memory_space<vmem>>) dst(%dma_wait3A_491 : memref<100000x16xf32, #tpu.memory_space<vmem_shared>>)
      } else {
      }
      %add3A_428 = arith.constant 2 : i32
      %add3A_429 = arith.addi %while3A_420, %add3A_428 : i32
      %lt3A_430 = arith.cmpi slt, %add3A_429, %add3A_22 : i32
      %convert_element_type3A_431 = arith.extui %lt3A_430 : i1 to i32
      %cond3A_432 = arith.constant 0 : i32
      %cond3A_433 = arith.cmpi ne, %convert_element_type3A_431, %cond3A_432 : i32
      scf.if %cond3A_433 {
        %add3A_476 = arith.constant 2 : i32
        %add3A_477 = arith.addi %while3A_420, %add3A_476 : i32
        %add3A_478 = arith.constant 2 : i32
        %add3A_479 = arith.addi %while3A_420, %add3A_478 : i32
        %rem3A_480 = arith.constant 4 : i32
        %rem3A_481 = arith.remsi %add3A_479, %rem3A_480 : i32
        %add3A_482 = arith.addi %add3A_18, %add3A_477 : i32
        %mul3A_483 = arith.constant 128 : i32
        %mul3A_484 = arith.muli %add3A_482, %mul3A_483 : i32
        %add3A_485 = arith.addi %add3A_18, %add3A_477 : i32
        %dma_start3A_486 = arith.constant 0 : i32
        %dma_start3A_487 = tpu.memref_slice %arg8[%rem3A_481, %dma_start3A_486] : memref<4x256xi32, #tpu.memory_space<vmem>> -> memref<1x256xi32, #tpu.memory_space<vmem>>
        %dma_start3A_488 = tpu.memref_squeeze %dma_start3A_487 : memref<1x256xi32, #tpu.memory_space<vmem>> -> memref<256xi32, #tpu.memory_space<vmem>>
        %dma_start3A_489 = arith.constant 0 : i32
        %dma_start3A_490 = tpu.memref_slice %arg3[%add3A_485, %dma_start3A_489] : memref<25000x256xi32, #tpu.memory_space<hbm>> -> memref<1x256xi32, #tpu.memory_space<hbm>>
        %dma_start3A_491 = tpu.memref_squeeze %dma_start3A_490 : memref<1x256xi32, #tpu.memory_space<hbm>> -> memref<256xi32, #tpu.memory_space<hbm>>
        %dma_start3A_492 = arith.constant 0 : i32
        %dma_start3A_493 = tpu.memref_slice %arg8[%rem3A_481, %dma_start3A_492] : memref<4x256xi32, #tpu.memory_space<vmem>> -> memref<1x256xi32, #tpu.memory_space<vmem>>
        %dma_start3A_494 = tpu.memref_squeeze %dma_start3A_493 : memref<1x256xi32, #tpu.memory_space<vmem>> -> memref<256xi32, #tpu.memory_space<vmem>>
        %dma_start3A_495 = arith.constant 0 : i32
        %dma_start3A_496 = tpu.memref_slice %arg3[%add3A_485, %dma_start3A_495] : memref<25000x256xi32, #tpu.memory_space<hbm>> -> memref<1x256xi32, #tpu.memory_space<hbm>>
        %dma_start3A_497 = tpu.memref_squeeze %dma_start3A_496 : memref<1x256xi32, #tpu.memory_space<hbm>> -> memref<256xi32, #tpu.memory_space<hbm>>
        tpu.enqueue_dma source(%dma_start3A_497 : memref<256xi32, #tpu.memory_space<hbm>>) target(%dma_start3A_494 : memref<256xi32, #tpu.memory_space<vmem>>) target_semaphore(%arg17 : memref<!tpu.dma_semaphore, #tpu.memory_space<semaphore_mem>>)
        %dma_start3A_498 = arith.constant 0 : i32
        %dma_start3A_499 = tpu.memref_slice %arg10[%rem3A_481, %dma_start3A_498] : memref<4x128xf32, #tpu.memory_space<vmem>> -> memref<1x128xf32, #tpu.memory_space<vmem>>
        %dma_start3A_500 = tpu.memref_squeeze %dma_start3A_499 : memref<1x128xf32, #tpu.memory_space<vmem>> -> memref<128xf32, #tpu.memory_space<vmem>>
        %dma_start3A_501 = tpu.memref_slice %arg4[%mul3A_484] : memref<3200000xf32, #tpu.memory_space<hbm>> -> memref<128xf32, #tpu.memory_space<hbm>>
        %dma_start3A_502 = arith.constant 0 : i32
        %dma_start3A_503 = tpu.memref_slice %arg10[%rem3A_481, %dma_start3A_502] : memref<4x128xf32, #tpu.memory_space<vmem>> -> memref<1x128xf32, #tpu.memory_space<vmem>>
        %dma_start3A_504 = tpu.memref_squeeze %dma_start3A_503 : memref<1x128xf32, #tpu.memory_space<vmem>> -> memref<128xf32, #tpu.memory_space<vmem>>
        %dma_start3A_505 = tpu.memref_slice %arg4[%mul3A_484] : memref<3200000xf32, #tpu.memory_space<hbm>> -> memref<128xf32, #tpu.memory_space<hbm>>
        tpu.enqueue_dma source(%dma_start3A_505 : memref<128xf32, #tpu.memory_space<hbm>>) target(%dma_start3A_504 : memref<128xf32, #tpu.memory_space<vmem>>) target_semaphore(%arg17 : memref<!tpu.dma_semaphore, #tpu.memory_space<semaphore_mem>>)
      } else {
      }
      %dma_wait3A_434 = arith.constant 0 : i32
      %dma_wait3A_435 = arith.constant 0 : i32
      %dma_wait3A_436 = tpu.memref_slice %arg11[%rem3A_423, %dma_wait3A_434, %dma_wait3A_435] : memref<4x256x16xf32, #tpu.memory_space<vmem>> -> memref<1x256x16xf32, #tpu.memory_space<vmem>>
      %dma_wait3A_437 = tpu.memref_squeeze %dma_wait3A_436 : memref<1x256x16xf32, #tpu.memory_space<vmem>> -> memref<256x16xf32, #tpu.memory_space<vmem>>
      %dma_wait3A_438 = arith.constant 0 : i32
      %dma_wait3A_439 = tpu.memref_slice %arg8[%rem3A_423, %dma_wait3A_438] : memref<4x256xi32, #tpu.memory_space<vmem>> -> memref<1x256xi32, #tpu.memory_space<vmem>>
      %dma_wait3A_440 = tpu.memref_squeeze %dma_wait3A_439 : memref<1x256xi32, #tpu.memory_space<vmem>> -> memref<256xi32, #tpu.memory_space<vmem>>
      %dma_wait3A_441 = arith.constant 0 : i32
      %dma_wait3A_442 = arith.constant 0 : i32
      %dma_wait3A_443 = tpu.memref_slice %arg2[%dma_wait3A_441, %dma_wait3A_442] : memref<200000x16xf32, #tpu.memory_space<hbm>> -> memref<200000x16xf32, #tpu.memory_space<hbm>>
      %dma_wait3A_444 = tpu.memref_slice %arg18[%rem3A_423] : memref<4x!tpu.dma_semaphore, #tpu.memory_space<semaphore_mem>> -> memref<1x!tpu.dma_semaphore, #tpu.memory_space<semaphore_mem>>
      %dma_wait3A_445 = tpu.memref_squeeze %dma_wait3A_444 : memref<1x!tpu.dma_semaphore, #tpu.memory_space<semaphore_mem>> -> memref<!tpu.dma_semaphore, #tpu.memory_space<semaphore_mem>>
      tpu.wait_indirect_dma semaphore(%dma_wait3A_445 : memref<!tpu.dma_semaphore, #tpu.memory_space<semaphore_mem>>) src(%dma_wait3A_443 : memref<200000x16xf32, #tpu.memory_space<hbm>>) dst(%dma_wait3A_437 : memref<256x16xf32, #tpu.memory_space<vmem>>)
      %get3A_446 = arith.constant 0 : index
      %get3A_447 = tpu.vector_load %arg13[%get3A_446] {strides = array<i32>} : memref<16xf32, #tpu.memory_space<vmem>>, vector<16xf32>,
      %get3A_448 = vector.shape_cast %get3A_447 : vector<16xf32> to vector<16xf32>
      %get3A_449 = arith.constant 0 : index
      %get3A_450 = tpu.vector_load %arg14[%get3A_449] {strides = array<i32>} : memref<16xf32, #tpu.memory_space<vmem>>, vector<16xf32>,
      %get3A_451 = vector.shape_cast %get3A_450 : vector<16xf32> to vector<16xf32>
      %scan3A_452 = arith.constant 0 : i32
      %scan3A_453 = arith.constant 0 : i32
      %scan3A_454 = arith.constant 8 : i32
      %scan3A_455 = arith.addi %scan3A_453, %scan3A_454 : i32
      %scan3A_456 = arith.constant 1 : i32
      %scan3A_457 = scf.for %scan3A_476 = %scan3A_453 to %scan3A_455 step %scan3A_456 iter_args(%scan3A_477 = %scan3A_452) -> (i32)  : i32 {
        %mul3A_478 = arith.constant 16 : i32
        %mul3A_479 = arith.muli %scan3A_476, %mul3A_478 : i32
        %get3A_480 = arith.index_cast %rem3A_423 : i32 to index
        %get3A_481 = arith.index_cast %mul3A_479 : i32 to index
        %get3A_482 = tpu.vector_load %arg10[%get3A_480, %get3A_481] {strides = array<i32>} : memref<4x128xf32, #tpu.memory_space<vmem>>, vector<1x16xf32>,
        %get3A_483 = vector.shape_cast %get3A_482 : vector<1x16xf32> to vector<16xf32>
        %mul3A_484 = arith.constant 16 : i32
        %mul3A_485 = arith.muli %scan3A_476, %mul3A_484 : i32
        %add3A_486 = arith.constant 0 : i32
        %add3A_487 = arith.addi %mul3A_485, %add3A_486 : i32
        %slice3A = vector.extract_strided_slice %get3A_483 {offsets = [0], sizes = [1], strides = [1]} : vector<16xf32> to vector<1xf32>
        %squeeze3A = vector.extract %slice3A[0] : f32 from vector<1xf32>
        %broadcast_in_dim3A_488 = vector.broadcast %squeeze3A : f32 to vector<16xf32>
        %get3A_489 = arith.index_cast %rem3A_423 : i32 to index
        %get3A_490 = arith.index_cast %add3A_487 : i32 to index
        %get3A_491 = arith.constant 0 : index
        %get3A_492 = tpu.vector_load %arg11[%get3A_489, %get3A_490, %get3A_491] {strides = array<i32>} : memref<4x256x16xf32, #tpu.memory_space<vmem>>, vector<1x1x16xf32>,
        %get3A_493 = vector.shape_cast %get3A_492 : vector<1x1x16xf32> to vector<16xf32>
        %add3A_494 = arith.constant 128 : i32
        %add3A_495 = arith.addi %add3A_494, %add3A_487 : i32
        %get3A_496 = arith.index_cast %rem3A_423 : i32 to index
        %get3A_497 = arith.index_cast %add3A_495 : i32 to index
        %get3A_498 = arith.constant 0 : index
        %get3A_499 = tpu.vector_load %arg11[%get3A_496, %get3A_497, %get3A_498] {strides = array<i32>} : memref<4x256x16xf32, #tpu.memory_space<vmem>>, vector<1x1x16xf32>,
        %get3A_500 = vector.shape_cast %get3A_499 : vector<1x1x16xf32> to vector<16xf32>
        %add3A_501 = arith.addf %get3A_493, %get3A_500 : vector<16xf32>
        %mul3A_502 = arith.mulf %broadcast_in_dim3A_488, %get3A_448 : vector<16xf32>
        %add3A_503 = arith.addf %add3A_501, %mul3A_502 : vector<16xf32>
        %max3A = arith.maximumf %add3A_503, %get3A_451 : vector<16xf32>
        %swap3A_504 = arith.index_cast %rem3A_425 : i32 to index
        %swap3A_505 = arith.index_cast %add3A_487 : i32 to index
        %swap3A_506 = arith.constant 0 : index
        %swap3A_507 = tpu.vector_load %arg12[%swap3A_504, %swap3A_505, %swap3A_506] {strides = array<i32>} : memref<2x128x16xf32, #tpu.memory_space<vmem>>, vector<1x1x16xf32>,
        %swap3A_508 = vector.shape_cast %swap3A_507 : vector<1x1x16xf32> to vector<16xf32>
        %swap3A_509 = vector.shape_cast %max3A : vector<16xf32> to vector<1x1x16xf32>
        tpu.vector_store %arg12[%swap3A_504, %swap3A_505, %swap3A_506], %swap3A_509 {strides = array<i32>} : memref<2x128x16xf32, #tpu.memory_space<vmem>>, vector<1x1x16xf32>,
        %add3A_510 = arith.constant 1 : i32
        %add3A_511 = arith.addi %mul3A_485, %add3A_510 : i32
        %slice3A_512 = vector.extract_strided_slice %get3A_483 {offsets = [1], sizes = [1], strides = [1]} : vector<16xf32> to vector<1xf32>
        %squeeze3A_513 = vector.extract %slice3A_512[0] : f32 from vector<1xf32>
        %broadcast_in_dim3A_514 = vector.broadcast %squeeze3A_513 : f32 to vector<16xf32>
        %get3A_515 = arith.index_cast %rem3A_423 : i32 to index
        %get3A_516 = arith.index_cast %add3A_511 : i32 to index
        %get3A_517 = arith.constant 0 : index
        %get3A_518 = tpu.vector_load %arg11[%get3A_515, %get3A_516, %get3A_517] {strides = array<i32>} : memref<4x256x16xf32, #tpu.memory_space<vmem>>, vector<1x1x16xf32>,
        %get3A_519 = vector.shape_cast %get3A_518 : vector<1x1x16xf32> to vector<16xf32>
        %add3A_520 = arith.constant 128 : i32
        %add3A_521 = arith.addi %add3A_520, %add3A_511 : i32
        %get3A_522 = arith.index_cast %rem3A_423 : i32 to index
        %get3A_523 = arith.index_cast %add3A_521 : i32 to index
        %get3A_524 = arith.constant 0 : index
        %get3A_525 = tpu.vector_load %arg11[%get3A_522, %get3A_523, %get3A_524] {strides = array<i32>} : memref<4x256x16xf32, #tpu.memory_space<vmem>>, vector<1x1x16xf32>,
        %get3A_526 = vector.shape_cast %get3A_525 : vector<1x1x16xf32> to vector<16xf32>
        %add3A_527 = arith.addf %get3A_519, %get3A_526 : vector<16xf32>
        %mul3A_528 = arith.mulf %broadcast_in_dim3A_514, %get3A_448 : vector<16xf32>
        %add3A_529 = arith.addf %add3A_527, %mul3A_528 : vector<16xf32>
        %max3A_530 = arith.maximumf %add3A_529, %get3A_451 : vector<16xf32>
        %swap3A_531 = arith.index_cast %rem3A_425 : i32 to index
        %swap3A_532 = arith.index_cast %add3A_511 : i32 to index
        %swap3A_533 = arith.constant 0 : index
        %swap3A_534 = tpu.vector_load %arg12[%swap3A_531, %swap3A_532, %swap3A_533] {strides = array<i32>} : memref<2x128x16xf32, #tpu.memory_space<vmem>>, vector<1x1x16xf32>,
        %swap3A_535 = vector.shape_cast %swap3A_534 : vector<1x1x16xf32> to vector<16xf32>
        %swap3A_536 = vector.shape_cast %max3A_530 : vector<16xf32> to vector<1x1x16xf32>
        tpu.vector_store %arg12[%swap3A_531, %swap3A_532, %swap3A_533], %swap3A_536 {strides = array<i32>} : memref<2x128x16xf32, #tpu.memory_space<vmem>>, vector<1x1x16xf32>,
        %add3A_537 = arith.constant 2 : i32
        %add3A_538 = arith.addi %mul3A_485, %add3A_537 : i32
        %slice3A_539 = vector.extract_strided_slice %get3A_483 {offsets = [2], sizes = [1], strides = [1]} : vector<16xf32> to vector<1xf32>
        %squeeze3A_540 = vector.extract %slice3A_539[0] : f32 from vector<1xf32>
        %broadcast_in_dim3A_541 = vector.broadcast %squeeze3A_540 : f32 to vector<16xf32>
        %get3A_542 = arith.index_cast %rem3A_423 : i32 to index
        %get3A_543 = arith.index_cast %add3A_538 : i32 to index
        %get3A_544 = arith.constant 0 : index
        %get3A_545 = tpu.vector_load %arg11[%get3A_542, %get3A_543, %get3A_544] {strides = array<i32>} : memref<4x256x16xf32, #tpu.memory_space<vmem>>, vector<1x1x16xf32>,
        %get3A_546 = vector.shape_cast %get3A_545 : vector<1x1x16xf32> to vector<16xf32>
        %add3A_547 = arith.constant 128 : i32
        %add3A_548 = arith.addi %add3A_547, %add3A_538 : i32
        %get3A_549 = arith.index_cast %rem3A_423 : i32 to index
        %get3A_550 = arith.index_cast %add3A_548 : i32 to index
        %get3A_551 = arith.constant 0 : index
        %get3A_552 = tpu.vector_load %arg11[%get3A_549, %get3A_550, %get3A_551] {strides = array<i32>} : memref<4x256x16xf32, #tpu.memory_space<vmem>>, vector<1x1x16xf32>,
        %get3A_553 = vector.shape_cast %get3A_552 : vector<1x1x16xf32> to vector<16xf32>
        %add3A_554 = arith.addf %get3A_546, %get3A_553 : vector<16xf32>
        %mul3A_555 = arith.mulf %broadcast_in_dim3A_541, %get3A_448 : vector<16xf32>
        %add3A_556 = arith.addf %add3A_554, %mul3A_555 : vector<16xf32>
        %max3A_557 = arith.maximumf %add3A_556, %get3A_451 : vector<16xf32>
        %swap3A_558 = arith.index_cast %rem3A_425 : i32 to index
        %swap3A_559 = arith.index_cast %add3A_538 : i32 to index
        %swap3A_560 = arith.constant 0 : index
        %swap3A_561 = tpu.vector_load %arg12[%swap3A_558, %swap3A_559, %swap3A_560] {strides = array<i32>} : memref<2x128x16xf32, #tpu.memory_space<vmem>>, vector<1x1x16xf32>,
        %swap3A_562 = vector.shape_cast %swap3A_561 : vector<1x1x16xf32> to vector<16xf32>
        %swap3A_563 = vector.shape_cast %max3A_557 : vector<16xf32> to vector<1x1x16xf32>
        tpu.vector_store %arg12[%swap3A_558, %swap3A_559, %swap3A_560], %swap3A_563 {strides = array<i32>} : memref<2x128x16xf32, #tpu.memory_space<vmem>>, vector<1x1x16xf32>,
        %add3A_564 = arith.constant 3 : i32
        %add3A_565 = arith.addi %mul3A_485, %add3A_564 : i32
        %slice3A_566 = vector.extract_strided_slice %get3A_483 {offsets = [3], sizes = [1], strides = [1]} : vector<16xf32> to vector<1xf32>
        %squeeze3A_567 = vector.extract %slice3A_566[0] : f32 from vector<1xf32>
        %broadcast_in_dim3A_568 = vector.broadcast %squeeze3A_567 : f32 to vector<16xf32>
        %get3A_569 = arith.index_cast %rem3A_423 : i32 to index
        %get3A_570 = arith.index_cast %add3A_565 : i32 to index
        %get3A_571 = arith.constant 0 : index
        %get3A_572 = tpu.vector_load %arg11[%get3A_569, %get3A_570, %get3A_571] {strides = array<i32>} : memref<4x256x16xf32, #tpu.memory_space<vmem>>, vector<1x1x16xf32>,
        %get3A_573 = vector.shape_cast %get3A_572 : vector<1x1x16xf32> to vector<16xf32>
        %add3A_574 = arith.constant 128 : i32
        %add3A_575 = arith.addi %add3A_574, %add3A_565 : i32
        %get3A_576 = arith.index_cast %rem3A_423 : i32 to index
        %get3A_577 = arith.index_cast %add3A_575 : i32 to index
        %get3A_578 = arith.constant 0 : index
        %get3A_579 = tpu.vector_load %arg11[%get3A_576, %get3A_577, %get3A_578] {strides = array<i32>} : memref<4x256x16xf32, #tpu.memory_space<vmem>>, vector<1x1x16xf32>,
        %get3A_580 = vector.shape_cast %get3A_579 : vector<1x1x16xf32> to vector<16xf32>
        %add3A_581 = arith.addf %get3A_573, %get3A_580 : vector<16xf32>
        %mul3A_582 = arith.mulf %broadcast_in_dim3A_568, %get3A_448 : vector<16xf32>
        %add3A_583 = arith.addf %add3A_581, %mul3A_582 : vector<16xf32>
        %max3A_584 = arith.maximumf %add3A_583, %get3A_451 : vector<16xf32>
        %swap3A_585 = arith.index_cast %rem3A_425 : i32 to index
        %swap3A_586 = arith.index_cast %add3A_565 : i32 to index
        %swap3A_587 = arith.constant 0 : index
        %swap3A_588 = tpu.vector_load %arg12[%swap3A_585, %swap3A_586, %swap3A_587] {strides = array<i32>} : memref<2x128x16xf32, #tpu.memory_space<vmem>>, vector<1x1x16xf32>,
        %swap3A_589 = vector.shape_cast %swap3A_588 : vector<1x1x16xf32> to vector<16xf32>
        %swap3A_590 = vector.shape_cast %max3A_584 : vector<16xf32> to vector<1x1x16xf32>
        tpu.vector_store %arg12[%swap3A_585, %swap3A_586, %swap3A_587], %swap3A_590 {strides = array<i32>} : memref<2x128x16xf32, #tpu.memory_space<vmem>>, vector<1x1x16xf32>,
        %add3A_591 = arith.constant 4 : i32
        %add3A_592 = arith.addi %mul3A_485, %add3A_591 : i32
        %slice3A_593 = vector.extract_strided_slice %get3A_483 {offsets = [4], sizes = [1], strides = [1]} : vector<16xf32> to vector<1xf32>
        %squeeze3A_594 = vector.extract %slice3A_593[0] : f32 from vector<1xf32>
        %broadcast_in_dim3A_595 = vector.broadcast %squeeze3A_594 : f32 to vector<16xf32>
        %get3A_596 = arith.index_cast %rem3A_423 : i32 to index
        %get3A_597 = arith.index_cast %add3A_592 : i32 to index
        %get3A_598 = arith.constant 0 : index
        %get3A_599 = tpu.vector_load %arg11[%get3A_596, %get3A_597, %get3A_598] {strides = array<i32>} : memref<4x256x16xf32, #tpu.memory_space<vmem>>, vector<1x1x16xf32>,
        %get3A_600 = vector.shape_cast %get3A_599 : vector<1x1x16xf32> to vector<16xf32>
        %add3A_601 = arith.constant 128 : i32
        %add3A_602 = arith.addi %add3A_601, %add3A_592 : i32
        %get3A_603 = arith.index_cast %rem3A_423 : i32 to index
        %get3A_604 = arith.index_cast %add3A_602 : i32 to index
        %get3A_605 = arith.constant 0 : index
        %get3A_606 = tpu.vector_load %arg11[%get3A_603, %get3A_604, %get3A_605] {strides = array<i32>} : memref<4x256x16xf32, #tpu.memory_space<vmem>>, vector<1x1x16xf32>,
        %get3A_607 = vector.shape_cast %get3A_606 : vector<1x1x16xf32> to vector<16xf32>
        %add3A_608 = arith.addf %get3A_600, %get3A_607 : vector<16xf32>
        %mul3A_609 = arith.mulf %broadcast_in_dim3A_595, %get3A_448 : vector<16xf32>
        %add3A_610 = arith.addf %add3A_608, %mul3A_609 : vector<16xf32>
        %max3A_611 = arith.maximumf %add3A_610, %get3A_451 : vector<16xf32>
        %swap3A_612 = arith.index_cast %rem3A_425 : i32 to index
        %swap3A_613 = arith.index_cast %add3A_592 : i32 to index
        %swap3A_614 = arith.constant 0 : index
        %swap3A_615 = tpu.vector_load %arg12[%swap3A_612, %swap3A_613, %swap3A_614] {strides = array<i32>} : memref<2x128x16xf32, #tpu.memory_space<vmem>>, vector<1x1x16xf32>,
        %swap3A_616 = vector.shape_cast %swap3A_615 : vector<1x1x16xf32> to vector<16xf32>
        %swap3A_617 = vector.shape_cast %max3A_611 : vector<16xf32> to vector<1x1x16xf32>
        tpu.vector_store %arg12[%swap3A_612, %swap3A_613, %swap3A_614], %swap3A_617 {strides = array<i32>} : memref<2x128x16xf32, #tpu.memory_space<vmem>>, vector<1x1x16xf32>,
        %add3A_618 = arith.constant 5 : i32
        %add3A_619 = arith.addi %mul3A_485, %add3A_618 : i32
        %slice3A_620 = vector.extract_strided_slice %get3A_483 {offsets = [5], sizes = [1], strides = [1]} : vector<16xf32> to vector<1xf32>
        %squeeze3A_621 = vector.extract %slice3A_620[0] : f32 from vector<1xf32>
        %broadcast_in_dim3A_622 = vector.broadcast %squeeze3A_621 : f32 to vector<16xf32>
        %get3A_623 = arith.index_cast %rem3A_423 : i32 to index
        %get3A_624 = arith.index_cast %add3A_619 : i32 to index
        %get3A_625 = arith.constant 0 : index
        %get3A_626 = tpu.vector_load %arg11[%get3A_623, %get3A_624, %get3A_625] {strides = array<i32>} : memref<4x256x16xf32, #tpu.memory_space<vmem>>, vector<1x1x16xf32>,
        %get3A_627 = vector.shape_cast %get3A_626 : vector<1x1x16xf32> to vector<16xf32>
        %add3A_628 = arith.constant 128 : i32
        %add3A_629 = arith.addi %add3A_628, %add3A_619 : i32
        %get3A_630 = arith.index_cast %rem3A_423 : i32 to index
        %get3A_631 = arith.index_cast %add3A_629 : i32 to index
        %get3A_632 = arith.constant 0 : index
        %get3A_633 = tpu.vector_load %arg11[%get3A_630, %get3A_631, %get3A_632] {strides = array<i32>} : memref<4x256x16xf32, #tpu.memory_space<vmem>>, vector<1x1x16xf32>,
        %get3A_634 = vector.shape_cast %get3A_633 : vector<1x1x16xf32> to vector<16xf32>
        %add3A_635 = arith.addf %get3A_627, %get3A_634 : vector<16xf32>
        %mul3A_636 = arith.mulf %broadcast_in_dim3A_622, %get3A_448 : vector<16xf32>
        %add3A_637 = arith.addf %add3A_635, %mul3A_636 : vector<16xf32>
        %max3A_638 = arith.maximumf %add3A_637, %get3A_451 : vector<16xf32>
        %swap3A_639 = arith.index_cast %rem3A_425 : i32 to index
        %swap3A_640 = arith.index_cast %add3A_619 : i32 to index
        %swap3A_641 = arith.constant 0 : index
        %swap3A_642 = tpu.vector_load %arg12[%swap3A_639, %swap3A_640, %swap3A_641] {strides = array<i32>} : memref<2x128x16xf32, #tpu.memory_space<vmem>>, vector<1x1x16xf32>,
        %swap3A_643 = vector.shape_cast %swap3A_642 : vector<1x1x16xf32> to vector<16xf32>
        %swap3A_644 = vector.shape_cast %max3A_638 : vector<16xf32> to vector<1x1x16xf32>
        tpu.vector_store %arg12[%swap3A_639, %swap3A_640, %swap3A_641], %swap3A_644 {strides = array<i32>} : memref<2x128x16xf32, #tpu.memory_space<vmem>>, vector<1x1x16xf32>,
        %add3A_645 = arith.constant 6 : i32
        %add3A_646 = arith.addi %mul3A_485, %add3A_645 : i32
        %slice3A_647 = vector.extract_strided_slice %get3A_483 {offsets = [6], sizes = [1], strides = [1]} : vector<16xf32> to vector<1xf32>
        %squeeze3A_648 = vector.extract %slice3A_647[0] : f32 from vector<1xf32>
        %broadcast_in_dim3A_649 = vector.broadcast %squeeze3A_648 : f32 to vector<16xf32>
        %get3A_650 = arith.index_cast %rem3A_423 : i32 to index
        %get3A_651 = arith.index_cast %add3A_646 : i32 to index
        %get3A_652 = arith.constant 0 : index
        %get3A_653 = tpu.vector_load %arg11[%get3A_650, %get3A_651, %get3A_652] {strides = array<i32>} : memref<4x256x16xf32, #tpu.memory_space<vmem>>, vector<1x1x16xf32>,
        %get3A_654 = vector.shape_cast %get3A_653 : vector<1x1x16xf32> to vector<16xf32>
        %add3A_655 = arith.constant 128 : i32
        %add3A_656 = arith.addi %add3A_655, %add3A_646 : i32
        %get3A_657 = arith.index_cast %rem3A_423 : i32 to index
        %get3A_658 = arith.index_cast %add3A_656 : i32 to index
        %get3A_659 = arith.constant 0 : index
        %get3A_660 = tpu.vector_load %arg11[%get3A_657, %get3A_658, %get3A_659] {strides = array<i32>} : memref<4x256x16xf32, #tpu.memory_space<vmem>>, vector<1x1x16xf32>,
        %get3A_661 = vector.shape_cast %get3A_660 : vector<1x1x16xf32> to vector<16xf32>
        %add3A_662 = arith.addf %get3A_654, %get3A_661 : vector<16xf32>
        %mul3A_663 = arith.mulf %broadcast_in_dim3A_649, %get3A_448 : vector<16xf32>
        %add3A_664 = arith.addf %add3A_662, %mul3A_663 : vector<16xf32>
        %max3A_665 = arith.maximumf %add3A_664, %get3A_451 : vector<16xf32>
        %swap3A_666 = arith.index_cast %rem3A_425 : i32 to index
        %swap3A_667 = arith.index_cast %add3A_646 : i32 to index
        %swap3A_668 = arith.constant 0 : index
        %swap3A_669 = tpu.vector_load %arg12[%swap3A_666, %swap3A_667, %swap3A_668] {strides = array<i32>} : memref<2x128x16xf32, #tpu.memory_space<vmem>>, vector<1x1x16xf32>,
        %swap3A_670 = vector.shape_cast %swap3A_669 : vector<1x1x16xf32> to vector<16xf32>
        %swap3A_671 = vector.shape_cast %max3A_665 : vector<16xf32> to vector<1x1x16xf32>
        tpu.vector_store %arg12[%swap3A_666, %swap3A_667, %swap3A_668], %swap3A_671 {strides = array<i32>} : memref<2x128x16xf32, #tpu.memory_space<vmem>>, vector<1x1x16xf32>,
        %add3A_672 = arith.constant 7 : i32
        %add3A_673 = arith.addi %mul3A_485, %add3A_672 : i32
        %slice3A_674 = vector.extract_strided_slice %get3A_483 {offsets = [7], sizes = [1], strides = [1]} : vector<16xf32> to vector<1xf32>
        %squeeze3A_675 = vector.extract %slice3A_674[0] : f32 from vector<1xf32>
        %broadcast_in_dim3A_676 = vector.broadcast %squeeze3A_675 : f32 to vector<16xf32>
        %get3A_677 = arith.index_cast %rem3A_423 : i32 to index
        %get3A_678 = arith.index_cast %add3A_673 : i32 to index
        %get3A_679 = arith.constant 0 : index
        %get3A_680 = tpu.vector_load %arg11[%get3A_677, %get3A_678, %get3A_679] {strides = array<i32>} : memref<4x256x16xf32, #tpu.memory_space<vmem>>, vector<1x1x16xf32>,
        %get3A_681 = vector.shape_cast %get3A_680 : vector<1x1x16xf32> to vector<16xf32>
        %add3A_682 = arith.constant 128 : i32
        %add3A_683 = arith.addi %add3A_682, %add3A_673 : i32
        %get3A_684 = arith.index_cast %rem3A_423 : i32 to index
        %get3A_685 = arith.index_cast %add3A_683 : i32 to index
        %get3A_686 = arith.constant 0 : index
        %get3A_687 = tpu.vector_load %arg11[%get3A_684, %get3A_685, %get3A_686] {strides = array<i32>} : memref<4x256x16xf32, #tpu.memory_space<vmem>>, vector<1x1x16xf32>,
        %get3A_688 = vector.shape_cast %get3A_687 : vector<1x1x16xf32> to vector<16xf32>
        %add3A_689 = arith.addf %get3A_681, %get3A_688 : vector<16xf32>
        %mul3A_690 = arith.mulf %broadcast_in_dim3A_676, %get3A_448 : vector<16xf32>
        %add3A_691 = arith.addf %add3A_689, %mul3A_690 : vector<16xf32>
        %max3A_692 = arith.maximumf %add3A_691, %get3A_451 : vector<16xf32>
        %swap3A_693 = arith.index_cast %rem3A_425 : i32 to index
        %swap3A_694 = arith.index_cast %add3A_673 : i32 to index
        %swap3A_695 = arith.constant 0 : index
        %swap3A_696 = tpu.vector_load %arg12[%swap3A_693, %swap3A_694, %swap3A_695] {strides = array<i32>} : memref<2x128x16xf32, #tpu.memory_space<vmem>>, vector<1x1x16xf32>,
        %swap3A_697 = vector.shape_cast %swap3A_696 : vector<1x1x16xf32> to vector<16xf32>
        %swap3A_698 = vector.shape_cast %max3A_692 : vector<16xf32> to vector<1x1x16xf32>
        tpu.vector_store %arg12[%swap3A_693, %swap3A_694, %swap3A_695], %swap3A_698 {strides = array<i32>} : memref<2x128x16xf32, #tpu.memory_space<vmem>>, vector<1x1x16xf32>,
        %add3A_699 = arith.constant 8 : i32
        %add3A_700 = arith.addi %mul3A_485, %add3A_699 : i32
        %slice3A_701 = vector.extract_strided_slice %get3A_483 {offsets = [8], sizes = [1], strides = [1]} : vector<16xf32> to vector<1xf32>
        %squeeze3A_702 = vector.extract %slice3A_701[0] : f32 from vector<1xf32>
        %broadcast_in_dim3A_703 = vector.broadcast %squeeze3A_702 : f32 to vector<16xf32>
        %get3A_704 = arith.index_cast %rem3A_423 : i32 to index
        %get3A_705 = arith.index_cast %add3A_700 : i32 to index
        %get3A_706 = arith.constant 0 : index
        %get3A_707 = tpu.vector_load %arg11[%get3A_704, %get3A_705, %get3A_706] {strides = array<i32>} : memref<4x256x16xf32, #tpu.memory_space<vmem>>, vector<1x1x16xf32>,
        %get3A_708 = vector.shape_cast %get3A_707 : vector<1x1x16xf32> to vector<16xf32>
        %add3A_709 = arith.constant 128 : i32
        %add3A_710 = arith.addi %add3A_709, %add3A_700 : i32
        %get3A_711 = arith.index_cast %rem3A_423 : i32 to index
        %get3A_712 = arith.index_cast %add3A_710 : i32 to index
        %get3A_713 = arith.constant 0 : index
        %get3A_714 = tpu.vector_load %arg11[%get3A_711, %get3A_712, %get3A_713] {strides = array<i32>} : memref<4x256x16xf32, #tpu.memory_space<vmem>>, vector<1x1x16xf32>,
        %get3A_715 = vector.shape_cast %get3A_714 : vector<1x1x16xf32> to vector<16xf32>
        %add3A_716 = arith.addf %get3A_708, %get3A_715 : vector<16xf32>
        %mul3A_717 = arith.mulf %broadcast_in_dim3A_703, %get3A_448 : vector<16xf32>
        %add3A_718 = arith.addf %add3A_716, %mul3A_717 : vector<16xf32>
        %max3A_719 = arith.maximumf %add3A_718, %get3A_451 : vector<16xf32>
        %swap3A_720 = arith.index_cast %rem3A_425 : i32 to index
        %swap3A_721 = arith.index_cast %add3A_700 : i32 to index
        %swap3A_722 = arith.constant 0 : index
        %swap3A_723 = tpu.vector_load %arg12[%swap3A_720, %swap3A_721, %swap3A_722] {strides = array<i32>} : memref<2x128x16xf32, #tpu.memory_space<vmem>>, vector<1x1x16xf32>,
        %swap3A_724 = vector.shape_cast %swap3A_723 : vector<1x1x16xf32> to vector<16xf32>
        %swap3A_725 = vector.shape_cast %max3A_719 : vector<16xf32> to vector<1x1x16xf32>
        tpu.vector_store %arg12[%swap3A_720, %swap3A_721, %swap3A_722], %swap3A_725 {strides = array<i32>} : memref<2x128x16xf32, #tpu.memory_space<vmem>>, vector<1x1x16xf32>,
        %add3A_726 = arith.constant 9 : i32
        %add3A_727 = arith.addi %mul3A_485, %add3A_726 : i32
        %slice3A_728 = vector.extract_strided_slice %get3A_483 {offsets = [9], sizes = [1], strides = [1]} : vector<16xf32> to vector<1xf32>
        %squeeze3A_729 = vector.extract %slice3A_728[0] : f32 from vector<1xf32>
        %broadcast_in_dim3A_730 = vector.broadcast %squeeze3A_729 : f32 to vector<16xf32>
        %get3A_731 = arith.index_cast %rem3A_423 : i32 to index
        %get3A_732 = arith.index_cast %add3A_727 : i32 to index
        %get3A_733 = arith.constant 0 : index
        %get3A_734 = tpu.vector_load %arg11[%get3A_731, %get3A_732, %get3A_733] {strides = array<i32>} : memref<4x256x16xf32, #tpu.memory_space<vmem>>, vector<1x1x16xf32>,
        %get3A_735 = vector.shape_cast %get3A_734 : vector<1x1x16xf32> to vector<16xf32>
        %add3A_736 = arith.constant 128 : i32
        %add3A_737 = arith.addi %add3A_736, %add3A_727 : i32
        %get3A_738 = arith.index_cast %rem3A_423 : i32 to index
        %get3A_739 = arith.index_cast %add3A_737 : i32 to index
        %get3A_740 = arith.constant 0 : index
        %get3A_741 = tpu.vector_load %arg11[%get3A_738, %get3A_739, %get3A_740] {strides = array<i32>} : memref<4x256x16xf32, #tpu.memory_space<vmem>>, vector<1x1x16xf32>,
        %get3A_742 = vector.shape_cast %get3A_741 : vector<1x1x16xf32> to vector<16xf32>
        %add3A_743 = arith.addf %get3A_735, %get3A_742 : vector<16xf32>
        %mul3A_744 = arith.mulf %broadcast_in_dim3A_730, %get3A_448 : vector<16xf32>
        %add3A_745 = arith.addf %add3A_743, %mul3A_744 : vector<16xf32>
        %max3A_746 = arith.maximumf %add3A_745, %get3A_451 : vector<16xf32>
        %swap3A_747 = arith.index_cast %rem3A_425 : i32 to index
        %swap3A_748 = arith.index_cast %add3A_727 : i32 to index
        %swap3A_749 = arith.constant 0 : index
        %swap3A_750 = tpu.vector_load %arg12[%swap3A_747, %swap3A_748, %swap3A_749] {strides = array<i32>} : memref<2x128x16xf32, #tpu.memory_space<vmem>>, vector<1x1x16xf32>,
        %swap3A_751 = vector.shape_cast %swap3A_750 : vector<1x1x16xf32> to vector<16xf32>
        %swap3A_752 = vector.shape_cast %max3A_746 : vector<16xf32> to vector<1x1x16xf32>
        tpu.vector_store %arg12[%swap3A_747, %swap3A_748, %swap3A_749], %swap3A_752 {strides = array<i32>} : memref<2x128x16xf32, #tpu.memory_space<vmem>>, vector<1x1x16xf32>,
        %add3A_753 = arith.constant 10 : i32
        %add3A_754 = arith.addi %mul3A_485, %add3A_753 : i32
        %slice3A_755 = vector.extract_strided_slice %get3A_483 {offsets = [10], sizes = [1], strides = [1]} : vector<16xf32> to vector<1xf32>
        %squeeze3A_756 = vector.extract %slice3A_755[0] : f32 from vector<1xf32>
        %broadcast_in_dim3A_757 = vector.broadcast %squeeze3A_756 : f32 to vector<16xf32>
        %get3A_758 = arith.index_cast %rem3A_423 : i32 to index
        %get3A_759 = arith.index_cast %add3A_754 : i32 to index
        %get3A_760 = arith.constant 0 : index
        %get3A_761 = tpu.vector_load %arg11[%get3A_758, %get3A_759, %get3A_760] {strides = array<i32>} : memref<4x256x16xf32, #tpu.memory_space<vmem>>, vector<1x1x16xf32>,
        %get3A_762 = vector.shape_cast %get3A_761 : vector<1x1x16xf32> to vector<16xf32>
        %add3A_763 = arith.constant 128 : i32
        %add3A_764 = arith.addi %add3A_763, %add3A_754 : i32
        %get3A_765 = arith.index_cast %rem3A_423 : i32 to index
        %get3A_766 = arith.index_cast %add3A_764 : i32 to index
        %get3A_767 = arith.constant 0 : index
        %get3A_768 = tpu.vector_load %arg11[%get3A_765, %get3A_766, %get3A_767] {strides = array<i32>} : memref<4x256x16xf32, #tpu.memory_space<vmem>>, vector<1x1x16xf32>,
        %get3A_769 = vector.shape_cast %get3A_768 : vector<1x1x16xf32> to vector<16xf32>
        %add3A_770 = arith.addf %get3A_762, %get3A_769 : vector<16xf32>
        %mul3A_771 = arith.mulf %broadcast_in_dim3A_757, %get3A_448 : vector<16xf32>
        %add3A_772 = arith.addf %add3A_770, %mul3A_771 : vector<16xf32>
        %max3A_773 = arith.maximumf %add3A_772, %get3A_451 : vector<16xf32>
        %swap3A_774 = arith.index_cast %rem3A_425 : i32 to index
        %swap3A_775 = arith.index_cast %add3A_754 : i32 to index
        %swap3A_776 = arith.constant 0 : index
        %swap3A_777 = tpu.vector_load %arg12[%swap3A_774, %swap3A_775, %swap3A_776] {strides = array<i32>} : memref<2x128x16xf32, #tpu.memory_space<vmem>>, vector<1x1x16xf32>,
        %swap3A_778 = vector.shape_cast %swap3A_777 : vector<1x1x16xf32> to vector<16xf32>
        %swap3A_779 = vector.shape_cast %max3A_773 : vector<16xf32> to vector<1x1x16xf32>
        tpu.vector_store %arg12[%swap3A_774, %swap3A_775, %swap3A_776], %swap3A_779 {strides = array<i32>} : memref<2x128x16xf32, #tpu.memory_space<vmem>>, vector<1x1x16xf32>,
        %add3A_780 = arith.constant 11 : i32
        %add3A_781 = arith.addi %mul3A_485, %add3A_780 : i32
        %slice3A_782 = vector.extract_strided_slice %get3A_483 {offsets = [11], sizes = [1], strides = [1]} : vector<16xf32> to vector<1xf32>
        %squeeze3A_783 = vector.extract %slice3A_782[0] : f32 from vector<1xf32>
        %broadcast_in_dim3A_784 = vector.broadcast %squeeze3A_783 : f32 to vector<16xf32>
        %get3A_785 = arith.index_cast %rem3A_423 : i32 to index
        %get3A_786 = arith.index_cast %add3A_781 : i32 to index
        %get3A_787 = arith.constant 0 : index
        %get3A_788 = tpu.vector_load %arg11[%get3A_785, %get3A_786, %get3A_787] {strides = array<i32>} : memref<4x256x16xf32, #tpu.memory_space<vmem>>, vector<1x1x16xf32>,
        %get3A_789 = vector.shape_cast %get3A_788 : vector<1x1x16xf32> to vector<16xf32>
        %add3A_790 = arith.constant 128 : i32
        %add3A_791 = arith.addi %add3A_790, %add3A_781 : i32
        %get3A_792 = arith.index_cast %rem3A_423 : i32 to index
        %get3A_793 = arith.index_cast %add3A_791 : i32 to index
        %get3A_794 = arith.constant 0 : index
        %get3A_795 = tpu.vector_load %arg11[%get3A_792, %get3A_793, %get3A_794] {strides = array<i32>} : memref<4x256x16xf32, #tpu.memory_space<vmem>>, vector<1x1x16xf32>,
        %get3A_796 = vector.shape_cast %get3A_795 : vector<1x1x16xf32> to vector<16xf32>
        %add3A_797 = arith.addf %get3A_789, %get3A_796 : vector<16xf32>
        %mul3A_798 = arith.mulf %broadcast_in_dim3A_784, %get3A_448 : vector<16xf32>
        %add3A_799 = arith.addf %add3A_797, %mul3A_798 : vector<16xf32>
        %max3A_800 = arith.maximumf %add3A_799, %get3A_451 : vector<16xf32>
        %swap3A_801 = arith.index_cast %rem3A_425 : i32 to index
        %swap3A_802 = arith.index_cast %add3A_781 : i32 to index
        %swap3A_803 = arith.constant 0 : index
        %swap3A_804 = tpu.vector_load %arg12[%swap3A_801, %swap3A_802, %swap3A_803] {strides = array<i32>} : memref<2x128x16xf32, #tpu.memory_space<vmem>>, vector<1x1x16xf32>,
        %swap3A_805 = vector.shape_cast %swap3A_804 : vector<1x1x16xf32> to vector<16xf32>
        %swap3A_806 = vector.shape_cast %max3A_800 : vector<16xf32> to vector<1x1x16xf32>
        tpu.vector_store %arg12[%swap3A_801, %swap3A_802, %swap3A_803], %swap3A_806 {strides = array<i32>} : memref<2x128x16xf32, #tpu.memory_space<vmem>>, vector<1x1x16xf32>,
        %add3A_807 = arith.constant 12 : i32
        %add3A_808 = arith.addi %mul3A_485, %add3A_807 : i32
        %slice3A_809 = vector.extract_strided_slice %get3A_483 {offsets = [12], sizes = [1], strides = [1]} : vector<16xf32> to vector<1xf32>
        %squeeze3A_810 = vector.extract %slice3A_809[0] : f32 from vector<1xf32>
        %broadcast_in_dim3A_811 = vector.broadcast %squeeze3A_810 : f32 to vector<16xf32>
        %get3A_812 = arith.index_cast %rem3A_423 : i32 to index
        %get3A_813 = arith.index_cast %add3A_808 : i32 to index
        %get3A_814 = arith.constant 0 : index
        %get3A_815 = tpu.vector_load %arg11[%get3A_812, %get3A_813, %get3A_814] {strides = array<i32>} : memref<4x256x16xf32, #tpu.memory_space<vmem>>, vector<1x1x16xf32>,
        %get3A_816 = vector.shape_cast %get3A_815 : vector<1x1x16xf32> to vector<16xf32>
        %add3A_817 = arith.constant 128 : i32
        %add3A_818 = arith.addi %add3A_817, %add3A_808 : i32
        %get3A_819 = arith.index_cast %rem3A_423 : i32 to index
        %get3A_820 = arith.index_cast %add3A_818 : i32 to index
        %get3A_821 = arith.constant 0 : index
        %get3A_822 = tpu.vector_load %arg11[%get3A_819, %get3A_820, %get3A_821] {strides = array<i32>} : memref<4x256x16xf32, #tpu.memory_space<vmem>>, vector<1x1x16xf32>,
        %get3A_823 = vector.shape_cast %get3A_822 : vector<1x1x16xf32> to vector<16xf32>
        %add3A_824 = arith.addf %get3A_816, %get3A_823 : vector<16xf32>
        %mul3A_825 = arith.mulf %broadcast_in_dim3A_811, %get3A_448 : vector<16xf32>
        %add3A_826 = arith.addf %add3A_824, %mul3A_825 : vector<16xf32>
        %max3A_827 = arith.maximumf %add3A_826, %get3A_451 : vector<16xf32>
        %swap3A_828 = arith.index_cast %rem3A_425 : i32 to index
        %swap3A_829 = arith.index_cast %add3A_808 : i32 to index
        %swap3A_830 = arith.constant 0 : index
        %swap3A_831 = tpu.vector_load %arg12[%swap3A_828, %swap3A_829, %swap3A_830] {strides = array<i32>} : memref<2x128x16xf32, #tpu.memory_space<vmem>>, vector<1x1x16xf32>,
        %swap3A_832 = vector.shape_cast %swap3A_831 : vector<1x1x16xf32> to vector<16xf32>
        %swap3A_833 = vector.shape_cast %max3A_827 : vector<16xf32> to vector<1x1x16xf32>
        tpu.vector_store %arg12[%swap3A_828, %swap3A_829, %swap3A_830], %swap3A_833 {strides = array<i32>} : memref<2x128x16xf32, #tpu.memory_space<vmem>>, vector<1x1x16xf32>,
        %add3A_834 = arith.constant 13 : i32
        %add3A_835 = arith.addi %mul3A_485, %add3A_834 : i32
        %slice3A_836 = vector.extract_strided_slice %get3A_483 {offsets = [13], sizes = [1], strides = [1]} : vector<16xf32> to vector<1xf32>
        %squeeze3A_837 = vector.extract %slice3A_836[0] : f32 from vector<1xf32>
        %broadcast_in_dim3A_838 = vector.broadcast %squeeze3A_837 : f32 to vector<16xf32>
        %get3A_839 = arith.index_cast %rem3A_423 : i32 to index
        %get3A_840 = arith.index_cast %add3A_835 : i32 to index
        %get3A_841 = arith.constant 0 : index
        %get3A_842 = tpu.vector_load %arg11[%get3A_839, %get3A_840, %get3A_841] {strides = array<i32>} : memref<4x256x16xf32, #tpu.memory_space<vmem>>, vector<1x1x16xf32>,
        %get3A_843 = vector.shape_cast %get3A_842 : vector<1x1x16xf32> to vector<16xf32>
        %add3A_844 = arith.constant 128 : i32
        %add3A_845 = arith.addi %add3A_844, %add3A_835 : i32
        %get3A_846 = arith.index_cast %rem3A_423 : i32 to index
        %get3A_847 = arith.index_cast %add3A_845 : i32 to index
        %get3A_848 = arith.constant 0 : index
        %get3A_849 = tpu.vector_load %arg11[%get3A_846, %get3A_847, %get3A_848] {strides = array<i32>} : memref<4x256x16xf32, #tpu.memory_space<vmem>>, vector<1x1x16xf32>,
        %get3A_850 = vector.shape_cast %get3A_849 : vector<1x1x16xf32> to vector<16xf32>
        %add3A_851 = arith.addf %get3A_843, %get3A_850 : vector<16xf32>
        %mul3A_852 = arith.mulf %broadcast_in_dim3A_838, %get3A_448 : vector<16xf32>
        %add3A_853 = arith.addf %add3A_851, %mul3A_852 : vector<16xf32>
        %max3A_854 = arith.maximumf %add3A_853, %get3A_451 : vector<16xf32>
        %swap3A_855 = arith.index_cast %rem3A_425 : i32 to index
        %swap3A_856 = arith.index_cast %add3A_835 : i32 to index
        %swap3A_857 = arith.constant 0 : index
        %swap3A_858 = tpu.vector_load %arg12[%swap3A_855, %swap3A_856, %swap3A_857] {strides = array<i32>} : memref<2x128x16xf32, #tpu.memory_space<vmem>>, vector<1x1x16xf32>,
        %swap3A_859 = vector.shape_cast %swap3A_858 : vector<1x1x16xf32> to vector<16xf32>
        %swap3A_860 = vector.shape_cast %max3A_854 : vector<16xf32> to vector<1x1x16xf32>
        tpu.vector_store %arg12[%swap3A_855, %swap3A_856, %swap3A_857], %swap3A_860 {strides = array<i32>} : memref<2x128x16xf32, #tpu.memory_space<vmem>>, vector<1x1x16xf32>,
        %add3A_861 = arith.constant 14 : i32
        %add3A_862 = arith.addi %mul3A_485, %add3A_861 : i32
        %slice3A_863 = vector.extract_strided_slice %get3A_483 {offsets = [14], sizes = [1], strides = [1]} : vector<16xf32> to vector<1xf32>
        %squeeze3A_864 = vector.extract %slice3A_863[0] : f32 from vector<1xf32>
        %broadcast_in_dim3A_865 = vector.broadcast %squeeze3A_864 : f32 to vector<16xf32>
        %get3A_866 = arith.index_cast %rem3A_423 : i32 to index
        %get3A_867 = arith.index_cast %add3A_862 : i32 to index
        %get3A_868 = arith.constant 0 : index
        %get3A_869 = tpu.vector_load %arg11[%get3A_866, %get3A_867, %get3A_868] {strides = array<i32>} : memref<4x256x16xf32, #tpu.memory_space<vmem>>, vector<1x1x16xf32>,
        %get3A_870 = vector.shape_cast %get3A_869 : vector<1x1x16xf32> to vector<16xf32>
        %add3A_871 = arith.constant 128 : i32
        %add3A_872 = arith.addi %add3A_871, %add3A_862 : i32
        %get3A_873 = arith.index_cast %rem3A_423 : i32 to index
        %get3A_874 = arith.index_cast %add3A_872 : i32 to index
        %get3A_875 = arith.constant 0 : index
        %get3A_876 = tpu.vector_load %arg11[%get3A_873, %get3A_874, %get3A_875] {strides = array<i32>} : memref<4x256x16xf32, #tpu.memory_space<vmem>>, vector<1x1x16xf32>,
        %get3A_877 = vector.shape_cast %get3A_876 : vector<1x1x16xf32> to vector<16xf32>
        %add3A_878 = arith.addf %get3A_870, %get3A_877 : vector<16xf32>
        %mul3A_879 = arith.mulf %broadcast_in_dim3A_865, %get3A_448 : vector<16xf32>
        %add3A_880 = arith.addf %add3A_878, %mul3A_879 : vector<16xf32>
        %max3A_881 = arith.maximumf %add3A_880, %get3A_451 : vector<16xf32>
        %swap3A_882 = arith.index_cast %rem3A_425 : i32 to index
        %swap3A_883 = arith.index_cast %add3A_862 : i32 to index
        %swap3A_884 = arith.constant 0 : index
        %swap3A_885 = tpu.vector_load %arg12[%swap3A_882, %swap3A_883, %swap3A_884] {strides = array<i32>} : memref<2x128x16xf32, #tpu.memory_space<vmem>>, vector<1x1x16xf32>,
        %swap3A_886 = vector.shape_cast %swap3A_885 : vector<1x1x16xf32> to vector<16xf32>
        %swap3A_887 = vector.shape_cast %max3A_881 : vector<16xf32> to vector<1x1x16xf32>
        tpu.vector_store %arg12[%swap3A_882, %swap3A_883, %swap3A_884], %swap3A_887 {strides = array<i32>} : memref<2x128x16xf32, #tpu.memory_space<vmem>>, vector<1x1x16xf32>,
        %add3A_888 = arith.constant 15 : i32
        %add3A_889 = arith.addi %mul3A_485, %add3A_888 : i32
        %slice3A_890 = vector.extract_strided_slice %get3A_483 {offsets = [15], sizes = [1], strides = [1]} : vector<16xf32> to vector<1xf32>
        %squeeze3A_891 = vector.extract %slice3A_890[0] : f32 from vector<1xf32>
        %broadcast_in_dim3A_892 = vector.broadcast %squeeze3A_891 : f32 to vector<16xf32>
        %get3A_893 = arith.index_cast %rem3A_423 : i32 to index
        %get3A_894 = arith.index_cast %add3A_889 : i32 to index
        %get3A_895 = arith.constant 0 : index
        %get3A_896 = tpu.vector_load %arg11[%get3A_893, %get3A_894, %get3A_895] {strides = array<i32>} : memref<4x256x16xf32, #tpu.memory_space<vmem>>, vector<1x1x16xf32>,
        %get3A_897 = vector.shape_cast %get3A_896 : vector<1x1x16xf32> to vector<16xf32>
        %add3A_898 = arith.constant 128 : i32
        %add3A_899 = arith.addi %add3A_898, %add3A_889 : i32
        %get3A_900 = arith.index_cast %rem3A_423 : i32 to index
        %get3A_901 = arith.index_cast %add3A_899 : i32 to index
        %get3A_902 = arith.constant 0 : index
        %get3A_903 = tpu.vector_load %arg11[%get3A_900, %get3A_901, %get3A_902] {strides = array<i32>} : memref<4x256x16xf32, #tpu.memory_space<vmem>>, vector<1x1x16xf32>,
        %get3A_904 = vector.shape_cast %get3A_903 : vector<1x1x16xf32> to vector<16xf32>
        %add3A_905 = arith.addf %get3A_897, %get3A_904 : vector<16xf32>
        %mul3A_906 = arith.mulf %broadcast_in_dim3A_892, %get3A_448 : vector<16xf32>
        %add3A_907 = arith.addf %add3A_905, %mul3A_906 : vector<16xf32>
        %max3A_908 = arith.maximumf %add3A_907, %get3A_451 : vector<16xf32>
        %swap3A_909 = arith.index_cast %rem3A_425 : i32 to index
        %swap3A_910 = arith.index_cast %add3A_889 : i32 to index
        %swap3A_911 = arith.constant 0 : index
        %swap3A_912 = tpu.vector_load %arg12[%swap3A_909, %swap3A_910, %swap3A_911] {strides = array<i32>} : memref<2x128x16xf32, #tpu.memory_space<vmem>>, vector<1x1x16xf32>,
        %swap3A_913 = vector.shape_cast %swap3A_912 : vector<1x1x16xf32> to vector<16xf32>
        %swap3A_914 = vector.shape_cast %max3A_908 : vector<16xf32> to vector<1x1x16xf32>
        tpu.vector_store %arg12[%swap3A_909, %swap3A_910, %swap3A_911], %swap3A_914 {strides = array<i32>} : memref<2x128x16xf32, #tpu.memory_space<vmem>>, vector<1x1x16xf32>,
        %scan3A_915 = arith.constant 0 : i32
        scf.yield %scan3A_915 : i32
      }
      %scan3A_458 = arith.constant 8 : i32
      %dma_start3A_459 = arith.constant 0 : i32
      %dma_start3A_460 = arith.constant 0 : i32
      %dma_start3A_461 = tpu.memref_slice %arg12[%rem3A_425, %dma_start3A_459, %dma_start3A_460] : memref<2x128x16xf32, #tpu.memory_space<vmem>> -> memref<1x128x16xf32, #tpu.memory_space<vmem>>
      %dma_start3A_462 = tpu.memref_squeeze %dma_start3A_461 : memref<1x128x16xf32, #tpu.memory_space<vmem>> -> memref<128x16xf32, #tpu.memory_space<vmem>>
      %dma_start3A_463 = arith.constant 0 : i32
      %dma_start3A_464 = tpu.memref_slice %arg9[%rem3A_423, %dma_start3A_463] : memref<4x128xi32, #tpu.memory_space<vmem>> -> memref<1x128xi32, #tpu.memory_space<vmem>>
      %dma_start3A_465 = tpu.memref_squeeze %dma_start3A_464 : memref<1x128xi32, #tpu.memory_space<vmem>> -> memref<128xi32, #tpu.memory_space<vmem>>
      %dma_start3A_466 = arith.constant 0 : i32
      %dma_start3A_467 = arith.constant 0 : i32
      %dma_start3A_468 = tpu.memref_slice %arg16[%dma_start3A_466, %dma_start3A_467] : memref<100000x16xf32, #tpu.memory_space<vmem_shared>> -> memref<100000x16xf32, #tpu.memory_space<vmem_shared>>
      tpu.enqueue_indirect_dma source(%dma_start3A_462 : memref<128x16xf32, #tpu.memory_space<vmem>>) target(%dma_start3A_468 : memref<100000x16xf32, #tpu.memory_space<vmem_shared>>) offsets(%dma_start3A_465 : memref<128xi32, #tpu.memory_space<vmem>>) semaphore(%arg19 : memref<!tpu.dma_semaphore, #tpu.memory_space<semaphore_mem>>) {add = true}
      %add3A_469 = arith.constant 2 : i32
      %add3A_470 = arith.addi %while3A_420, %add3A_469 : i32
      %lt3A_471 = arith.cmpi slt, %add3A_470, %add3A_22 : i32
      %convert_element_type3A_472 = arith.extui %lt3A_471 : i1 to i32
      %cond3A_473 = arith.constant 0 : i32
      %cond3A_474 = arith.cmpi ne, %convert_element_type3A_472, %cond3A_473 : i32
      scf.if %cond3A_474 {
        %add3A_476 = arith.constant 2 : i32
        %add3A_477 = arith.addi %while3A_420, %add3A_476 : i32
        %add3A_478 = arith.constant 2 : i32
        %add3A_479 = arith.addi %while3A_420, %add3A_478 : i32
        %rem3A_480 = arith.constant 4 : i32
        %rem3A_481 = arith.remsi %add3A_479, %rem3A_480 : i32
        %add3A_482 = arith.addi %add3A_18, %add3A_477 : i32
        %mul3A_483 = arith.constant 128 : i32
        %mul3A_484 = arith.muli %add3A_482, %mul3A_483 : i32
        %add3A_485 = arith.addi %add3A_18, %add3A_477 : i32
        %dma_wait3A_486 = arith.constant 0 : i32
        %dma_wait3A_487 = tpu.memref_slice %arg8[%rem3A_481, %dma_wait3A_486] : memref<4x256xi32, #tpu.memory_space<vmem>> -> memref<1x256xi32, #tpu.memory_space<vmem>>
        %dma_wait3A_488 = tpu.memref_squeeze %dma_wait3A_487 : memref<1x256xi32, #tpu.memory_space<vmem>> -> memref<256xi32, #tpu.memory_space<vmem>>
        %dma_wait3A_489 = arith.constant 0 : i32
        %dma_wait3A_490 = tpu.memref_slice %arg3[%add3A_485, %dma_wait3A_489] : memref<25000x256xi32, #tpu.memory_space<hbm>> -> memref<1x256xi32, #tpu.memory_space<hbm>>
        %dma_wait3A_491 = tpu.memref_squeeze %dma_wait3A_490 : memref<1x256xi32, #tpu.memory_space<hbm>> -> memref<256xi32, #tpu.memory_space<hbm>>
        %dma_wait3A_492 = arith.constant 0 : i32
        %dma_wait3A_493 = tpu.memref_slice %arg8[%rem3A_481, %dma_wait3A_492] : memref<4x256xi32, #tpu.memory_space<vmem>> -> memref<1x256xi32, #tpu.memory_space<vmem>>
        %dma_wait3A_494 = tpu.memref_squeeze %dma_wait3A_493 : memref<1x256xi32, #tpu.memory_space<vmem>> -> memref<256xi32, #tpu.memory_space<vmem>>
        %dma_wait3A_495 = arith.constant 0 : i32
        %dma_wait3A_496 = tpu.memref_slice %arg3[%add3A_485, %dma_wait3A_495] : memref<25000x256xi32, #tpu.memory_space<hbm>> -> memref<1x256xi32, #tpu.memory_space<hbm>>
        %dma_wait3A_497 = tpu.memref_squeeze %dma_wait3A_496 : memref<1x256xi32, #tpu.memory_space<hbm>> -> memref<256xi32, #tpu.memory_space<hbm>>
        tpu.wait_dma2 semaphore(%arg17 : memref<!tpu.dma_semaphore, #tpu.memory_space<semaphore_mem>>) src(%dma_wait3A_497 : memref<256xi32, #tpu.memory_space<hbm>>) dst(%dma_wait3A_494 : memref<256xi32, #tpu.memory_space<vmem>>)
        %dma_wait3A_498 = arith.constant 0 : i32
        %dma_wait3A_499 = tpu.memref_slice %arg10[%rem3A_481, %dma_wait3A_498] : memref<4x128xf32, #tpu.memory_space<vmem>> -> memref<1x128xf32, #tpu.memory_space<vmem>>
        %dma_wait3A_500 = tpu.memref_squeeze %dma_wait3A_499 : memref<1x128xf32, #tpu.memory_space<vmem>> -> memref<128xf32, #tpu.memory_space<vmem>>
        %dma_wait3A_501 = tpu.memref_slice %arg4[%mul3A_484] : memref<3200000xf32, #tpu.memory_space<hbm>> -> memref<128xf32, #tpu.memory_space<hbm>>
        %dma_wait3A_502 = arith.constant 0 : i32
        %dma_wait3A_503 = tpu.memref_slice %arg10[%rem3A_481, %dma_wait3A_502] : memref<4x128xf32, #tpu.memory_space<vmem>> -> memref<1x128xf32, #tpu.memory_space<vmem>>
        %dma_wait3A_504 = tpu.memref_squeeze %dma_wait3A_503 : memref<1x128xf32, #tpu.memory_space<vmem>> -> memref<128xf32, #tpu.memory_space<vmem>>
        %dma_wait3A_505 = tpu.memref_slice %arg4[%mul3A_484] : memref<3200000xf32, #tpu.memory_space<hbm>> -> memref<128xf32, #tpu.memory_space<hbm>>
        tpu.wait_dma2 semaphore(%arg17 : memref<!tpu.dma_semaphore, #tpu.memory_space<semaphore_mem>>) src(%dma_wait3A_505 : memref<128xf32, #tpu.memory_space<hbm>>) dst(%dma_wait3A_504 : memref<128xf32, #tpu.memory_space<vmem>>)
        %add3A_506 = arith.constant 2 : i32
        %add3A_507 = arith.addi %while3A_420, %add3A_506 : i32
        %rem3A_508 = arith.constant 4 : i32
        %rem3A_509 = arith.remsi %add3A_507, %rem3A_508 : i32
        %dma_start3A_510 = arith.constant 0 : i32
        %dma_start3A_511 = arith.constant 0 : i32
        %dma_start3A_512 = tpu.memref_slice %arg11[%rem3A_509, %dma_start3A_510, %dma_start3A_511] : memref<4x256x16xf32, #tpu.memory_space<vmem>> -> memref<1x256x16xf32, #tpu.memory_space<vmem>>
        %dma_start3A_513 = tpu.memref_squeeze %dma_start3A_512 : memref<1x256x16xf32, #tpu.memory_space<vmem>> -> memref<256x16xf32, #tpu.memory_space<vmem>>
        %dma_start3A_514 = arith.constant 0 : i32
        %dma_start3A_515 = tpu.memref_slice %arg8[%rem3A_509, %dma_start3A_514] : memref<4x256xi32, #tpu.memory_space<vmem>> -> memref<1x256xi32, #tpu.memory_space<vmem>>
        %dma_start3A_516 = tpu.memref_squeeze %dma_start3A_515 : memref<1x256xi32, #tpu.memory_space<vmem>> -> memref<256xi32, #tpu.memory_space<vmem>>
        %dma_start3A_517 = arith.constant 0 : i32
        %dma_start3A_518 = arith.constant 0 : i32
        %dma_start3A_519 = tpu.memref_slice %arg2[%dma_start3A_517, %dma_start3A_518] : memref<200000x16xf32, #tpu.memory_space<hbm>> -> memref<200000x16xf32, #tpu.memory_space<hbm>>
        %dma_start3A_520 = tpu.memref_slice %arg18[%rem3A_509] : memref<4x!tpu.dma_semaphore, #tpu.memory_space<semaphore_mem>> -> memref<1x!tpu.dma_semaphore, #tpu.memory_space<semaphore_mem>>
        %dma_start3A_521 = tpu.memref_squeeze %dma_start3A_520 : memref<1x!tpu.dma_semaphore, #tpu.memory_space<semaphore_mem>> -> memref<!tpu.dma_semaphore, #tpu.memory_space<semaphore_mem>>
        tpu.enqueue_indirect_dma source(%dma_start3A_519 : memref<200000x16xf32, #tpu.memory_space<hbm>>) target(%dma_start3A_513 : memref<256x16xf32, #tpu.memory_space<vmem>>) offsets(%dma_start3A_516 : memref<256xi32, #tpu.memory_space<vmem>>) semaphore(%dma_start3A_521 : memref<!tpu.dma_semaphore, #tpu.memory_space<semaphore_mem>>)
        %add3A_522 = arith.constant 2 : i32
        %add3A_523 = arith.addi %while3A_420, %add3A_522 : i32
        %rem3A_524 = arith.constant 4 : i32
        %rem3A_525 = arith.remsi %add3A_523, %rem3A_524 : i32
        %get3A_526 = arith.index_cast %rem3A_525 : i32 to index
        %get3A_527 = arith.constant 128 : index
        %get3A_528 = tpu.vector_load %arg8[%get3A_526, %get3A_527] {strides = array<i32>} : memref<4x256xi32, #tpu.memory_space<vmem>>, vector<1x16xi32>,
        %get3A_529 = vector.shape_cast %get3A_528 : vector<1x16xi32> to vector<16xi32>
        %sub3A_530 = arith.constant 100000 : i32
        %sub3A_531 = vector.broadcast %sub3A_530 : i32 to vector<16xi32>
        %sub3A_532 = arith.subi %get3A_529, %sub3A_531 : vector<16xi32>
        %swap3A_533 = arith.index_cast %rem3A_525 : i32 to index
        %swap3A_534 = arith.constant 0 : index
        %swap3A_535 = tpu.vector_load %arg9[%swap3A_533, %swap3A_534] {strides = array<i32>} : memref<4x128xi32, #tpu.memory_space<vmem>>, vector<1x16xi32>,
        %swap3A_536 = vector.shape_cast %swap3A_535 : vector<1x16xi32> to vector<16xi32>
        %swap3A_537 = vector.shape_cast %sub3A_532 : vector<16xi32> to vector<1x16xi32>
        tpu.vector_store %arg9[%swap3A_533, %swap3A_534], %swap3A_537 {strides = array<i32>} : memref<4x128xi32, #tpu.memory_space<vmem>>, vector<1x16xi32>,
        %get3A_538 = arith.index_cast %rem3A_525 : i32 to index
        %get3A_539 = arith.constant 144 : index
        %get3A_540 = tpu.vector_load %arg8[%get3A_538, %get3A_539] {strides = array<i32>} : memref<4x256xi32, #tpu.memory_space<vmem>>, vector<1x16xi32>,
        %get3A_541 = vector.shape_cast %get3A_540 : vector<1x16xi32> to vector<16xi32>
        %sub3A_542 = arith.constant 100000 : i32
        %sub3A_543 = vector.broadcast %sub3A_542 : i32 to vector<16xi32>
        %sub3A_544 = arith.subi %get3A_541, %sub3A_543 : vector<16xi32>
        %swap3A_545 = arith.index_cast %rem3A_525 : i32 to index
        %swap3A_546 = arith.constant 16 : index
        %swap3A_547 = tpu.vector_load %arg9[%swap3A_545, %swap3A_546] {strides = array<i32>} : memref<4x128xi32, #tpu.memory_space<vmem>>, vector<1x16xi32>,
        %swap3A_548 = vector.shape_cast %swap3A_547 : vector<1x16xi32> to vector<16xi32>
        %swap3A_549 = vector.shape_cast %sub3A_544 : vector<16xi32> to vector<1x16xi32>
        tpu.vector_store %arg9[%swap3A_545, %swap3A_546], %swap3A_549 {strides = array<i32>} : memref<4x128xi32, #tpu.memory_space<vmem>>, vector<1x16xi32>,
        %get3A_550 = arith.index_cast %rem3A_525 : i32 to index
        %get3A_551 = arith.constant 160 : index
        %get3A_552 = tpu.vector_load %arg8[%get3A_550, %get3A_551] {strides = array<i32>} : memref<4x256xi32, #tpu.memory_space<vmem>>, vector<1x16xi32>,
        %get3A_553 = vector.shape_cast %get3A_552 : vector<1x16xi32> to vector<16xi32>
        %sub3A_554 = arith.constant 100000 : i32
        %sub3A_555 = vector.broadcast %sub3A_554 : i32 to vector<16xi32>
        %sub3A_556 = arith.subi %get3A_553, %sub3A_555 : vector<16xi32>
        %swap3A_557 = arith.index_cast %rem3A_525 : i32 to index
        %swap3A_558 = arith.constant 32 : index
        %swap3A_559 = tpu.vector_load %arg9[%swap3A_557, %swap3A_558] {strides = array<i32>} : memref<4x128xi32, #tpu.memory_space<vmem>>, vector<1x16xi32>,
        %swap3A_560 = vector.shape_cast %swap3A_559 : vector<1x16xi32> to vector<16xi32>
        %swap3A_561 = vector.shape_cast %sub3A_556 : vector<16xi32> to vector<1x16xi32>
        tpu.vector_store %arg9[%swap3A_557, %swap3A_558], %swap3A_561 {strides = array<i32>} : memref<4x128xi32, #tpu.memory_space<vmem>>, vector<1x16xi32>,
        %get3A_562 = arith.index_cast %rem3A_525 : i32 to index
        %get3A_563 = arith.constant 176 : index
        %get3A_564 = tpu.vector_load %arg8[%get3A_562, %get3A_563] {strides = array<i32>} : memref<4x256xi32, #tpu.memory_space<vmem>>, vector<1x16xi32>,
        %get3A_565 = vector.shape_cast %get3A_564 : vector<1x16xi32> to vector<16xi32>
        %sub3A_566 = arith.constant 100000 : i32
        %sub3A_567 = vector.broadcast %sub3A_566 : i32 to vector<16xi32>
        %sub3A_568 = arith.subi %get3A_565, %sub3A_567 : vector<16xi32>
        %swap3A_569 = arith.index_cast %rem3A_525 : i32 to index
        %swap3A_570 = arith.constant 48 : index
        %swap3A_571 = tpu.vector_load %arg9[%swap3A_569, %swap3A_570] {strides = array<i32>} : memref<4x128xi32, #tpu.memory_space<vmem>>, vector<1x16xi32>,
        %swap3A_572 = vector.shape_cast %swap3A_571 : vector<1x16xi32> to vector<16xi32>
        %swap3A_573 = vector.shape_cast %sub3A_568 : vector<16xi32> to vector<1x16xi32>
        tpu.vector_store %arg9[%swap3A_569, %swap3A_570], %swap3A_573 {strides = array<i32>} : memref<4x128xi32, #tpu.memory_space<vmem>>, vector<1x16xi32>,
        %get3A_574 = arith.index_cast %rem3A_525 : i32 to index
        %get3A_575 = arith.constant 192 : index
        %get3A_576 = tpu.vector_load %arg8[%get3A_574, %get3A_575] {strides = array<i32>} : memref<4x256xi32, #tpu.memory_space<vmem>>, vector<1x16xi32>,
        %get3A_577 = vector.shape_cast %get3A_576 : vector<1x16xi32> to vector<16xi32>
        %sub3A_578 = arith.constant 100000 : i32
        %sub3A_579 = vector.broadcast %sub3A_578 : i32 to vector<16xi32>
        %sub3A_580 = arith.subi %get3A_577, %sub3A_579 : vector<16xi32>
        %swap3A_581 = arith.index_cast %rem3A_525 : i32 to index
        %swap3A_582 = arith.constant 64 : index
        %swap3A_583 = tpu.vector_load %arg9[%swap3A_581, %swap3A_582] {strides = array<i32>} : memref<4x128xi32, #tpu.memory_space<vmem>>, vector<1x16xi32>,
        %swap3A_584 = vector.shape_cast %swap3A_583 : vector<1x16xi32> to vector<16xi32>
        %swap3A_585 = vector.shape_cast %sub3A_580 : vector<16xi32> to vector<1x16xi32>
        tpu.vector_store %arg9[%swap3A_581, %swap3A_582], %swap3A_585 {strides = array<i32>} : memref<4x128xi32, #tpu.memory_space<vmem>>, vector<1x16xi32>,
        %get3A_586 = arith.index_cast %rem3A_525 : i32 to index
        %get3A_587 = arith.constant 208 : index
        %get3A_588 = tpu.vector_load %arg8[%get3A_586, %get3A_587] {strides = array<i32>} : memref<4x256xi32, #tpu.memory_space<vmem>>, vector<1x16xi32>,
        %get3A_589 = vector.shape_cast %get3A_588 : vector<1x16xi32> to vector<16xi32>
        %sub3A_590 = arith.constant 100000 : i32
        %sub3A_591 = vector.broadcast %sub3A_590 : i32 to vector<16xi32>
        %sub3A_592 = arith.subi %get3A_589, %sub3A_591 : vector<16xi32>
        %swap3A_593 = arith.index_cast %rem3A_525 : i32 to index
        %swap3A_594 = arith.constant 80 : index
        %swap3A_595 = tpu.vector_load %arg9[%swap3A_593, %swap3A_594] {strides = array<i32>} : memref<4x128xi32, #tpu.memory_space<vmem>>, vector<1x16xi32>,
        %swap3A_596 = vector.shape_cast %swap3A_595 : vector<1x16xi32> to vector<16xi32>
        %swap3A_597 = vector.shape_cast %sub3A_592 : vector<16xi32> to vector<1x16xi32>
        tpu.vector_store %arg9[%swap3A_593, %swap3A_594], %swap3A_597 {strides = array<i32>} : memref<4x128xi32, #tpu.memory_space<vmem>>, vector<1x16xi32>,
        %get3A_598 = arith.index_cast %rem3A_525 : i32 to index
        %get3A_599 = arith.constant 224 : index
        %get3A_600 = tpu.vector_load %arg8[%get3A_598, %get3A_599] {strides = array<i32>} : memref<4x256xi32, #tpu.memory_space<vmem>>, vector<1x16xi32>,
        %get3A_601 = vector.shape_cast %get3A_600 : vector<1x16xi32> to vector<16xi32>
        %sub3A_602 = arith.constant 100000 : i32
        %sub3A_603 = vector.broadcast %sub3A_602 : i32 to vector<16xi32>
        %sub3A_604 = arith.subi %get3A_601, %sub3A_603 : vector<16xi32>
        %swap3A_605 = arith.index_cast %rem3A_525 : i32 to index
        %swap3A_606 = arith.constant 96 : index
        %swap3A_607 = tpu.vector_load %arg9[%swap3A_605, %swap3A_606] {strides = array<i32>} : memref<4x128xi32, #tpu.memory_space<vmem>>, vector<1x16xi32>,
        %swap3A_608 = vector.shape_cast %swap3A_607 : vector<1x16xi32> to vector<16xi32>
        %swap3A_609 = vector.shape_cast %sub3A_604 : vector<16xi32> to vector<1x16xi32>
        tpu.vector_store %arg9[%swap3A_605, %swap3A_606], %swap3A_609 {strides = array<i32>} : memref<4x128xi32, #tpu.memory_space<vmem>>, vector<1x16xi32>,
        %get3A_610 = arith.index_cast %rem3A_525 : i32 to index
        %get3A_611 = arith.constant 240 : index
        %get3A_612 = tpu.vector_load %arg8[%get3A_610, %get3A_611] {strides = array<i32>} : memref<4x256xi32, #tpu.memory_space<vmem>>, vector<1x16xi32>,
        %get3A_613 = vector.shape_cast %get3A_612 : vector<1x16xi32> to vector<16xi32>
        %sub3A_614 = arith.constant 100000 : i32
        %sub3A_615 = vector.broadcast %sub3A_614 : i32 to vector<16xi32>
        %sub3A_616 = arith.subi %get3A_613, %sub3A_615 : vector<16xi32>
        %swap3A_617 = arith.index_cast %rem3A_525 : i32 to index
        %swap3A_618 = arith.constant 112 : index
        %swap3A_619 = tpu.vector_load %arg9[%swap3A_617, %swap3A_618] {strides = array<i32>} : memref<4x128xi32, #tpu.memory_space<vmem>>, vector<1x16xi32>,
        %swap3A_620 = vector.shape_cast %swap3A_619 : vector<1x16xi32> to vector<16xi32>
        %swap3A_621 = vector.shape_cast %sub3A_616 : vector<16xi32> to vector<1x16xi32>
        tpu.vector_store %arg9[%swap3A_617, %swap3A_618], %swap3A_621 {strides = array<i32>} : memref<4x128xi32, #tpu.memory_space<vmem>>, vector<1x16xi32>,
      } else {
      }
      %while3A_475 = arith.constant 0 : i32
      scf.yield %while3A_475 : i32
    }
    %sub3A_395 = arith.constant 1 : i32
    %sub3A_396 = arith.subi %add3A_22, %sub3A_395 : i32
    %rem3A = arith.constant 4 : i32
    %rem3A_397 = arith.remsi %sub3A_396, %rem3A : i32
    %sub3A_398 = arith.constant 1 : i32
    %sub3A_399 = arith.subi %add3A_22, %sub3A_398 : i32
    %rem3A_400 = arith.constant 2 : i32
    %rem3A_401 = arith.remsi %sub3A_399, %rem3A_400 : i32
    %dma_wait3A_402 = arith.constant 0 : i32
    %dma_wait3A_403 = arith.constant 0 : i32
    %dma_wait3A_404 = tpu.memref_slice %arg12[%rem3A_401, %dma_wait3A_402, %dma_wait3A_403] : memref<2x128x16xf32, #tpu.memory_space<vmem>> -> memref<1x128x16xf32, #tpu.memory_space<vmem>>
    %dma_wait3A_405 = tpu.memref_squeeze %dma_wait3A_404 : memref<1x128x16xf32, #tpu.memory_space<vmem>> -> memref<128x16xf32, #tpu.memory_space<vmem>>
    %dma_wait3A_406 = arith.constant 0 : i32
    %dma_wait3A_407 = tpu.memref_slice %arg9[%rem3A_397, %dma_wait3A_406] : memref<4x128xi32, #tpu.memory_space<vmem>> -> memref<1x128xi32, #tpu.memory_space<vmem>>
    %dma_wait3A_408 = tpu.memref_squeeze %dma_wait3A_407 : memref<1x128xi32, #tpu.memory_space<vmem>> -> memref<128xi32, #tpu.memory_space<vmem>>
    %dma_wait3A_409 = arith.constant 0 : i32
    %dma_wait3A_410 = arith.constant 0 : i32
    %dma_wait3A_411 = tpu.memref_slice %arg16[%dma_wait3A_409, %dma_wait3A_410] : memref<100000x16xf32, #tpu.memory_space<vmem_shared>> -> memref<100000x16xf32, #tpu.memory_space<vmem_shared>>
    tpu.wait_indirect_dma semaphore(%arg19 : memref<!tpu.dma_semaphore, #tpu.memory_space<semaphore_mem>>) src(%dma_wait3A_405 : memref<128x16xf32, #tpu.memory_space<vmem>>) dst(%dma_wait3A_411 : memref<100000x16xf32, #tpu.memory_space<vmem_shared>>)
    %barrier3A_412 = arith.constant 0 : index
    tpu.barrier barrier_id(%barrier3A_412)
    %scan3A_413 = arith.constant 0 : i32
    %scan3A_414 = arith.constant 0 : i32
    %scan3A_415 = arith.constant 7 : i32
    %scan3A_416 = arith.addi %scan3A_414, %scan3A_415 : i32
    %scan3A_417 = arith.constant 1 : i32
    %scan3A_418 = scf.for %scan3A_420 = %scan3A_414 to %scan3A_416 step %scan3A_417 iter_args(%scan3A_421 = %scan3A_413) -> (i32)  : i32 {
      %mul3A_422 = arith.constant 16 : i32
      %mul3A_423 = arith.muli %scan3A_420, %mul3A_422 : i32
      %add3A_424 = arith.addi %arg1, %mul3A_423 : i32
      %lt3A_425 = arith.constant 100 : i32
      %lt3A_426 = arith.cmpi slt, %add3A_424, %lt3A_425 : i32
      %convert_element_type3A = arith.extui %lt3A_426 : i1 to i32
      %cond3A = arith.constant 0 : i32
      %cond3A_427 = arith.cmpi ne, %convert_element_type3A, %cond3A : i32
      scf.if %cond3A_427 {
        %mul3A_429 = arith.constant 1000 : i32
        %mul3A_430 = arith.muli %add3A_424, %mul3A_429 : i32
        "tpu.region"() ({
          %run_scoped3A = tpu.sem_alloc : memref<!tpu.dma_semaphore, #tpu.memory_space<semaphore_mem>>
          %dma_start3A_431 = arith.constant 0 : i32
          %dma_start3A_432 = tpu.memref_slice %arg7[%arg0, %mul3A_430, %dma_start3A_431] : memref<2x100000x16xf32, #tpu.memory_space<hbm>> -> memref<1x1000x16xf32, #tpu.memory_space<hbm>>
          %dma_start3A_433 = tpu.memref_squeeze %dma_start3A_432 : memref<1x1000x16xf32, #tpu.memory_space<hbm>> -> memref<1000x16xf32, #tpu.memory_space<hbm>>
          %dma_start3A_434 = arith.constant 0 : i32
          %dma_start3A_435 = tpu.memref_slice %arg16[%mul3A_430, %dma_start3A_434] : memref<100000x16xf32, #tpu.memory_space<vmem_shared>> -> memref<1000x16xf32, #tpu.memory_space<vmem_shared>>
          tpu.enqueue_dma source(%dma_start3A_435 : memref<1000x16xf32, #tpu.memory_space<vmem_shared>>) target(%dma_start3A_433 : memref<1000x16xf32, #tpu.memory_space<hbm>>) target_semaphore(%run_scoped3A : memref<!tpu.dma_semaphore, #tpu.memory_space<semaphore_mem>>)
          %dma_wait3A_436 = arith.constant 0 : i32
          %dma_wait3A_437 = tpu.memref_slice %arg7[%arg0, %mul3A_430, %dma_wait3A_436] : memref<2x100000x16xf32, #tpu.memory_space<hbm>> -> memref<1x1000x16xf32, #tpu.memory_space<hbm>>
          %dma_wait3A_438 = tpu.memref_squeeze %dma_wait3A_437 : memref<1x1000x16xf32, #tpu.memory_space<hbm>> -> memref<1000x16xf32, #tpu.memory_space<hbm>>
          %dma_wait3A_439 = arith.constant 0 : i32
          %dma_wait3A_440 = tpu.memref_slice %arg16[%mul3A_430, %dma_wait3A_439] : memref<100000x16xf32, #tpu.memory_space<vmem_shared>> -> memref<1000x16xf32, #tpu.memory_space<vmem_shared>>
          tpu.wait_dma2 semaphore(%run_scoped3A : memref<!tpu.dma_semaphore, #tpu.memory_space<semaphore_mem>>) src(%dma_wait3A_440 : memref<1000x16xf32, #tpu.memory_space<vmem_shared>>) dst(%dma_wait3A_438 : memref<1000x16xf32, #tpu.memory_space<hbm>>)
          tpu.yield
        }) : () -> ()
      } else {
      }
      %scan3A_428 = arith.constant 0 : i32
      scf.yield %scan3A_428 : i32
    }
    %scan3A_419 = arith.constant 7 : i32
    return
  }
}

module attributes {stable_mosaic.version = 14 : i64} {
  func.func @_pre_kernel(%arg0: i32, %arg1: memref<2000x16xf32, #tpu.memory_space<vmem>>, %arg2: memref<2000x16xf32, #tpu.memory_space<vmem>>, %arg3: memref<16x16xf32, #tpu.memory_space<vmem>>, %arg4: memref<1x16xf32, #tpu.memory_space<vmem>>, %arg5: memref<16x16xf32, #tpu.memory_space<vmem>>, %arg6: memref<2x2000x16xf32, #tpu.memory_space<vmem>>) attributes {dimension_semantics = [#tpu.dimension_semantics<arbitrary>], iteration_bounds = array<i64: 50>, scalar_prefetch = 0 : i64, scratch_operands = 0 : i64, tpu.core_type = #tpu.core_type<tc>, window_params = [{transform_indices = @transform_0, window_bounds = array<i64: 2000, 16>}, {transform_indices = @transform_1, window_bounds = array<i64: 2000, 16>}, {pipeline_mode = #tpu.pipeline_mode<synchronous>, transform_indices = @transform_2, window_bounds = array<i64: 16, 16>}, {pipeline_mode = #tpu.pipeline_mode<synchronous>, transform_indices = @transform_3, window_bounds = array<i64: 1, 16>}, {pipeline_mode = #tpu.pipeline_mode<synchronous>, transform_indices = @transform_4, window_bounds = array<i64: 16, 16>}, {transform_indices = @transform_5, window_bounds = array<i64: 2, 2000, 16>}]} {
    %get3A = arith.constant 0 : index
    %get3A_0 = arith.constant 0 : index
    %get3A_1 = vector.load %arg1[%get3A, %get3A_0] : memref<2000x16xf32, #tpu.memory_space<vmem>>, vector<2000x16xf32>
    %get3A_2 = arith.constant 0 : index
    %get3A_3 = arith.constant 0 : index
    %get3A_4 = vector.load %arg3[%get3A_2, %get3A_3] : memref<16x16xf32, #tpu.memory_space<vmem>>, vector<16x16xf32>
    %dot_general3A = arith.constant dense<0.000000e+00> : vector<2000x16xf32>
    %dot_general3A_5 = tpu.matmul %get3A_1, %get3A_4, %dot_general3A {dimension_numbers = #tpu.dot_dimension_numbers<[1], [0], [0], [1], [0, 0, 1, 1], [], []>, transpose_lhs_hint = false} : vector<2000x16xf32>, vector<16x16xf32>, vector<2000x16xf32> -> vector<2000x16xf32>
    %get3A_6 = arith.constant 0 : index
    %get3A_7 = arith.constant 0 : index
    %get3A_8 = vector.load %arg4[%get3A_6, %get3A_7] : memref<1x16xf32, #tpu.memory_space<vmem>>, vector<1x16xf32>
    %add3A = vector.broadcast %get3A_8 : vector<1x16xf32> to vector<2000x16xf32>
    %add3A_9 = arith.addf %dot_general3A_5, %add3A : vector<2000x16xf32>
    %swap3A = arith.constant 0 : index
    %swap3A_10 = arith.constant 0 : index
    %swap3A_11 = arith.constant 0 : index
    %swap3A_12 = vector.load %arg6[%swap3A, %swap3A_10, %swap3A_11] : memref<2x2000x16xf32, #tpu.memory_space<vmem>>, vector<1x2000x16xf32>
    %swap3A_13 = vector.shape_cast %swap3A_12 : vector<1x2000x16xf32> to vector<2000x16xf32>
    %swap3A_14 = vector.shape_cast %add3A_9 : vector<2000x16xf32> to vector<1x2000x16xf32>
    tpu.vector_store %arg6[%swap3A, %swap3A_10, %swap3A_11], %swap3A_14 {strides = array<i32>} : memref<2x2000x16xf32, #tpu.memory_space<vmem>>, vector<1x2000x16xf32>,
    %get3A_15 = arith.constant 0 : index
    %get3A_16 = arith.constant 0 : index
    %get3A_17 = vector.load %arg2[%get3A_15, %get3A_16] : memref<2000x16xf32, #tpu.memory_space<vmem>>, vector<2000x16xf32>
    %get3A_18 = arith.constant 0 : index
    %get3A_19 = arith.constant 0 : index
    %get3A_20 = vector.load %arg5[%get3A_18, %get3A_19] : memref<16x16xf32, #tpu.memory_space<vmem>>, vector<16x16xf32>
    %dot_general3A_21 = arith.constant dense<0.000000e+00> : vector<2000x16xf32>
    %dot_general3A_22 = tpu.matmul %get3A_17, %get3A_20, %dot_general3A_21 {dimension_numbers = #tpu.dot_dimension_numbers<[1], [0], [0], [1], [0, 0, 1, 1], [], []>, transpose_lhs_hint = false} : vector<2000x16xf32>, vector<16x16xf32>, vector<2000x16xf32> -> vector<2000x16xf32>
    %swap3A_23 = arith.constant 1 : index
    %swap3A_24 = arith.constant 0 : index
    %swap3A_25 = arith.constant 0 : index
    %swap3A_26 = vector.load %arg6[%swap3A_23, %swap3A_24, %swap3A_25] : memref<2x2000x16xf32, #tpu.memory_space<vmem>>, vector<1x2000x16xf32>
    %swap3A_27 = vector.shape_cast %swap3A_26 : vector<1x2000x16xf32> to vector<2000x16xf32>
    %swap3A_28 = vector.shape_cast %dot_general3A_22 : vector<2000x16xf32> to vector<1x2000x16xf32>
    tpu.vector_store %arg6[%swap3A_23, %swap3A_24, %swap3A_25], %swap3A_28 {strides = array<i32>} : memref<2x2000x16xf32, #tpu.memory_space<vmem>>, vector<1x2000x16xf32>,
    return
  }
  func.func @transform_0(%arg0: i32) -> (i32, i32) {
    %c0_i32 = arith.constant 0 : i32
    %c0_i32_0 = arith.constant 0 : i32
    return %arg0, %c0_i32 : i32, i32
  }
  func.func @transform_1(%arg0: i32) -> (i32, i32) {
    %c0_i32 = arith.constant 0 : i32
    %c0_i32_0 = arith.constant 0 : i32
    return %arg0, %c0_i32 : i32, i32
  }
  func.func @transform_2(%arg0: i32) -> (i32, i32) {
    %c0_i32 = arith.constant 0 : i32
    %c0_i32_0 = arith.constant 0 : i32
    %c0_i32_1 = arith.constant 0 : i32
    return %c0_i32, %c0_i32_0 : i32, i32
  }
  func.func @transform_3(%arg0: i32) -> (i32, i32) {
    %c0_i32 = arith.constant 0 : i32
    %c0_i32_0 = arith.constant 0 : i32
    %c0_i32_1 = arith.constant 0 : i32
    return %c0_i32, %c0_i32_0 : i32, i32
  }
  func.func @transform_4(%arg0: i32) -> (i32, i32) {
    %c0_i32 = arith.constant 0 : i32
    %c0_i32_0 = arith.constant 0 : i32
    %c0_i32_1 = arith.constant 0 : i32
    return %c0_i32, %c0_i32_0 : i32, i32
  }
  func.func @transform_5(%arg0: i32) -> (i32, i32, i32) {
    %c0_i32 = arith.constant 0 : i32
    %c0_i32_0 = arith.constant 0 : i32
    %c0_i32_1 = arith.constant 0 : i32
    return %c0_i32, %arg0, %c0_i32_0 : i32, i32, i32
  }
}

module attributes {stable_mosaic.version = 14 : i64} {
  func.func @_post_kernel(%arg0: i32, %arg1: memref<1x2000x16xf32, #tpu.memory_space<vmem>>, %arg2: memref<1x2000x16xf32, #tpu.memory_space<vmem>>, %arg3: memref<2000x16xf32, #tpu.memory_space<vmem>>, %arg4: memref<16x16xf32, #tpu.memory_space<vmem>>, %arg5: memref<16x16xf32, #tpu.memory_space<vmem>>, %arg6: memref<1x16xf32, #tpu.memory_space<vmem>>, %arg7: memref<16x16xf32, #tpu.memory_space<vmem>>, %arg8: memref<16x16xf32, #tpu.memory_space<vmem>>, %arg9: memref<1x16xf32, #tpu.memory_space<vmem>>, %arg10: memref<16x16xf32, #tpu.memory_space<vmem>>, %arg11: memref<1x16xf32, #tpu.memory_space<vmem>>, %arg12: memref<2000x16xf32, #tpu.memory_space<vmem>>) attributes {dimension_semantics = [#tpu.dimension_semantics<arbitrary>], iteration_bounds = array<i64: 50>, scalar_prefetch = 0 : i64, scratch_operands = 0 : i64, tpu.core_type = #tpu.core_type<tc>, window_params = [{transform_indices = @transform_0, window_bounds = array<i64: 1, 2000, 16>}, {transform_indices = @transform_1, window_bounds = array<i64: 1, 2000, 16>}, {transform_indices = @transform_2, window_bounds = array<i64: 2000, 16>}, {pipeline_mode = #tpu.pipeline_mode<synchronous>, transform_indices = @transform_3, window_bounds = array<i64: 16, 16>}, {pipeline_mode = #tpu.pipeline_mode<synchronous>, transform_indices = @transform_4, window_bounds = array<i64: 16, 16>}, {pipeline_mode = #tpu.pipeline_mode<synchronous>, transform_indices = @transform_5, window_bounds = array<i64: 1, 16>}, {pipeline_mode = #tpu.pipeline_mode<synchronous>, transform_indices = @transform_6, window_bounds = array<i64: 16, 16>}, {pipeline_mode = #tpu.pipeline_mode<synchronous>, transform_indices = @transform_7, window_bounds = array<i64: 16, 16>}, {pipeline_mode = #tpu.pipeline_mode<synchronous>, transform_indices = @transform_8, window_bounds = array<i64: 1, 16>}, {pipeline_mode = #tpu.pipeline_mode<synchronous>, transform_indices = @transform_9, window_bounds = array<i64: 16, 16>}, {pipeline_mode = #tpu.pipeline_mode<synchronous>, transform_indices = @transform_10, window_bounds = array<i64: 1, 16>}, {transform_indices = @transform_11, window_bounds = array<i64: 2000, 16>}]} {
    %get3A = arith.constant 0 : index
    %get3A_0 = arith.constant 0 : index
    %get3A_1 = arith.constant 0 : index
    %get3A_2 = vector.load %arg1[%get3A, %get3A_0, %get3A_1] : memref<1x2000x16xf32, #tpu.memory_space<vmem>>, vector<1x2000x16xf32>
    %get3A_3 = vector.shape_cast %get3A_2 : vector<1x2000x16xf32> to vector<2000x16xf32>
    %get3A_4 = arith.constant 0 : index
    %get3A_5 = arith.constant 0 : index
    %get3A_6 = arith.constant 0 : index
    %get3A_7 = vector.load %arg2[%get3A_4, %get3A_5, %get3A_6] : memref<1x2000x16xf32, #tpu.memory_space<vmem>>, vector<1x2000x16xf32>
    %get3A_8 = vector.shape_cast %get3A_7 : vector<1x2000x16xf32> to vector<2000x16xf32>
    %add3A = arith.addf %get3A_3, %get3A_8 : vector<2000x16xf32>
    %get3A_9 = arith.constant 0 : index
    %get3A_10 = arith.constant 0 : index
    %get3A_11 = vector.load %arg4[%get3A_9, %get3A_10] : memref<16x16xf32, #tpu.memory_space<vmem>>, vector<16x16xf32>
    %dot_general3A = arith.constant dense<0.000000e+00> : vector<2000x16xf32>
    %dot_general3A_12 = tpu.matmul %add3A, %get3A_11, %dot_general3A {dimension_numbers = #tpu.dot_dimension_numbers<[1], [0], [0], [1], [0, 0, 1, 1], [], []>, precision = #tpu.contract_precision<fp32>, transpose_lhs_hint = false} : vector<2000x16xf32>, vector<16x16xf32>, vector<2000x16xf32> -> vector<2000x16xf32>
    %max3A = arith.constant 0.000000e+00 : f32
    %max3A_13 = vector.broadcast %max3A : f32 to vector<2000x16xf32>
    %max3A_14 = arith.maximumf %dot_general3A_12, %max3A_13 : vector<2000x16xf32>
    %get3A_15 = arith.constant 0 : index
    %get3A_16 = arith.constant 0 : index
    %get3A_17 = vector.load %arg5[%get3A_15, %get3A_16] : memref<16x16xf32, #tpu.memory_space<vmem>>, vector<16x16xf32>
    %dot_general3A_18 = arith.constant dense<0.000000e+00> : vector<2000x16xf32>
    %dot_general3A_19 = tpu.matmul %max3A_14, %get3A_17, %dot_general3A_18 {dimension_numbers = #tpu.dot_dimension_numbers<[1], [0], [0], [1], [0, 0, 1, 1], [], []>, transpose_lhs_hint = false} : vector<2000x16xf32>, vector<16x16xf32>, vector<2000x16xf32> -> vector<2000x16xf32>
    %get3A_20 = arith.constant 0 : index
    %get3A_21 = arith.constant 0 : index
    %get3A_22 = vector.load %arg6[%get3A_20, %get3A_21] : memref<1x16xf32, #tpu.memory_space<vmem>>, vector<1x16xf32>
    %add3A_23 = vector.broadcast %get3A_22 : vector<1x16xf32> to vector<2000x16xf32>
    %add3A_24 = arith.addf %dot_general3A_19, %add3A_23 : vector<2000x16xf32>
    %get3A_25 = arith.constant 0 : index
    %get3A_26 = arith.constant 0 : index
    %get3A_27 = vector.load %arg7[%get3A_25, %get3A_26] : memref<16x16xf32, #tpu.memory_space<vmem>>, vector<16x16xf32>
    %dot_general3A_28 = arith.constant dense<0.000000e+00> : vector<2000x16xf32>
    %dot_general3A_29 = tpu.matmul %add3A_24, %get3A_27, %dot_general3A_28 {dimension_numbers = #tpu.dot_dimension_numbers<[1], [0], [0], [1], [0, 0, 1, 1], [], []>, transpose_lhs_hint = false} : vector<2000x16xf32>, vector<16x16xf32>, vector<2000x16xf32> -> vector<2000x16xf32>
    %get3A_30 = arith.constant 0 : index
    %get3A_31 = arith.constant 0 : index
    %get3A_32 = vector.load %arg3[%get3A_30, %get3A_31] : memref<2000x16xf32, #tpu.memory_space<vmem>>, vector<2000x16xf32>
    %get3A_33 = arith.constant 0 : index
    %get3A_34 = arith.constant 0 : index
    %get3A_35 = vector.load %arg8[%get3A_33, %get3A_34] : memref<16x16xf32, #tpu.memory_space<vmem>>, vector<16x16xf32>
    %dot_general3A_36 = arith.constant dense<0.000000e+00> : vector<2000x16xf32>
    %dot_general3A_37 = tpu.matmul %get3A_32, %get3A_35, %dot_general3A_36 {dimension_numbers = #tpu.dot_dimension_numbers<[1], [0], [0], [1], [0, 0, 1, 1], [], []>, transpose_lhs_hint = false} : vector<2000x16xf32>, vector<16x16xf32>, vector<2000x16xf32> -> vector<2000x16xf32>
    %add3A_38 = arith.addf %dot_general3A_29, %dot_general3A_37 : vector<2000x16xf32>
    %get3A_39 = arith.constant 0 : index
    %get3A_40 = arith.constant 0 : index
    %get3A_41 = vector.load %arg9[%get3A_39, %get3A_40] : memref<1x16xf32, #tpu.memory_space<vmem>>, vector<1x16xf32>
    %add3A_42 = vector.broadcast %get3A_41 : vector<1x16xf32> to vector<2000x16xf32>
    %add3A_43 = arith.addf %add3A_38, %add3A_42 : vector<2000x16xf32>
    %max3A_44 = arith.constant 0.000000e+00 : f32
    %max3A_45 = vector.broadcast %max3A_44 : f32 to vector<2000x16xf32>
    %max3A_46 = arith.maximumf %add3A_43, %max3A_45 : vector<2000x16xf32>
    %get3A_47 = arith.constant 0 : index
    %get3A_48 = arith.constant 0 : index
    %get3A_49 = vector.load %arg10[%get3A_47, %get3A_48] : memref<16x16xf32, #tpu.memory_space<vmem>>, vector<16x16xf32>
    %dot_general3A_50 = arith.constant dense<0.000000e+00> : vector<2000x16xf32>
    %dot_general3A_51 = tpu.matmul %max3A_46, %get3A_49, %dot_general3A_50 {dimension_numbers = #tpu.dot_dimension_numbers<[1], [0], [0], [1], [0, 0, 1, 1], [], []>, transpose_lhs_hint = false} : vector<2000x16xf32>, vector<16x16xf32>, vector<2000x16xf32> -> vector<2000x16xf32>
    %get3A_52 = arith.constant 0 : index
    %get3A_53 = arith.constant 0 : index
    %get3A_54 = vector.load %arg11[%get3A_52, %get3A_53] : memref<1x16xf32, #tpu.memory_space<vmem>>, vector<1x16xf32>
    %add3A_55 = vector.broadcast %get3A_54 : vector<1x16xf32> to vector<2000x16xf32>
    %add3A_56 = arith.addf %dot_general3A_51, %add3A_55 : vector<2000x16xf32>
    %swap3A = arith.constant 0 : index
    %swap3A_57 = arith.constant 0 : index
    %swap3A_58 = vector.load %arg12[%swap3A, %swap3A_57] : memref<2000x16xf32, #tpu.memory_space<vmem>>, vector<2000x16xf32>
    tpu.vector_store %arg12[%swap3A, %swap3A_57], %add3A_56 {strides = array<i32>} : memref<2000x16xf32, #tpu.memory_space<vmem>>, vector<2000x16xf32>,
    return
  }
  func.func @transform_0(%arg0: i32) -> (i32, i32, i32) {
    %c0_i32 = arith.constant 0 : i32
    %c0_i32_0 = arith.constant 0 : i32
    %c0_i32_1 = arith.constant 0 : i32
    return %c0_i32, %arg0, %c0_i32_0 : i32, i32, i32
  }
  func.func @transform_1(%arg0: i32) -> (i32, i32, i32) {
    %c1_i32 = arith.constant 1 : i32
    %c0_i32 = arith.constant 0 : i32
    %c0_i32_0 = arith.constant 0 : i32
    return %c1_i32, %arg0, %c0_i32 : i32, i32, i32
  }
  func.func @transform_2(%arg0: i32) -> (i32, i32) {
    %c0_i32 = arith.constant 0 : i32
    %c0_i32_0 = arith.constant 0 : i32
    return %arg0, %c0_i32 : i32, i32
  }
  func.func @transform_3(%arg0: i32) -> (i32, i32) {
    %c0_i32 = arith.constant 0 : i32
    %c0_i32_0 = arith.constant 0 : i32
    %c0_i32_1 = arith.constant 0 : i32
    return %c0_i32, %c0_i32_0 : i32, i32
  }
  func.func @transform_4(%arg0: i32) -> (i32, i32) {
    %c0_i32 = arith.constant 0 : i32
    %c0_i32_0 = arith.constant 0 : i32
    %c0_i32_1 = arith.constant 0 : i32
    return %c0_i32, %c0_i32_0 : i32, i32
  }
  func.func @transform_5(%arg0: i32) -> (i32, i32) {
    %c0_i32 = arith.constant 0 : i32
    %c0_i32_0 = arith.constant 0 : i32
    %c0_i32_1 = arith.constant 0 : i32
    return %c0_i32, %c0_i32_0 : i32, i32
  }
  func.func @transform_6(%arg0: i32) -> (i32, i32) {
    %c0_i32 = arith.constant 0 : i32
    %c0_i32_0 = arith.constant 0 : i32
    %c0_i32_1 = arith.constant 0 : i32
    return %c0_i32, %c0_i32_0 : i32, i32
  }
  func.func @transform_7(%arg0: i32) -> (i32, i32) {
    %c0_i32 = arith.constant 0 : i32
    %c0_i32_0 = arith.constant 0 : i32
    %c0_i32_1 = arith.constant 0 : i32
    return %c0_i32, %c0_i32_0 : i32, i32
  }
  func.func @transform_8(%arg0: i32) -> (i32, i32) {
    %c0_i32 = arith.constant 0 : i32
    %c0_i32_0 = arith.constant 0 : i32
    %c0_i32_1 = arith.constant 0 : i32
    return %c0_i32, %c0_i32_0 : i32, i32
  }
  func.func @transform_9(%arg0: i32) -> (i32, i32) {
    %c0_i32 = arith.constant 0 : i32
    %c0_i32_0 = arith.constant 0 : i32
    %c0_i32_1 = arith.constant 0 : i32
    return %c0_i32, %c0_i32_0 : i32, i32
  }
  func.func @transform_10(%arg0: i32) -> (i32, i32) {
    %c0_i32 = arith.constant 0 : i32
    %c0_i32_0 = arith.constant 0 : i32
    %c0_i32_1 = arith.constant 0 : i32
    return %c0_i32, %c0_i32_0 : i32, i32
  }
  func.func @transform_11(%arg0: i32) -> (i32, i32) {
    %c0_i32 = arith.constant 0 : i32
    %c0_i32_0 = arith.constant 0 : i32
    return %arg0, %c0_i32 : i32, i32
  }
}

</mosaic_0001>

<sc_bundles>
// kernel: kernel.5.cloned.1.call-start
scs
__scs_entry_jumppad:
0x0: {  	(pc) =	sbr.rel $0x88, $3  }
0x1: {  	(tag) =	ssettag $0x0;
	lr =	simm.s32 $0x1  }
0x2: {  	[smem:$0x3F91] =	sst lr;
	_ =	strace $0xD0000000  }
0x3: {  	_ = 	snop  }
0x4: {  	_ = 	snop  }
0x5: {  	_ = 	snop  }
0x6: {  	_ = 	snop  }
0x7: {  	_ = 	snop  }
__scs_overlays_trampoline_lowered:
0x8: {  	[smem:$0x3FA0] =	sst s0  }
0x9: {  	[smem:$0x3FA1] =	sst s1  }
0xa: {  	[smem:$0x3FA2] =	sst s2  }
0xb: {  	[smem:$0x3FA3] =	sst s3  }
0xc: {  	[smem:$0x3FA4] =	sst s4  }
0xd: {  	[smem:$0x3FA5] =	sst s5  }
0xe: {  	[smem:$0x3FA6] =	sst s6  }
0xf: {  	[smem:$0x3FA7] =	sst s7  }
0x10: {  	[smem:$0x3FA8] =	sst s8  }
0x11: {  	[smem:$0x3FA9] =	sst s9;
	s0 =	simm.s32 @!p0 $0x0  }
0x12: {  	s1 =	sld [smem:$0x3F8F];
	s0 =	simm.s32 @p0 $0x1  }
0x13: {  	[smem:$0x3FAA] =	sst s0;
	s0 =	simm.s32 @!p1 $0x0  }
0x14: {  	s2 =	sld [smem:$0x3F8E];
	s0 =	simm.s32 @p1 $0x1  }
0x15: {  	[smem:$0x3FAB] =	sst s0;
	s0 =	simm.s32 @!p2 $0x0  }
0x16: {  	s3 =	sld [smem:$0x3FDB];
	s0 =	simm.s32 @p2 $0x1  }
0x17: {  	s4 =	simm.s32 $0x1BF5;
	[smem:$0x3FAD] =	sst s0  }
0x18: {  	s0 =	sld [smem:$0x3F90];
	_ =	swait.ge [sflag:s4], $0x0  }
0x19: {  	s7 =	sld [smem:$0x3F91]  }
0x1a: {  	s8 =	sadd.s32 $0xFFFFE003, lr  }
0x1b: {  	s9 =	sadd.s32 $0xFFFFFEF7, lr;
	s5 =	simm.s32 $0xFFFFFFFF;
	p2 =	slt.u32 s8, $0xFFFFF086  }
0x1c: {  	p1 =	slt.u32 s9, $0xF7A;
	s5 =	simm.s32 @!p2 $0x0  }
0x1d: {  	s5 =	simm.s32 @p1 $0x1;
	p0 =	seq.s32 s7, s2  }
0x1e: {  	s7 =	smul.u32 @!p0 $0xF7A, s2;
	p2 =	seq.s32 @!p0 s5, $0x0  }
0x1f: {  	s9 =	smul.u32 $0xF7A, s1;
	s8 =	simm.s32 @!p0 $0x1BF5;
	p2 =	por !p2, p0  }
0x20: {  	[sflag:s8] =	ssyncset.s32 @!p0 $0xFFFFF086;
	s6 =	sadd.s32 @!p0 s3, s7;
	s7 =	simm.s32 @!p0 $0x108  }
0x21: {  	s3 =	sadd.s32 s3, s9;
	s6 =	sadd.s32 @!p0 $0x88, s6;
	s7 =	simm.s32 @p2 $0x1082  }
0x22: {  	[simem:s7], [sflag:s8] =	dma.local @!p0 [hbm:s6], $0xF7A  }
0x23: {  	s9 =	sor.u32 $0xD0000000, s2;
	s6 =	simm.s32 $0x108;
	_ =	swait.ge @!p0 [sflag:s8], $0x0  }
0x24: {  	s3 =	sadd.s32 $0x88, s3;
	s6 =	simm.s32 @!p1 $0x1082;
	[sflag:s4] =	ssyncset.s32 $0xFFFFF086  }
0x25: {  	[simem:s6], [sflag:s4] =	dma.local [hbm:s3], $0xF7A  }
0x26: {  	[smem:$0x3F91] =	sst s1;
	(tag) =	ssettag s2;
	_ =	strace s9  }
0x27: {  	s1 =	sld [smem:$0x3FA1]  }
0x28: {  	s2 =	sld [smem:$0x3FA2]  }
0x29: {  	s4 =	sld [smem:$0x3FA4]  }
0x2a: {  	p0 =	seq.s32 s5, $0x0;
	s5 =	sld [smem:$0x3FA5]  }
0x2b: {  	s6 =	sld [smem:$0x3FA6]  }
0x2c: {  	s7 =	sld [smem:$0x3FA7]  }
0x2d: {  	s3 =	simm.s32 $0x108;
	s8 =	sld [smem:$0x3FA8]  }
0x2e: {  	s3 =	simm.s32 @!p0 $0x1082;
	s9 =	sld [smem:$0x3FA9]  }
0x2f: {  	lr =	sadd.s32 s0, s3;
	s0 =	sld [smem:$0x3FA0]  }
0x30: {  	s3 =	sld [smem:$0x3FA3]  }
0x31: {  	[smem:$0x3FAC] =	sst s10  }
0x32: {  	s10 =	sld [smem:$0x3FAA];
	_ =	sdelay $0x3  }
0x33: {  	p0 =	seq.s32 s10, $0x1;
	s10 =	sld [smem:$0x3FAC];
	_ =	sdelay $0x3  }
0x34: {  	[smem:$0x3FAC] =	sst s10  }
0x35: {  	s10 =	sld [smem:$0x3FAB];
	_ =	sdelay $0x3  }
0x36: {  	p1 =	seq.s32 s10, $0x1;
	s10 =	sld [smem:$0x3FAC];
	_ =	sdelay $0x3  }
0x37: {  	[smem:$0x3FAC] =	sst s10  }
0x38: {  	s10 =	sld [smem:$0x3FAD]  }
0x39: {  	_ = 	snop;
	(pc) =	sbr.ind lr, $3  }
0x3a: {  	_ = 	snop  }
0x3b: {  	_ = 	snop  }
0x3c: {  	p2 =	seq.s32 s10, $0x1;
	s10 =	sld [smem:$0x3FAC]  }
0x3d: {  	_ =	shalt  }
0x3e: {  	_ =	shalt  }
0x3f: {  	_ =	shalt  }
0x40: {  	_ =	shalt  }
0x41: {  	_ =	shalt  }
0x42: {  	_ =	shalt  }
0x43: {  	_ =	shalt  }
0x44: {  	_ =	shalt  }
0x45: {  	_ =	shalt  }
0x46: {  	_ =	shalt  }
0x47: {  	_ =	shalt  }
0x48: {  	_ =	shalt  }
0x49: {  	_ =	shalt  }
0x4a: {  	_ =	shalt  }
0x4b: {  	_ =	shalt  }
0x4c: {  	_ =	shalt  }
0x4d: {  	_ =	shalt  }
0x4e: {  	_ =	shalt  }
0x4f: {  	_ =	shalt  }
0x50: {  	_ =	shalt  }
0x51: {  	_ =	shalt  }
0x52: {  	_ =	shalt  }
0x53: {  	_ =	shalt  }
0x54: {  	_ =	shalt  }
0x55: {  	_ =	shalt  }
0x56: {  	_ =	shalt  }
0x57: {  	_ =	shalt  }
0x58: {  	_ =	shalt  }
0x59: {  	_ =	shalt  }
0x5a: {  	_ =	shalt  }
0x5b: {  	_ =	shalt  }
0x5c: {  	_ =	shalt  }
0x5d: {  	_ =	shalt  }
0x5e: {  	_ =	shalt  }
0x5f: {  	_ =	shalt  }
0x60: {  	_ =	shalt  }
0x61: {  	_ =	shalt  }
0x62: {  	_ =	shalt  }
0x63: {  	_ =	shalt  }
0x64: {  	_ =	shalt  }
0x65: {  	_ =	shalt  }
0x66: {  	_ =	shalt  }
0x67: {  	_ =	shalt  }
0x68: {  	_ =	shalt  }
0x69: {  	_ =	shalt  }
0x6a: {  	_ =	shalt  }
0x6b: {  	_ =	shalt  }
0x6c: {  	_ =	shalt  }
0x6d: {  	_ =	shalt  }
0x6e: {  	_ =	shalt  }
0x6f: {  	_ =	shalt  }
0x70: {  	_ =	shalt  }
0x71: {  	_ =	shalt  }
0x72: {  	_ =	shalt  }
0x73: {  	_ =	shalt  }
0x74: {  	_ =	shalt  }
0x75: {  	_ =	shalt  }
0x76: {  	_ =	shalt  }
0x77: {  	_ =	shalt  }
0x78: {  	_ =	shalt  }
0x79: {  	_ =	shalt  }
0x7a: {  	_ =	shalt  }
0x7b: {  	_ =	shalt  }
0x7c: {  	_ =	shalt  }
0x7d: {  	_ =	shalt  }
0x7e: {  	_ =	shalt  }
0x7f: {  	_ =	shalt  }
0x80: {  	_ =	shalt  }
0x81: {  	_ =	shalt  }
0x82: {  	_ =	shalt  }
0x83: {  	_ =	shalt  }
0x84: {  	_ =	shalt  }
0x85: {  	_ =	shalt  }
0x86: {  	_ =	shalt  }
0x87: {  	_ =	shalt  }
.Lfunc_end0:
.L_simem_size_0:
called_computation_lowered:
.L_overlay_start_0:
0x88: {  	s2 =	sld [smem:$0x3FD9]  }
0x89: {  	s3 =	sld [smem:$0x3FFE];
	_ =	sdelay $0x1  }
0x8a: {  	s1 =	srdreg.scid  }
0x8b: {  	s0 =	sand.u32 $0x1, s1  }
0x8c: {  	s17 =	sshll.u32 s0, $0xA;
	s2 =	sadd.s32 s3, s2  }
0x8d: {  	s2 =	sadd.s32 s2, s17  }
0x8e: {  	[smem:$0x3FB8] =	sst s2  }
0x8f: {  	_ = 	snop  }
0x90: {  	s2 =	sld [smem:$0x3FC7]  }
0x91: {  	s18 =	sld [smem:$0x3FC3]  }
0x92: {  	s4 =	sld [smem:$0x3FD0];
	(tm) =	ssettm $0x1  }
0x93: {  	s5 =	sld [smem:$0x3FFB];
	_ =	sdelay $0x3  }
0x94: {  	_ =	strace s5  }
0x95: {  	s5 =	sld [smem:$0x3FFC];
	_ =	sdelay $0x3  }
0x96: {  	_ =	strace s5  }
0x97: {  	s5 =	sld [smem:$0x3FFD];
	_ =	sdelay $0x3  }
0x98: {  	_ =	strace s5  }
0x99: {  	_ =	strace $0x8FFFFFFF  }
0x9a: {  	s19 =	sld [smem:$0x3FDB];
	_ =	sdelay $0x1  }
0x9b: {  	s6 =	simm.s32 $_scs_section_size  }
0x9c: {  	s7 =	simm.s32 $_size__tile_overlayer_lowered;
	s8 =	simm.s32 $_tile_overlayer_lowered  }
0x9d: {  	s22 =	simm.s32 $0x1BFF;
	s21 =	sshll.u32 s8, $0x1;
	s5 =	sadd.s32 s6, s19  }
0x9e: {  	s9 =	simm.s32 $0x0;
	s20 =	sshll.u32 s7, $0x1;
	s7 =	sadd.s32 s21, s5  }
0x9f: {  	[timem:s9], [sflag:s22] =	dma.local [hbm:s7], s20  }
0xa0: {  	_ =	swait.ge [sflag:s22], s20  }
0xa1: {  	s6 =	ssub.s32 $0x0, s20;
	[sflag:s22] =	ssyncset.done $0x0  }
0xa2: {  	[sflag:s22] =	ssyncadd.s32 s6;
	_ =	sdelay $0x1  }
0xa3: {  	s23 =	simm.s32 $0x1B8B  }
0xa4: {  	_ =	swait.ge [sflag:s23], $0x1  }
0xa5: {  	[sflag:s23] =	ssyncset.done $0x0  }
0xa6: {  	s25 =	simm.s32 $0x1B8E;
	s24 =	sld [smem:$0x3FFE];
	[sflag:s23] =	ssyncadd.s32 $0xFFFFFFFF  }
0xa7: {  	s26 =	simm.s32 $execute0_lowered;
	[smem:$0x3FD2] =	sst s25  }
0xa8: {  	s7 =	sshll.u32 s26, $0x1;
	_ =	strace $0x80000046;
	[dreg:$0x1] =	wrdreg $0xFFFFFFFF  }
0xa9: {  	s28 =	simm.s32 $_size_execute0_lowered;
	s5 =	sadd.s32 s5, s7;
	[dreg:$0x0] =	wrdreg $0x0  }
0xaa: {  	s7 =	sshll.u32 s28, $0x1;
	[dreg:$0x2] =	wrdreg s5  }
0xab: {  	[dreg:$0x3] =	wrdreg s7  }
0xac: {  	[dreg:$0x4] =	wrdreg $0xC0  }
0xad: {  	_ =	task [dreg:s9], $0x5FFFF  }
0xae: {  	[dreg:$0x1] =	wrdreg $0xFFFFFFFF  }
0xaf: {  	[dreg:$0x0] =	wrdreg $0x60  }
0xb0: {  	[dreg:$0x2] =	wrdreg s24  }
0xb1: {  	[dreg:$0x3] =	wrdreg s2  }
0xb2: {  	[dreg:$0x4] =	wrdreg s18  }
0xb3: {  	[dreg:$0x5] =	wrdreg s4  }
0xb4: {  	[dreg:$0x6] =	wrdreg $0x5FF00  }
0xb5: {  	[dreg:$0x7] =	wrdreg $0x9  }
0xb6: {  	_ =	task.clear_ibuf [dreg:s9], $0x8FFFF;
	_ =	strace $0x90000046  }
0xb7: {  	s29 =	simm.s32 $0x9;
	_ =	strace $0x80000048  }
0xb8: {  	_ =	swait.ge [sflag:s29], $0x1  }
0xb9: {  	[sflag:s29] =	ssyncadd.s32 $0xFFFFFFFF  }
0xba: {  	_ =	strace $0x90000048  }
0xbb: {  	_ =	sfence  }
0xbc: {  	s30 =	sld [smem:$0x0];
	_ =	sdelay $0x2  }
0xbd: {  	s31 =	sshll.u32 s1, $0xD;
	s1 =	sshrl.u32 s1, $0x2  }
0xbe: {  	s3 =	sand.u32 $0x4000, s31;
	s1 =	sadd.s32 s1, s30  }
0xbf: {  	s0 =	sor.u32 s3, s0;
	s1 =	sshll.u32 s1, $0x11  }
0xc0: {  	s0 =	sor.u32 s1, s0  }
0xc1: {  	s0 =	sadd.s32 $0x8F2B, s0  }
0xc2: {  	[sflag:s0] =	ssyncadd.remote.s32 $0x1  }
0xc3: {  	_ =	sfence.sel $0xFFFF  }
0xc4: {  	[dreg:$0x0] =	wrdreg $0xFFFFFFFF;
	(pc) =	sbr.abs _section_cstart, $3  }
0xc5: {  	[dreg:$0x1] =	wrdreg $0xFFFFFFFF  }
0xc6: {  	_ =	task.clear_ibuf [dreg:s9], $0x2FFFF;
	_ =	strace $0x9FFFFFFF  }
0xc7: {  	(tm) =	ssettm $0x7FFFFFFF  }
tec
execute0_lowered:
.L_overlay_start_1:
0x0: {  	(tag) =	ssettag $0x1  }
0x1: {  	s0 =	rddreg [dreg:$0x0]  }
0x2: {  	s1 =	rddreg [dreg:$0x1];
	s2 =	srdreg.scid  }
0x3: {  	s20 =	stileid.u32;
	s5 =	rddreg [dreg:$0x4];
	s6 =	simm.s32 $0x0  }
0x4: {  	s2 =	sand.u32 $0x1, s2;
	s3 =	sshll.u32 s20, $0x1;
	[smem:$0x7FF] =	sst s6  }
0x5: {  	s9 =	smul.u32 $0x3E80, s20;
	s10 =	sadd.s32 $0x2B0600, s0;
	p0 =	slt.u32 s20, $0x4  }
0x6: {  	s3 =	sor.u32 s2, s3;
	s7 =	ssub.s32 $0x2, s2;
	s2 =	smul.u32 $0x186A00, s2  }
0x7: {  	s13 =	sor.u32 $0x60, s20;
	_ =	strace $0x80000047;
	s4 =	smul.u32 $0x30D, s3  }
0x8: {  	s8 =	sshrl.u32 s7, $0x1;
	s3 =	smin.u32 s3, $0x8;
	s12 =	sadd.s32 $0x7D000, s9  }
0x9: {  	s14 =	sadd.s32 $0xFA000, s9;
	s8 =	ssub.s32 s7, s8;
	s15 =	sadd.s32 s2, s9  }
0xa: {  	s17 =	sadd.s32 s2, s12;
	s21 =	sadd.s32 s2, s14;
	s7 =	sadd.s32 s3, s4  }
0xb: {  	s4 =	sadd.s32 $0x3E800, s9;
	s3 =	sshrl.u32 s15, $0x3;
	s18 =	sshrl.u32 s17, $0x3  }
0xc: {  	s17 =	sadd.s32 $0x1ED000, s0;
	s8 =	smax.u32 s8, $0x1;
	s11 =	sadd.s32 s2, s4  }
0xd: {  	s3 =	sadd.s32 s10, s3;
	s23 =	sshll.u32 s7, $0x5;
	s24 =	sadd.s32 $0x1, s7  }
0xe: {  	s26 =	sshll.u32 s7, $0x4;
	[dreg:$0x11] =	wrdreg s8;
	s8 =	simm.s32 $0x80  }
0xf: {  	[dreg:$0x6] =	wrdreg s3;
	s16 =	sshrl.u32 s11, $0x3;
	s11 =	sadd.s32 $0xBB800, s9  }
0x10: {  	s25 =	sshll.u32 s24, $0x5;
	s3 =	sadd.s32 s10, s16;
	s19 =	sadd.s32 s2, s11  }
0x11: {  	s16 =	sadd.s32 $0x18B400, s0;
	s0 =	sadd.s32 s17, s23;
	[dreg:$0x7] =	wrdreg s3  }
0x12: {  	s3 =	sadd.s32 s10, s18;
	s18 =	smul.u32 $0x3E80, s13;
	[dreg:$0xd] =	wrdreg s0  }
0x13: {  	s0 =	sand.u32 $0x1FFFFFE0, s25;
	[dreg:$0x8] =	wrdreg s3;
	s3 =	sshrl.u32 s19, $0x3  }
0x14: {  	s19 =	sadd.s32 $0x138800, s9;
	s0 =	sadd.s32 s17, s0;
	s9 =	sadd.s32 s9, s5  }
0x15: {  	s3 =	sadd.s32 s10, s3;
	s15 =	sadd.s32 s2, s19;
	s2 =	sadd.s32 s2, s18  }
0x16: {  	[dreg:$0xf] =	wrdreg s0;
	s0 =	sshrl.u32 s9, $0x3;
	s9 =	simm.s32 $0x6  }
0x17: {  	[dreg:$0x9] =	wrdreg s3;
	s3 =	sshrl.u32 s21, $0x3;
	s22 =	sshrl.u32 s15, $0x3  }
0x18: {  	s2 =	sshrl.u32 s2, $0x3;
	s15 =	simm.s32 $0x30E;
	s21 =	sadd.s32 s11, s5  }
0x19: {  	s11 =	sadd.s32 s18, s5;
	[dreg:$0x12] =	wrdreg s0;
	s0 =	simm.s32 $0x100  }
0x1a: {  	s3 =	sadd.s32 s10, s3;
	s2 =	sadd.s32 s10, s2;
	s15 =	simm.s32 @!p0 $0x30D  }
0x1b: {  	p0 =	sgt.u32 s13, $0x63;
	s13 =	sadd.s32 s4, s5;
	s28 =	sshrl.u32 s21, $0x3  }
0x1c: {  	s4 =	simm.s32 $0x1;
	[dreg:$0xa] =	wrdreg s3;
	s3 =	sadd.s32 s10, s22  }
0x1d: {  	[dreg:$0xc] =	wrdreg s2;
	s2 =	sshll.u32 s24, $0x4;
	s10 =	smul.u32 $0x1F40, s20  }
0x1e: {  	s20 =	sadd.s32 s12, s5;
	s22 =	sadd.s32 s14, s5;
	s24 =	sadd.s32 s19, s5  }
0x1f: {  	s25 =	sshrl.u32 s13, $0x3;
	s31 =	sshrl.u32 @!p0 s11, $0x3;
	[dreg:$0xb] =	wrdreg s3  }
0x20: {  	s2 =	sand.u32 $0x1FFFFFF0, s2;
	s3 =	sadd.s32 s1, s26;
	s26 =	sshrl.u32 s20, $0x3  }
0x21: {  	s29 =	sshrl.u32 s22, $0x3;
	[dreg:$0xe] =	wrdreg s3;
	s3 =	sadd.s32 s1, s2  }
0x22: {  	s30 =	sshrl.u32 s24, $0x3;
	s2 =	sshrl.u32 s10, $0x2;
	[dreg:$0x10] =	wrdreg s3  }
0x23: {  	v0 =	vimm.f32 $0.0e+00;
	s23 =	sadd.s32 s2, s5;
	s2 =	simm.s32 $0x7;
	s3 =	simm.s32 $0x5820  }
.LBB2_1:
0x24: {  	s10 =	simm.s32 $0x40;
	s11 =	simm.s32 $0x0  }
.LBB2_2:
0x25: {  	p1 =	sne.s32 s10, $0x1F00;
	[tilespmem:s11+$0x5820] =	vst v0;
	s11 =	smov.u32 s10;
	s10 =	sadd.s32 $0x40, s10  }
.Ltmp0:
0x26: {  	(pc) =	sbr.rel @p1 .LBB2_2-.Ltmp0, $2  }
0x27: {  	_ =	sdelay $0x2  }
0x28: {  	s11 =	sshra.s32 s11, $0x2  }
0x29: {  	[tilespmem:s11+$0x5820] =	vst v0;
	s10 =	simm.s32 $0x0;
	s20 =	rddreg [dreg:$0x2];
	s12 =	simm.s32 $0x5800  }
0x2a: {  	[tilespmem:s12], [sflag:$0x7] =	stream.linear.gather [hbm4b:s20+s10], $0x10, $0x38;
	[tilespmem:$0x1E690] =	vst v63  }
0x2b: {  	_ =	swait.ge [sflag:s2], $0x10  }
0x2c: {  	[sflag:s2] =	ssyncset.done $0x0  }
0x2d: {  	[sflag:s2] =	ssyncadd.s32 $0xFFFFFFF0  }
0x2e: {  	s22 =	simm.s32 $0x5810;
	s21 =	rddreg [dreg:$0x3]  }
0x2f: {  	[tilespmem:s22], [sflag:$0x7] =	stream.linear.gather [hbm4b:s21+s10], $0x10, $0x38;
	[tilespmem:$0x1E690] =	vst v63  }
0x30: {  	_ =	swait.ge [sflag:s2], $0x10  }
0x31: {  	[sflag:s2] =	ssyncset.done $0x0  }
0x32: {  	s24 =	sadd.s32 $0x0, s23;
	[sflag:s2] =	ssyncadd.s32 $0xFFFFFFF0  }
0x33: {  	[spmem:s24] =	stream.linear.scatter [tilespmem:s3], [sflag:$0x7], $0x7D0, $0x38;
	[tilespmem:$0x1E690] =	vst v63  }
0x34: {  	s10 =	simm.s32 $0x1F400;
	_ =	swait.ge [sflag:s2], $0x7D0  }
.LBB2_4:
0x35: {  	s11 =	sshra.s32 s10, $0x2;
	[sflag:s2] =	ssyncset.done $0x0;
	p1 =	sne.s32 s10, $0x5FB400  }
.Ltmp1:
0x36: {  	s11 =	sadd.s32 s11, s23;
	[sflag:s2] =	ssyncadd.s32 $0xFFFFF830;
	(pc) =	sbr.rel @p1 .LBB2_4-.Ltmp1, $3  }
0x37: {  	[spmem:s11] =	stream.linear.scatter [tilespmem:s3], [sflag:$0x7], $0x7D0, $0x38;
	[tilespmem:$0x1E690] =	vst v63  }
0x38: {  	s10 =	sadd.s32 $0x1F400, s10;
	_ =	sdelay $0x1  }
0x39: {  	_ =	swait.ge [sflag:s2], $0x7D0  }
0x3a: {  	[sflag:s2] =	ssyncset.done $0x0  }
0x3b: {  	[sflag:s2] =	ssyncadd.s32 $0xFFFFF830  }
0x3c: {  	[bflag:$0x0] =	sbarrier.arrive $0xFFFF  }
0x3d: {  	s10 =	simm.s32 $0x0;
	s11 =	rddreg [dreg:$0xd]  }
0x3e: {  	[tilespmem:s10], [sflag:$0x1] =	stream.linear.gather [hbm4b:s11+s10], $0x100, $0x38;
	[tilespmem:$0x1E690] =	vst v63  }
0x3f: {  	s12 =	simm.s32 $0x600;
	s18 =	rddreg [dreg:$0xe]  }
0x40: {  	[tilespmem:s12], [sflag:$0x1] =	stream.linear.gather [hbm4b:s18+s10], $0x80, $0x38;
	[tilespmem:$0x1E690] =	vst v63  }
0x41: {  	_ =	swait.ge [sflag:s4], $0x100  }
0x42: {  	[sflag:s4] =	ssyncset.done $0x0  }
0x43: {  	[sflag:s4] =	ssyncadd.s32 $0xFFFFFF00  }
0x44: {  	_ =	swait.ge [sflag:s4], $0x80  }
0x45: {  	[sflag:s4] =	ssyncset.done $0x0  }
0x46: {  	s19 =	simm.s32 $0x800;
	[sflag:s4] =	ssyncadd.s32 $0xFFFFFF80  }
0x47: {  	[tilespmem:s19], [sflag:$0x2] =	stream.indirect.gather [hbm4b:s16+s0], $0x10, s10, s0, $0xb8;
	[tilespmem:$0x1E690] =	vst v63  }
0x48: {  	v1 =	vld [tilespmem:$0x80]  }
0x49: {  	v2 =	vld [tilespmem:$0x90]  }
0x4a: {  	v3 =	vld [tilespmem:$0xA0]  }
0x4b: {  	v4 =	vld [tilespmem:$0xB0]  }
0x4c: {  	v5 =	vld [tilespmem:$0xC0]  }
0x4d: {  	v6 =	vld [tilespmem:$0xD0];
	v1 =	vadd.s32 $0xFFFE7960, v1  }
0x4e: {  	[tilespmem:$0x400] =	vst v1;
	v1 =	vadd.s32 $0xFFFE7960, v2;
	v2 =	vld [tilespmem:$0xE0]  }
0x4f: {  	[tilespmem:$0x410] =	vst v1;
	v1 =	vadd.s32 $0xFFFE7960, v3;
	v3 =	vld [tilespmem:$0xF0]  }
0x50: {  	[tilespmem:$0x420] =	vst v1;
	v1 =	vadd.s32 $0xFFFE7960, v4  }
0x51: {  	[tilespmem:$0x430] =	vst v1;
	v1 =	vadd.s32 $0xFFFE7960, v5  }
0x52: {  	[tilespmem:$0x440] =	vst v1;
	v1 =	vadd.s32 $0xFFFE7960, v6  }
0x53: {  	[tilespmem:$0x450] =	vst v1;
	v1 =	vadd.s32 $0xFFFE7960, v2  }
0x54: {  	[tilespmem:$0x460] =	vst v1;
	v1 =	vadd.s32 $0xFFFE7960, v3  }
0x55: {  	s20 =	rddreg [dreg:$0xf];
	[tilespmem:$0x470] =	vst v1  }
0x56: {  	[tilespmem:s0], [sflag:$0x1] =	stream.linear.gather [hbm4b:s20+s10], $0x100, $0x38;
	[tilespmem:$0x1E690] =	vst v63  }
0x57: {  	s22 =	simm.s32 $0x680;
	s21 =	rddreg [dreg:$0x10]  }
0x58: {  	[tilespmem:s22], [sflag:$0x1] =	stream.linear.gather [hbm4b:s21+s10], $0x80, $0x38;
	[tilespmem:$0x1E690] =	vst v63  }
0x59: {  	_ =	swait.ge [sflag:s4], $0x100  }
0x5a: {  	[sflag:s4] =	ssyncset.done $0x0  }
0x5b: {  	[sflag:s4] =	ssyncadd.s32 $0xFFFFFF00  }
0x5c: {  	_ =	swait.ge [sflag:s4], $0x80  }
0x5d: {  	[sflag:s4] =	ssyncset.done $0x0  }
0x5e: {  	s24 =	simm.s32 $0x1800;
	[sflag:s4] =	ssyncadd.s32 $0xFFFFFF80  }
0x5f: {  	[tilespmem:s24], [sflag:$0x3] =	stream.indirect.gather [hbm4b:s16+s0], $0x10, s0, s0, $0xb8;
	[tilespmem:$0x1E690] =	vst v63  }
0x60: {  	v1 =	vld [tilespmem:$0x180]  }
0x61: {  	v2 =	vld [tilespmem:$0x190]  }
0x62: {  	v3 =	vld [tilespmem:$0x1A0]  }
0x63: {  	v61 =	vld [tilespmem:$0x1B0]  }
0x64: {  	v62 =	vld [tilespmem:$0x1C0]  }
0x65: {  	v63 =	vld [tilespmem:$0x1D0];
	v1 =	vadd.s32 $0xFFFE7960, v1  }
0x66: {  	[tilespmem:$0x480] =	vst v1;
	v1 =	vadd.s32 $0xFFFE7960, v2;
	v2 =	vld [tilespmem:$0x1E0]  }
0x67: {  	[tilespmem:$0x490] =	vst v1;
	v1 =	vadd.s32 $0xFFFE7960, v3;
	v3 =	vld [tilespmem:$0x1F0]  }
0x68: {  	[tilespmem:$0x4A0] =	vst v1;
	v1 =	vadd.s32 $0xFFFE7960, v61  }
0x69: {  	[tilespmem:$0x4B0] =	vst v1;
	v1 =	vadd.s32 $0xFFFE7960, v62  }
0x6a: {  	[tilespmem:$0x4C0] =	vst v1;
	v1 =	vadd.s32 $0xFFFE7960, v63  }
0x6b: {  	[tilespmem:$0x4D0] =	vst v1;
	v1 =	vadd.s32 $0xFFFE7960, v2  }
0x6c: {  	[tilespmem:$0x4E0] =	vst v1;
	v1 =	vadd.s32 $0xFFFE7960, v3  }
0x6d: {  	p1 =	por $0x0, $0x0;
	s11 =	simm.s32 $0x0;
	[tilespmem:$0x4F0] =	vst v1  }
.LBB2_6:
0x6e: {  	p3 =	seq.s32 s11, $0x0;
	s12 =	sadd.s32 $0x2, s11  }
0x6f: {  	s13 =	simm.s32 @!p3 $0x6;
	p2 =	sge.u32 s12, s15  }
0x70: {  	s21 =	sand.u32 $0x3, s10;
	_ =	swait.ge @!p3 [sflag:s13], $0x800;
	s18 =	sadd.s32 @!p2 s7, s12  }
0x71: {  	s14 =	sand.u32 @!p2 $0x3, s12;
	[sflag:s13] =	ssyncset.done @!p3 $0x0;
	s19 =	sshll.u32 @!p2 s18, $0x5  }
0x72: {  	s12 =	sshll.u32 @!p2 s14, $0x8;
	[sflag:s13] =	ssyncadd.s32 @!p3 $0xFFFFF800;
	s13 =	sand.u32 @!p2 $0x1FFFFFE0, s19  }
0x73: {  	s18 =	sshll.u32 @!p2 s18, $0x4;
	s19 =	simm.s32 @!p2 $0x0;
	s13 =	sadd.s32 @!p2 s17, s13  }
0x74: {  	[tilespmem:s12], [sflag:$0x1] =	stream.linear.gather @!p2 [hbm4b:s13+s19], $0x100, $0x38;
	[tilespmem:$0x1E690] =	vst v63  }
0x75: {  	s20 =	sand.u32 $0x3, s11;
	s18 =	sand.u32 @!p2 $0x1FFFFFF0, s18;
	s13 =	sshll.u32 @!p2 s14, $0x7  }
0x76: {  	s22 =	sshll.u32 s21, $0xC;
	s18 =	sadd.s32 @!p2 s1, s18;
	s24 =	sor.u32 @!p2 $0x600, s13  }
0x77: {  	[tilespmem:s24], [sflag:$0x1] =	stream.linear.gather @!p2 [hbm4b:s18+s19], $0x80, $0x38;
	[tilespmem:$0x1E690] =	vst v63  }
0x78: {  	s22 =	sadd.s32 $0x1000, s22;
	s24 =	sadd.s32 $0x2, s20  }
0x79: {  	v1 =	vmov s22;
	_ =	swait.ge [sflag:s24], $0x1000  }
0x7a: {  	[sflag:s24] =	ssyncset.done $0x0  }
0x7b: {  	s21 =	sshll.u32 s21, $0x7;
	[sflag:s24] =	ssyncadd.s32 $0xFFFFF000  }
0x7c: {  	s19 =	sor.u32 $0x600, s21;
	v2 =	vld [tilespmem:$0x5800]  }
0x7d: {  	s18 =	simm.s32 $0x0;
	v5 =	vld [tilespmem:s19+$0x0]  }
0x7e: {  	v6 =	vld.idx.msk [tilespmem:v1+s18+$0xFFFFF800 ss:$0x1], $0xffff  }
0x7f: {  	v7 =	vld.idx.msk [tilespmem:v1+s18+$0x0 ss:$0x1], $0xffff  }
0x80: {  	s21 =	simm.s32 $0x1  }
0x81: {  	s21 =	simm.s32 @!p1 $0x0  }
0x82: {  	s21 =	sshll.u32 s21, $0xB;
	v8 =	vbroadcast v5, $0x0  }
0x83: {  	s21 =	sadd.s32 $0x48F0, s21;
	v4 =	vld [tilespmem:$0x5810]  }
0x84: {  	v3 =	vmov s21;
	v6 =	vadd.f32 v7, v6;
	v8 =	vmul.f32 v8, v2;
	_ =	sdelay $0x1  }
0x85: {  	v6 =	vadd.f32 v6, v8;
	_ =	sdelay $0x1  }
0x86: {  	v6 =	vmax.f32 v6, v4  }
0x87: {  	[tilespmem:v3+s18+$0xFFFFFF10 ss:$0x1] =	vst.idx.msk $0xffff, v6  }
0x88: {  	v6 =	vld.idx.msk [tilespmem:v1+s18+$0xFFFFF810 ss:$0x1], $0xffff  }
0x89: {  	v7 =	vld.idx.msk [tilespmem:v1+s18+$0x10 ss:$0x1], $0xffff;
	_ =	sdelay $0x2  }
0x8a: {  	v8 =	vbroadcast v5, $0x1;
	_ =	sdelay $0x1  }
0x8b: {  	v8 =	vmul.f32 v8, v2;
	v6 =	vadd.f32 v7, v6;
	_ =	sdelay $0x1  }
0x8c: {  	v6 =	vadd.f32 v6, v8;
	_ =	sdelay $0x1  }
0x8d: {  	v6 =	vmax.f32 v6, v4  }
0x8e: {  	[tilespmem:v3+s18+$0xFFFFFF20 ss:$0x1] =	vst.idx.msk $0xffff, v6  }
0x8f: {  	v6 =	vld.idx.msk [tilespmem:v1+s18+$0xFFFFF820 ss:$0x1], $0xffff  }
0x90: {  	v7 =	vld.idx.msk [tilespmem:v1+s18+$0x20 ss:$0x1], $0xffff;
	_ =	sdelay $0x2  }
0x91: {  	v8 =	vbroadcast v5, $0x2;
	_ =	sdelay $0x1  }
0x92: {  	v8 =	vmul.f32 v8, v2;
	v6 =	vadd.f32 v7, v6;
	_ =	sdelay $0x1  }
0x93: {  	v6 =	vadd.f32 v6, v8;
	_ =	sdelay $0x1  }
0x94: {  	v6 =	vmax.f32 v6, v4  }
0x95: {  	[tilespmem:v3+s18+$0xFFFFFF30 ss:$0x1] =	vst.idx.msk $0xffff, v6  }
0x96: {  	v6 =	vld.idx.msk [tilespmem:v1+s18+$0xFFFFF830 ss:$0x1], $0xffff  }
0x97: {  	v7 =	vld.idx.msk [tilespmem:v1+s18+$0x30 ss:$0x1], $0xffff;
	_ =	sdelay $0x2  }
0x98: {  	v8 =	vbroadcast v5, $0x3;
	_ =	sdelay $0x1  }
0x99: {  	v8 =	vmul.f32 v8, v2;
	v6 =	vadd.f32 v7, v6;
	_ =	sdelay $0x1  }
0x9a: {  	v6 =	vadd.f32 v6, v8;
	_ =	sdelay $0x1  }
0x9b: {  	v6 =	vmax.f32 v6, v4  }
0x9c: {  	[tilespmem:v3+s18+$0xFFFFFF40 ss:$0x1] =	vst.idx.msk $0xffff, v6  }
0x9d: {  	v6 =	vld.idx.msk [tilespmem:v1+s18+$0xFFFFF840 ss:$0x1], $0xffff  }
0x9e: {  	v7 =	vld.idx.msk [tilespmem:v1+s18+$0x40 ss:$0x1], $0xffff;
	_ =	sdelay $0x2  }
0x9f: {  	v8 =	vbroadcast v5, $0x4;
	_ =	sdelay $0x1  }
0xa0: {  	v8 =	vmul.f32 v8, v2;
	v6 =	vadd.f32 v7, v6;
	_ =	sdelay $0x1  }
0xa1: {  	v6 =	vadd.f32 v6, v8;
	_ =	sdelay $0x1  }
0xa2: {  	v6 =	vmax.f32 v6, v4  }
0xa3: {  	[tilespmem:v3+s18+$0xFFFFFF50 ss:$0x1] =	vst.idx.msk $0xffff, v6  }
0xa4: {  	v6 =	vld.idx.msk [tilespmem:v1+s18+$0xFFFFF850 ss:$0x1], $0xffff  }
0xa5: {  	v7 =	vld.idx.msk [tilespmem:v1+s18+$0x50 ss:$0x1], $0xffff;
	_ =	sdelay $0x2  }
0xa6: {  	v8 =	vbroadcast v5, $0x5;
	_ =	sdelay $0x1  }
0xa7: {  	v8 =	vmul.f32 v8, v2;
	v6 =	vadd.f32 v7, v6;
	_ =	sdelay $0x1  }
0xa8: {  	v6 =	vadd.f32 v6, v8;
	_ =	sdelay $0x1  }
0xa9: {  	v6 =	vmax.f32 v6, v4  }
0xaa: {  	[tilespmem:v3+s18+$0xFFFFFF60 ss:$0x1] =	vst.idx.msk $0xffff, v6  }
0xab: {  	v6 =	vld.idx.msk [tilespmem:v1+s18+$0xFFFFF860 ss:$0x1], $0xffff  }
0xac: {  	v7 =	vld.idx.msk [tilespmem:v1+s18+$0x60 ss:$0x1], $0xffff;
	_ =	sdelay $0x2  }
0xad: {  	v8 =	vbroadcast v5, $0x6;
	_ =	sdelay $0x1  }
0xae: {  	v8 =	vmul.f32 v8, v2;
	v6 =	vadd.f32 v7, v6;
	_ =	sdelay $0x1  }
0xaf: {  	v6 =	vadd.f32 v6, v8;
	_ =	sdelay $0x1  }
0xb0: {  	v6 =	vmax.f32 v6, v4  }
0xb1: {  	[tilespmem:v3+s18+$0xFFFFFF70 ss:$0x1] =	vst.idx.msk $0xffff, v6  }
0xb2: {  	v6 =	vld.idx.msk [tilespmem:v1+s18+$0xFFFFF870 ss:$0x1], $0xffff  }
0xb3: {  	v7 =	vld.idx.msk [tilespmem:v1+s18+$0x70 ss:$0x1], $0xffff;
	_ =	sdelay $0x2  }
0xb4: {  	v8 =	vbroadcast v5, $0x7;
	_ =	sdelay $0x1  }
0xb5: {  	v8 =	vmul.f32 v8, v2;
	v6 =	vadd.f32 v7, v6;
	_ =	sdelay $0x1  }
0xb6: {  	v6 =	vadd.f32 v6, v8;
	_ =	sdelay $0x1  }
0xb7: {  	v6 =	vmax.f32 v6, v4  }
0xb8: {  	[tilespmem:v3+s18+$0xFFFFFF80 ss:$0x1] =	vst.idx.msk $0xffff, v6  }
0xb9: {  	v6 =	vld.idx.msk [tilespmem:v1+s18+$0xFFFFF880 ss:$0x1], $0xffff  }
0xba: {  	v7 =	vld.idx.msk [tilespmem:v1+s18+$0x80 ss:$0x1], $0xffff;
	_ =	sdelay $0x2  }
0xbb: {  	v8 =	vbroadcast v5, $0x8;
	_ =	sdelay $0x1  }
0xbc: {  	v8 =	vmul.f32 v8, v2;
	v6 =	vadd.f32 v7, v6;
	_ =	sdelay $0x1  }
0xbd: {  	v6 =	vadd.f32 v6, v8;
	_ =	sdelay $0x1  }
0xbe: {  	v6 =	vmax.f32 v6, v4  }
0xbf: {  	[tilespmem:v3+s18+$0xFFFFFF90 ss:$0x1] =	vst.idx.msk $0xffff, v6  }
0xc0: {  	v6 =	vld.idx.msk [tilespmem:v1+s18+$0xFFFFF890 ss:$0x1], $0xffff  }
0xc1: {  	v7 =	vld.idx.msk [tilespmem:v1+s18+$0x90 ss:$0x1], $0xffff;
	_ =	sdelay $0x2  }
0xc2: {  	v8 =	vbroadcast v5, $0x9;
	_ =	sdelay $0x1  }
0xc3: {  	v8 =	vmul.f32 v8, v2;
	v6 =	vadd.f32 v7, v6;
	_ =	sdelay $0x1  }
0xc4: {  	v6 =	vadd.f32 v6, v8;
	_ =	sdelay $0x1  }
0xc5: {  	v6 =	vmax.f32 v6, v4  }
0xc6: {  	[tilespmem:v3+s18+$0xFFFFFFA0 ss:$0x1] =	vst.idx.msk $0xffff, v6  }
0xc7: {  	v6 =	vld.idx.msk [tilespmem:v1+s18+$0xFFFFF8A0 ss:$0x1], $0xffff  }
0xc8: {  	v7 =	vld.idx.msk [tilespmem:v1+s18+$0xA0 ss:$0x1], $0xffff;
	_ =	sdelay $0x2  }
0xc9: {  	v8 =	vbroadcast v5, $0xA;
	_ =	sdelay $0x1  }
0xca: {  	v8 =	vmul.f32 v8, v2;
	v6 =	vadd.f32 v7, v6;
	_ =	sdelay $0x1  }
0xcb: {  	v6 =	vadd.f32 v6, v8;
	_ =	sdelay $0x1  }
0xcc: {  	v6 =	vmax.f32 v6, v4  }
0xcd: {  	[tilespmem:v3+s18+$0xFFFFFFB0 ss:$0x1] =	vst.idx.msk $0xffff, v6  }
0xce: {  	v6 =	vld.idx.msk [tilespmem:v1+s18+$0xFFFFF8B0 ss:$0x1], $0xffff  }
0xcf: {  	v7 =	vld.idx.msk [tilespmem:v1+s18+$0xB0 ss:$0x1], $0xffff;
	_ =	sdelay $0x2  }
0xd0: {  	v8 =	vbroadcast v5, $0xB;
	_ =	sdelay $0x1  }
0xd1: {  	v8 =	vmul.f32 v8, v2;
	v6 =	vadd.f32 v7, v6;
	_ =	sdelay $0x1  }
0xd2: {  	v6 =	vadd.f32 v6, v8;
	_ =	sdelay $0x1  }
0xd3: {  	v6 =	vmax.f32 v6, v4  }
0xd4: {  	[tilespmem:v3+s18+$0xFFFFFFC0 ss:$0x1] =	vst.idx.msk $0xffff, v6  }
0xd5: {  	v6 =	vld.idx.msk [tilespmem:v1+s18+$0xFFFFF8C0 ss:$0x1], $0xffff  }
0xd6: {  	v7 =	vld.idx.msk [tilespmem:v1+s18+$0xC0 ss:$0x1], $0xffff;
	_ =	sdelay $0x2  }
0xd7: {  	v8 =	vbroadcast v5, $0xC;
	_ =	sdelay $0x1  }
0xd8: {  	v8 =	vmul.f32 v8, v2;
	v6 =	vadd.f32 v7, v6;
	_ =	sdelay $0x1  }
0xd9: {  	v6 =	vadd.f32 v6, v8;
	_ =	sdelay $0x1  }
0xda: {  	v6 =	vmax.f32 v6, v4  }
0xdb: {  	[tilespmem:v3+s18+$0xFFFFFFD0 ss:$0x1] =	vst.idx.msk $0xffff, v6  }
0xdc: {  	v6 =	vld.idx.msk [tilespmem:v1+s18+$0xFFFFF8D0 ss:$0x1], $0xffff  }
0xdd: {  	v7 =	vld.idx.msk [tilespmem:v1+s18+$0xD0 ss:$0x1], $0xffff;
	_ =	sdelay $0x2  }
0xde: {  	v8 =	vbroadcast v5, $0xD;
	_ =	sdelay $0x1  }
0xdf: {  	v8 =	vmul.f32 v8, v2;
	v6 =	vadd.f32 v7, v6;
	_ =	sdelay $0x1  }
0xe0: {  	v6 =	vadd.f32 v6, v8;
	_ =	sdelay $0x1  }
0xe1: {  	v6 =	vmax.f32 v6, v4  }
0xe2: {  	[tilespmem:v3+s18+$0xFFFFFFE0 ss:$0x1] =	vst.idx.msk $0xffff, v6  }
0xe3: {  	v7 =	vld.idx.msk [tilespmem:v1+s18+$0xFFFFF8E0 ss:$0x1], $0xffff  }
0xe4: {  	v8 =	vld.idx.msk [tilespmem:v1+s18+$0xE0 ss:$0x1], $0xffff;
	_ =	sdelay $0x2  }
0xe5: {  	s22 =	sshll.u32 s11, $0xB;
	v6 =	vbroadcast v5, $0xE;
	v5 =	vbroadcast v5, $0xF  }
0xe6: {  	s24 =	sand.u32 $0x800, s22  }
0xe7: {  	s22 =	simm.s32 $0x400;
	s21 =	sshll.u32 s20, $0x9;
	s20 =	sadd.s32 $0x4800, s24;
	v6 =	vmul.f32 v6, v2;
	v5 =	vmul.f32 v5, v2;
	v7 =	vadd.f32 v8, v7  }
.LBB2_7:
0xe8: {  	p3 =	sne.s32 s22, $0x1C00  }
0xe9: {  	s19 =	sadd.s32 $0x10, s19;
	s24 =	smov.u32 s22;
	s22 =	sadd.s32 $0x400, s22;
	v6 =	vadd.f32 v7, v6  }
0xea: {  	_ = 	snop  }
0xeb: {  	v6 =	vmax.f32 v6, v4  }
0xec: {  	[tilespmem:v3+s18+$0xFFFFFFF0 ss:$0x1] =	vst.idx.msk $0xffff, v6  }
0xed: {  	v6 =	vld.idx.msk [tilespmem:v1+s18+$0xFFFFF8F0 ss:$0x1], $0xffff  }
0xee: {  	v7 =	vld.idx.msk [tilespmem:v1+s18+$0xF0 ss:$0x1], $0xffff;
	_ =	sdelay $0x5  }
0xef: {  	v6 =	vadd.f32 v7, v6;
	_ =	sdelay $0x1  }
0xf0: {  	v5 =	vadd.f32 v6, v5;
	_ =	sdelay $0x1  }
0xf1: {  	v5 =	vmax.f32 v5, v4  }
0xf2: {  	[tilespmem:v3+s18+$0x0 ss:$0x1] =	vst.idx.msk $0xffff, v5  }
0xf3: {  	s18 =	sshra.s32 s24, $0x2;
	v5 =	vld [tilespmem:s19+$0x0]  }
0xf4: {  	v6 =	vld.idx.msk [tilespmem:v1+s18+$0xFFFFF800 ss:$0x1], $0xffff  }
0xf5: {  	v7 =	vld.idx.msk [tilespmem:v1+s18+$0x0 ss:$0x1], $0xffff;
	_ =	sdelay $0x2  }
0xf6: {  	v8 =	vbroadcast v5, $0x0;
	v14 =	vbroadcast v5, $0x1  }
0xf7: {  	v15 =	vbroadcast v5, $0x2;
	v16 =	vbroadcast v5, $0x3  }
0xf8: {  	v17 =	vbroadcast v5, $0x4;
	v8 =	vmul.f32 v8, v2  }
0xf9: {  	v18 =	vbroadcast v5, $0x5;
	v19 =	vbroadcast v5, $0x6;
	v6 =	vadd.f32 v7, v6  }
0xfa: {  	v13 =	vbroadcast v5, $0x7;
	v12 =	vbroadcast v5, $0x8  }
0xfb: {  	v11 =	vbroadcast v5, $0x9;
	v10 =	vbroadcast v5, $0xA;
	v6 =	vadd.f32 v6, v8  }
0xfc: {  	v9 =	vbroadcast v5, $0xB;
	v8 =	vbroadcast v5, $0xC  }
0xfd: {  	v7 =	vbroadcast v5, $0xD;
	v20 =	vmax.f32 v6, v4;
	v6 =	vbroadcast v5, $0xE  }
0xfe: {  	v5 =	vbroadcast v5, $0xF;
	[tilespmem:v3+s18+$0xFFFFFF10 ss:$0x1] =	vst.idx.msk $0xffff, v20  }
0xff: {  	v20 =	vld.idx.msk [tilespmem:v1+s18+$0xFFFFF810 ss:$0x1], $0xffff  }
0x100: {  	v21 =	vld.idx.msk [tilespmem:v1+s18+$0x10 ss:$0x1], $0xffff;
	_ =	sdelay $0x3  }
0x101: {  	v14 =	vmul.f32 v14, v2;
	_ =	sdelay $0x1  }
0x102: {  	v20 =	vadd.f32 v21, v20;
	_ =	sdelay $0x1  }
0x103: {  	v14 =	vadd.f32 v20, v14;
	_ =	sdelay $0x1  }
0x104: {  	v14 =	vmax.f32 v14, v4  }
0x105: {  	[tilespmem:v3+s18+$0xFFFFFF20 ss:$0x1] =	vst.idx.msk $0xffff, v14  }
0x106: {  	v14 =	vld.idx.msk [tilespmem:v1+s18+$0xFFFFF820 ss:$0x1], $0xffff  }
0x107: {  	v20 =	vld.idx.msk [tilespmem:v1+s18+$0x20 ss:$0x1], $0xffff;
	_ =	sdelay $0x2  }
0x108: {  	v15 =	vmul.f32 v15, v2;
	_ =	sdelay $0x2  }
0x109: {  	v14 =	vadd.f32 v20, v14;
	_ =	sdelay $0x1  }
0x10a: {  	v14 =	vadd.f32 v14, v15;
	_ =	sdelay $0x1  }
0x10b: {  	v14 =	vmax.f32 v14, v4  }
0x10c: {  	[tilespmem:v3+s18+$0xFFFFFF30 ss:$0x1] =	vst.idx.msk $0xffff, v14  }
0x10d: {  	v14 =	vld.idx.msk [tilespmem:v1+s18+$0xFFFFF830 ss:$0x1], $0xffff  }
0x10e: {  	v15 =	vld.idx.msk [tilespmem:v1+s18+$0x30 ss:$0x1], $0xffff;
	_ =	sdelay $0x1  }
0x10f: {  	v16 =	vmul.f32 v16, v2;
	_ =	sdelay $0x3  }
0x110: {  	v14 =	vadd.f32 v15, v14;
	_ =	sdelay $0x1  }
0x111: {  	v14 =	vadd.f32 v14, v16;
	_ =	sdelay $0x1  }
0x112: {  	v14 =	vmax.f32 v14, v4  }
0x113: {  	[tilespmem:v3+s18+$0xFFFFFF40 ss:$0x1] =	vst.idx.msk $0xffff, v14  }
0x114: {  	v14 =	vld.idx.msk [tilespmem:v1+s18+$0xFFFFF840 ss:$0x1], $0xffff  }
0x115: {  	v15 =	vld.idx.msk [tilespmem:v1+s18+$0x40 ss:$0x1], $0xffff  }
0x116: {  	v16 =	vmul.f32 v17, v2;
	_ =	sdelay $0x4  }
0x117: {  	v14 =	vadd.f32 v15, v14;
	_ =	sdelay $0x1  }
0x118: {  	v14 =	vadd.f32 v14, v16;
	_ =	sdelay $0x1  }
0x119: {  	v14 =	vmax.f32 v14, v4  }
0x11a: {  	[tilespmem:v3+s18+$0xFFFFFF50 ss:$0x1] =	vst.idx.msk $0xffff, v14  }
0x11b: {  	v14 =	vld.idx.msk [tilespmem:v1+s18+$0xFFFFF850 ss:$0x1], $0xffff  }
0x11c: {  	v16 =	vmul.f32 v18, v2;
	v15 =	vld.idx.msk [tilespmem:v1+s18+$0x50 ss:$0x1], $0xffff;
	_ =	sdelay $0x5  }
0x11d: {  	v14 =	vadd.f32 v15, v14;
	_ =	sdelay $0x1  }
0x11e: {  	v14 =	vadd.f32 v14, v16;
	_ =	sdelay $0x1  }
0x11f: {  	v14 =	vmax.f32 v14, v4  }
0x120: {  	[tilespmem:v3+s18+$0xFFFFFF60 ss:$0x1] =	vst.idx.msk $0xffff, v14  }
0x121: {  	v15 =	vmul.f32 v19, v2;
	v14 =	vld.idx.msk [tilespmem:v1+s18+$0xFFFFF860 ss:$0x1], $0xffff  }
0x122: {  	v16 =	vld.idx.msk [tilespmem:v1+s18+$0x60 ss:$0x1], $0xffff;
	_ =	sdelay $0x5  }
0x123: {  	v14 =	vadd.f32 v16, v14;
	_ =	sdelay $0x1  }
0x124: {  	v14 =	vadd.f32 v14, v15;
	_ =	sdelay $0x1  }
0x125: {  	v14 =	vmax.f32 v14, v4  }
0x126: {  	v13 =	vmul.f32 v13, v2;
	[tilespmem:v3+s18+$0xFFFFFF70 ss:$0x1] =	vst.idx.msk $0xffff, v14  }
0x127: {  	v14 =	vld.idx.msk [tilespmem:v1+s18+$0xFFFFF870 ss:$0x1], $0xffff  }
0x128: {  	v15 =	vld.idx.msk [tilespmem:v1+s18+$0x70 ss:$0x1], $0xffff;
	_ =	sdelay $0x5  }
0x129: {  	v14 =	vadd.f32 v15, v14;
	_ =	sdelay $0x1  }
0x12a: {  	v13 =	vadd.f32 v14, v13;
	_ =	sdelay $0x1  }
0x12b: {  	v12 =	vmul.f32 v12, v2;
	v13 =	vmax.f32 v13, v4  }
0x12c: {  	[tilespmem:v3+s18+$0xFFFFFF80 ss:$0x1] =	vst.idx.msk $0xffff, v13  }
0x12d: {  	v13 =	vld.idx.msk [tilespmem:v1+s18+$0xFFFFF880 ss:$0x1], $0xffff  }
0x12e: {  	v14 =	vld.idx.msk [tilespmem:v1+s18+$0x80 ss:$0x1], $0xffff;
	_ =	sdelay $0x5  }
0x12f: {  	v13 =	vadd.f32 v14, v13;
	_ =	sdelay $0x1  }
0x130: {  	v12 =	vadd.f32 v13, v12  }
0x131: {  	v11 =	vmul.f32 v11, v2  }
0x132: {  	v12 =	vmax.f32 v12, v4  }
0x133: {  	[tilespmem:v3+s18+$0xFFFFFF90 ss:$0x1] =	vst.idx.msk $0xffff, v12  }
0x134: {  	v12 =	vld.idx.msk [tilespmem:v1+s18+$0xFFFFF890 ss:$0x1], $0xffff  }
0x135: {  	v13 =	vld.idx.msk [tilespmem:v1+s18+$0x90 ss:$0x1], $0xffff;
	_ =	sdelay $0x5  }
0x136: {  	v12 =	vadd.f32 v13, v12;
	_ =	sdelay $0x1  }
0x137: {  	v10 =	vmul.f32 v10, v2;
	v11 =	vadd.f32 v12, v11;
	_ =	sdelay $0x1  }
0x138: {  	v11 =	vmax.f32 v11, v4  }
0x139: {  	[tilespmem:v3+s18+$0xFFFFFFA0 ss:$0x1] =	vst.idx.msk $0xffff, v11  }
0x13a: {  	v11 =	vld.idx.msk [tilespmem:v1+s18+$0xFFFFF8A0 ss:$0x1], $0xffff  }
0x13b: {  	v12 =	vld.idx.msk [tilespmem:v1+s18+$0xA0 ss:$0x1], $0xffff;
	_ =	sdelay $0x5  }
0x13c: {  	v11 =	vadd.f32 v12, v11  }
0x13d: {  	v9 =	vmul.f32 v9, v2  }
0x13e: {  	v10 =	vadd.f32 v11, v10;
	_ =	sdelay $0x1  }
0x13f: {  	v10 =	vmax.f32 v10, v4  }
0x140: {  	[tilespmem:v3+s18+$0xFFFFFFB0 ss:$0x1] =	vst.idx.msk $0xffff, v10  }
0x141: {  	v10 =	vld.idx.msk [tilespmem:v1+s18+$0xFFFFF8B0 ss:$0x1], $0xffff  }
0x142: {  	v11 =	vld.idx.msk [tilespmem:v1+s18+$0xB0 ss:$0x1], $0xffff;
	_ =	sdelay $0x5  }
0x143: {  	v8 =	vmul.f32 v8, v2;
	v10 =	vadd.f32 v11, v10;
	_ =	sdelay $0x1  }
0x144: {  	v9 =	vadd.f32 v10, v9;
	_ =	sdelay $0x1  }
0x145: {  	v9 =	vmax.f32 v9, v4  }
0x146: {  	[tilespmem:v3+s18+$0xFFFFFFC0 ss:$0x1] =	vst.idx.msk $0xffff, v9  }
0x147: {  	v9 =	vld.idx.msk [tilespmem:v1+s18+$0xFFFFF8C0 ss:$0x1], $0xffff  }
0x148: {  	v10 =	vld.idx.msk [tilespmem:v1+s18+$0xC0 ss:$0x1], $0xffff;
	_ =	sdelay $0x4  }
0x149: {  	v7 =	vmul.f32 v7, v2  }
0x14a: {  	v9 =	vadd.f32 v10, v9;
	_ =	sdelay $0x1  }
0x14b: {  	v8 =	vadd.f32 v9, v8;
	_ =	sdelay $0x1  }
0x14c: {  	v8 =	vmax.f32 v8, v4  }
0x14d: {  	[tilespmem:v3+s18+$0xFFFFFFD0 ss:$0x1] =	vst.idx.msk $0xffff, v8  }
0x14e: {  	v8 =	vld.idx.msk [tilespmem:v1+s18+$0xFFFFF8D0 ss:$0x1], $0xffff  }
0x14f: {  	v9 =	vld.idx.msk [tilespmem:v1+s18+$0xD0 ss:$0x1], $0xffff;
	_ =	sdelay $0x3  }
0x150: {  	v6 =	vmul.f32 v6, v2;
	_ =	sdelay $0x1  }
0x151: {  	v8 =	vadd.f32 v9, v8;
	_ =	sdelay $0x1  }
0x152: {  	v7 =	vadd.f32 v8, v7;
	_ =	sdelay $0x1  }
0x153: {  	v7 =	vmax.f32 v7, v4  }
0x154: {  	[tilespmem:v3+s18+$0xFFFFFFE0 ss:$0x1] =	vst.idx.msk $0xffff, v7  }
0x155: {  	v7 =	vld.idx.msk [tilespmem:v1+s18+$0xFFFFF8E0 ss:$0x1], $0xffff  }
0x156: {  	v8 =	vld.idx.msk [tilespmem:v1+s18+$0xE0 ss:$0x1], $0xffff;
	_ =	sdelay $0x1  }
.Ltmp2:
0x157: {  	(pc) =	sbr.rel @p3 .LBB2_7-.Ltmp2, $2  }
0x158: {  	v5 =	vmul.f32 v5, v2;
	_ =	sdelay $0x2  }
0x159: {  	v7 =	vadd.f32 v8, v7  }
0x15a: {  	_ = 	snop  }
0x15b: {  	v2 =	vadd.f32 v7, v6;
	_ =	sdelay $0x1  }
0x15c: {  	v2 =	vmax.f32 v2, v4  }
0x15d: {  	[tilespmem:v3+s18+$0xFFFFFFF0 ss:$0x1] =	vst.idx.msk $0xffff, v2  }
0x15e: {  	v2 =	vld.idx.msk [tilespmem:v1+s18+$0xFFFFF8F0 ss:$0x1], $0xffff  }
0x15f: {  	v1 =	vld.idx.msk [tilespmem:v1+s18+$0xF0 ss:$0x1], $0xffff;
	_ =	sdelay $0x4  }
0x160: {  	v1 =	vadd.f32 v1, v2;
	_ =	sdelay $0x1  }
0x161: {  	v1 =	vadd.f32 v1, v5;
	_ =	sdelay $0x1  }
0x162: {  	s19 =	sshrl.u32 s21, $0x2;
	v1 =	vmax.f32 v1, v4  }
0x163: {  	s24 =	sor.u32 $0x400, s19;
	[tilespmem:v3+s18+$0x0 ss:$0x1] =	vst.idx.msk $0xffff, v1;
	s18 =	simm.s32 @!p2 $0x1  }
0x164: {  	[spmem:s5] =	stream.indirect.scatter.add.f32 [tilespmem:s20], [sflag:$0x6], $0x10, s24, s8, $0xb8;
	[tilespmem:$0x1E690] =	vst v63  }
0x165: {  	_ =	swait.ge @!p2 [sflag:s18], $0x100  }
0x166: {  	[sflag:s18] =	ssyncset.done @!p2 $0x0  }
0x167: {  	[sflag:s18] =	ssyncadd.s32 @!p2 $0xFFFFFF00  }
0x168: {  	_ =	swait.ge @!p2 [sflag:s18], $0x80  }
0x169: {  	[sflag:s18] =	ssyncset.done @!p2 $0x0  }
0x16a: {  	[sflag:s18] =	ssyncadd.s32 @!p2 $0xFFFFFF80;
	s18 =	sshll.u32 @!p2 s14, $0xC  }
0x16b: {  	s19 =	simm.s32 @!p2 $0x100;
	s14 =	sadd.s32 @!p2 $0x2, s14;
	s18 =	sor.u32 @!p2 $0x800, s18  }
0x16c: {  	[tilespmem:s18], [sflag:s14] =	stream.indirect.gather @!p2 [hbm4b:s16+s19], $0x10, s12, s19, $0xb8;
	[tilespmem:$0x1E690] =	vst v63  }
0x16d: {  	v1 =	vld @!p2 [tilespmem:s12+$0x80];
	_ =	sdelay $0x4  }
0x16e: {  	v1 =	vadd.s32 @!p2 $0xFFFE7960, v1  }
0x16f: {  	[tilespmem:s13+$0x400] =	vst @!p2 v1  }
0x170: {  	v1 =	vld @!p2 [tilespmem:s12+$0x90];
	_ =	sdelay $0x4  }
0x171: {  	v1 =	vadd.s32 @!p2 $0xFFFE7960, v1  }
0x172: {  	[tilespmem:s13+$0x410] =	vst @!p2 v1  }
0x173: {  	v1 =	vld @!p2 [tilespmem:s12+$0xA0];
	_ =	sdelay $0x4  }
0x174: {  	v1 =	vadd.s32 @!p2 $0xFFFE7960, v1  }
0x175: {  	[tilespmem:s13+$0x420] =	vst @!p2 v1  }
0x176: {  	v1 =	vld @!p2 [tilespmem:s12+$0xB0];
	_ =	sdelay $0x4  }
0x177: {  	v1 =	vadd.s32 @!p2 $0xFFFE7960, v1  }
0x178: {  	[tilespmem:s13+$0x430] =	vst @!p2 v1  }
0x179: {  	v1 =	vld @!p2 [tilespmem:s12+$0xC0];
	_ =	sdelay $0x4  }
0x17a: {  	v1 =	vadd.s32 @!p2 $0xFFFE7960, v1  }
0x17b: {  	[tilespmem:s13+$0x440] =	vst @!p2 v1  }
0x17c: {  	v1 =	vld @!p2 [tilespmem:s12+$0xD0];
	_ =	sdelay $0x4  }
0x17d: {  	v1 =	vadd.s32 @!p2 $0xFFFE7960, v1  }
0x17e: {  	[tilespmem:s13+$0x450] =	vst @!p2 v1  }
0x17f: {  	v1 =	vld @!p2 [tilespmem:s12+$0xE0];
	_ =	sdelay $0x4  }
0x180: {  	v1 =	vadd.s32 @!p2 $0xFFFE7960, v1  }
0x181: {  	[tilespmem:s13+$0x460] =	vst @!p2 v1  }
0x182: {  	s11 =	sadd.s32 $0x1, s11;
	v1 =	vld @!p2 [tilespmem:s12+$0xF0]  }
0x183: {  	p3 =	sne.s32 s11, s15  }
.Ltmp3:
0x184: {  	_ = 	snop;
	(pc) =	sbr.rel @p3 .LBB2_6-.Ltmp3, $3  }
0x185: {  	_ =	sdelay $0x1  }
0x186: {  	v1 =	vadd.s32 @!p2 $0xFFFE7960, v1  }
0x187: {  	s10 =	sadd.s32 $0x1, s10;
	p1 =	por !p1, !p1;
	[tilespmem:s13+$0x470] =	vst @!p2 v1  }
0x188: {  	_ =	swait.ge [sflag:s9], $0x800  }
0x189: {  	[sflag:s9] =	ssyncset.done $0x0  }
0x18a: {  	[sflag:s9] =	ssyncadd.s32 $0xFFFFF800  }
0x18b: {  	s10 =	stileid.u32;
	[bflag:$0x0] =	sbarrier.arrive $0xFFFF  }
0x18c: {  	s10 =	sshll.u32 s10, $0x6;
	s11 =	rddreg [dreg:$0x6]  }
0x18d: {  	s10 =	sor.u32 $0x1C07, s10;
	s12 =	rddreg [dreg:$0x12]  }
0x18e: {  	[hbm:s11], [sflag:s10] =	dma.local [spmem:s12], $0x7D0  }
0x18f: {  	_ =	swait.ge [sflag:s2], $0x7D0  }
0x190: {  	[sflag:s2] =	ssyncset.done $0x0  }
0x191: {  	s18 =	rddreg [dreg:$0x7];
	[sflag:s2] =	ssyncadd.s32 $0xFFFFF830  }
0x192: {  	[hbm:s18], [sflag:s10] =	dma.local [spmem:s25], $0x7D0  }
0x193: {  	_ =	swait.ge [sflag:s2], $0x7D0  }
0x194: {  	[sflag:s2] =	ssyncset.done $0x0  }
0x195: {  	s19 =	rddreg [dreg:$0x8];
	[sflag:s2] =	ssyncadd.s32 $0xFFFFF830  }
0x196: {  	[hbm:s19], [sflag:s10] =	dma.local [spmem:s26], $0x7D0  }
0x197: {  	_ =	swait.ge [sflag:s2], $0x7D0  }
0x198: {  	[sflag:s2] =	ssyncset.done $0x0  }
0x199: {  	s20 =	rddreg [dreg:$0x9];
	[sflag:s2] =	ssyncadd.s32 $0xFFFFF830  }
0x19a: {  	[hbm:s20], [sflag:s10] =	dma.local [spmem:s28], $0x7D0  }
0x19b: {  	_ =	swait.ge [sflag:s2], $0x7D0  }
0x19c: {  	[sflag:s2] =	ssyncset.done $0x0  }
0x19d: {  	s21 =	rddreg [dreg:$0xa];
	[sflag:s2] =	ssyncadd.s32 $0xFFFFF830  }
0x19e: {  	[hbm:s21], [sflag:s10] =	dma.local [spmem:s29], $0x7D0  }
0x19f: {  	_ =	swait.ge [sflag:s2], $0x7D0  }
0x1a0: {  	[sflag:s2] =	ssyncset.done $0x0  }
0x1a1: {  	s22 =	rddreg [dreg:$0xb];
	[sflag:s2] =	ssyncadd.s32 $0xFFFFF830  }
0x1a2: {  	[hbm:s22], [sflag:s10] =	dma.local [spmem:s30], $0x7D0  }
0x1a3: {  	_ =	swait.ge [sflag:s2], $0x7D0  }
0x1a4: {  	[sflag:s2] =	ssyncset.done $0x0  }
0x1a5: {  	s11 =	rddreg [dreg:$0xc];
	[sflag:s2] =	ssyncadd.s32 $0xFFFFF830  }
0x1a6: {  	[hbm:s11], [sflag:s10] =	dma.local @!p0 [spmem:s31], $0x7D0  }
0x1a7: {  	s10 =	simm.s32 @!p0 $0x7  }
0x1a8: {  	_ =	swait.ge @!p0 [sflag:s10], $0x7D0  }
0x1a9: {  	s6 =	sadd.s32 $0x1, s6;
	s24 =	rddreg [dreg:$0x11]  }
0x1aa: {  	p1 =	sne.s32 s6, s24  }
.Ltmp4:
0x1ab: {  	_ = 	snop;
	(pc) =	sbr.rel @p1 .LBB2_1-.Ltmp4, $3  }
0x1ac: {  	_ =	sdelay $0x1  }
0x1ad: {  	[sflag:s10] =	ssyncset.done @!p0 $0x0  }
0x1ae: {  	[sflag:s10] =	ssyncadd.s32 @!p0 $0xFFFFF830  }
0x1af: {  	_ =	sfence.sel $0x180000  }
0x1b0: {  	[bflag:$0x0] =	sbarrier.arrive $0xFFFF  }
0x1b1: {  	_ =	strace $0x90000047  }
0x1b2: {  	s0 =	stileid.u32;
	[bflag:$0x2] =	sbarrier.arrive $0xFFFF  }
0x1b3: {  	p0 =	sne.s32 s0, $0x0;
	s0 =	rddreg [dreg:$0x5]  }
0x1b4: {  	s0 =	sadd.s32 @!p0 $0x100000, s0  }
0x1b5: {  	[sflag:s0] =	ssyncadd.tile.s32 @!p0 $0x1;
	_ =	shalt  }
.Lfunc_end2:
_tile_overlayer_lowered:
.L_overlay_start_2:
0x1b6: {  	(tag) =	ssettag $0x2  }
0x1b7: {  	s0 =	rddreg [dreg:$0x0];
	s2 =	stileid.u32  }
0x1b8: {  	s1 =	rddreg [dreg:$0x1];
	p0 =	sne.s32 s2, $0x0  }
0x1b9: {  	s3 =	rddreg [dreg:$0x2];
	[bflag:$0x3] =	sbarrier.arrive $0xFFFF;
	s2 =	simm.s32 @!p0 $0x1C07  }
0x1ba: {  	[timem:s3], [sflag:s2] =	dma.local @!p0 [hbm:s0], s1  }
0x1bb: {  	s0 =	simm.s32 @!p0 $0x7  }
0x1bc: {  	_ =	swait.ge @!p0 [sflag:s0], s1  }
0x1bd: {  	s1 =	ssub.s32 @!p0 $0x0, s1;
	[sflag:s0] =	ssyncset.done @!p0 $0x0  }
0x1be: {  	[sflag:s0] =	ssyncadd.s32 @!p0 s1  }
0x1bf: {  	[bflag:$0x3] =	sbarrier.arrive $0xFFFF  }
0x1c0: {  	_ =	shalt  }

</sc_bundles>
